<compile_context>
chip_gen: v7x
topology: tpu7x:2x2x1
jax: 0.10.2.dev20260603
libtpu: 0.0.44.dev20260713+nightly
codegen_flags: <defaults>
</compile_context>

<pallas_src>
import jax
import jax.numpy as jnp
from jax.experimental import pallas as pl

N = 10000
E = 160000
D = 256
NE = 8
RB = 1000

_INTERP = False


def _gate_body(x_ref, wg_ref, bg_ref, p_ref, oh0_ref, oh1_ref, ep_ref):
    logits = jnp.dot(x_ref[...], wg_ref[...],
                     preferred_element_type=jnp.float32) + bg_ref[...]
    m = jnp.max(logits, axis=1, keepdims=True)
    ex = jnp.exp(logits - m)
    p = ex / jnp.sum(ex, axis=1, keepdims=True)
    iota = jax.lax.broadcasted_iota(jnp.int32, p.shape, 1)
    m0 = jnp.max(p, axis=1, keepdims=True)
    i0 = jnp.min(jnp.where(p == m0, iota, NE + 1), axis=1, keepdims=True)
    oh0 = (iota == i0).astype(jnp.float32)
    p1 = jnp.where(iota == i0, -1.0, p)
    m1 = jnp.max(p1, axis=1, keepdims=True)
    i1 = jnp.min(jnp.where(p1 == m1, iota, NE + 1), axis=1, keepdims=True)
    oh1 = (iota == i1).astype(jnp.float32)
    p_ref[...] = p
    oh0_ref[...] = oh0
    oh1_ref[...] = oh1
    ep_ref[...] = jnp.where(iota == 0, i0, jnp.where(iota == 1, i1, 0))


def _gate(x, Wg, bg):
    nb = N // RB
    return pl.pallas_call(
        _gate_body,
        grid=(nb,),
        in_specs=[
            pl.BlockSpec((RB, D), lambda r: (r, 0)),
            pl.BlockSpec((D, NE), lambda r: (0, 0)),
            pl.BlockSpec((NE,), lambda r: (0,)),
        ],
        out_specs=[
            pl.BlockSpec((RB, NE), lambda r: (r, 0)),
            pl.BlockSpec((RB, NE), lambda r: (r, 0)),
            pl.BlockSpec((RB, NE), lambda r: (r, 0)),
            pl.BlockSpec((RB, NE), lambda r: (r, 0)),
        ],
        out_shape=[
            jax.ShapeDtypeStruct((N, NE), jnp.float32),
            jax.ShapeDtypeStruct((N, NE), jnp.float32),
            jax.ShapeDtypeStruct((N, NE), jnp.float32),
            jax.ShapeDtypeStruct((N, NE), jnp.int32),
        ],
        interpret=_INTERP,
    )(x, Wg, bg)


def _expert_body(xcat_ref, w1_ref, b1_ref, wl2_ref, wr2_ref, oh0_ref, oh1_ref,
                 h1w_ref, h1r0_ref, h1r1_ref):
    e = pl.program_id(1)
    h1 = jnp.dot(xcat_ref[...], w1_ref[0],
                 preferred_element_type=jnp.float32) + b1_ref[0]
    h1 = jnp.maximum(h1, 0.0)
    h1w_ref[0] = jnp.dot(h1, wl2_ref[0], preferred_element_type=jnp.float32)
    hr = jnp.dot(h1, wr2_ref[0], preferred_element_type=jnp.float32)
    iota = jax.lax.broadcasted_iota(jnp.int32, oh0_ref.shape, 1)
    sel = (iota == e).astype(jnp.float32)
    m0 = jnp.sum(oh0_ref[...] * sel, axis=1, keepdims=True)
    m1 = jnp.sum(oh1_ref[...] * sel, axis=1, keepdims=True)

    @pl.when(e == 0)
    def _():
        h1r0_ref[...] = m0 * hr
        h1r1_ref[...] = m1 * hr

    @pl.when(e > 0)
    def _():
        h1r0_ref[...] += m0 * hr
        h1r1_ref[...] += m1 * hr


def _expert_mats(xcat, W1cat, bl1, Wl2, Wr2, oh0, oh1):
    nb = N // RB
    return pl.pallas_call(
        _expert_body,
        grid=(nb, NE),
        in_specs=[
            pl.BlockSpec((RB, 2 * D), lambda r, e: (r, 0)),
            pl.BlockSpec((1, 2 * D, D), lambda r, e: (e, 0, 0)),
            pl.BlockSpec((1, 1, D), lambda r, e: (e, 0, 0)),
            pl.BlockSpec((1, D, D), lambda r, e: (e, 0, 0)),
            pl.BlockSpec((1, D, D), lambda r, e: (e, 0, 0)),
            pl.BlockSpec((RB, NE), lambda r, e: (r, 0)),
            pl.BlockSpec((RB, NE), lambda r, e: (r, 0)),
        ],
        out_specs=[
            pl.BlockSpec((1, RB, D), lambda r, e: (e, r, 0)),
            pl.BlockSpec((RB, D), lambda r, e: (r, 0)),
            pl.BlockSpec((RB, D), lambda r, e: (r, 0)),
        ],
        out_shape=[
            jax.ShapeDtypeStruct((NE, N, D), jnp.float32),
            jax.ShapeDtypeStruct((N, D), jnp.float32),
            jax.ShapeDtypeStruct((N, D), jnp.float32),
        ],
        interpret=_INTERP,
    )(xcat, W1cat, bl1, Wl2, Wr2, oh0, oh1)


def _combine_body(a0_ref, a1_ref, rdeg_ref, p_ref, oh0_ref, oh1_ref, bl2_ref,
                  h1r0_ref, h1r1_ref, out_ref):
    rdeg = rdeg_ref[...]
    w0 = jnp.sum(p_ref[...] * oh0_ref[...], axis=1, keepdims=True)
    w1 = jnp.sum(p_ref[...] * oh1_ref[...], axis=1, keepdims=True)
    b0 = jnp.dot(oh0_ref[...], bl2_ref[...], preferred_element_type=jnp.float32)
    b1 = jnp.dot(oh1_ref[...], bl2_ref[...], preferred_element_type=jnp.float32)
    o0 = jnp.maximum(a0_ref[...] * rdeg + b0 + h1r0_ref[...], 0.0)
    o1 = jnp.maximum(a1_ref[...] * rdeg + b1 + h1r1_ref[...], 0.0)
    out_ref[...] = w0 * o0 + w1 * o1


def _combine(a0, a1, rdeg, p, oh0, oh1, bl2, h1r0, h1r1):
    nb = N // RB
    return pl.pallas_call(
        _combine_body,
        grid=(nb,),
        in_specs=[
            pl.BlockSpec((RB, D), lambda r: (r, 0)),
            pl.BlockSpec((RB, D), lambda r: (r, 0)),
            pl.BlockSpec((RB, 1), lambda r: (r, 0)),
            pl.BlockSpec((RB, NE), lambda r: (r, 0)),
            pl.BlockSpec((RB, NE), lambda r: (r, 0)),
            pl.BlockSpec((RB, NE), lambda r: (r, 0)),
            pl.BlockSpec((NE, D), lambda r: (0, 0)),
            pl.BlockSpec((RB, D), lambda r: (r, 0)),
            pl.BlockSpec((RB, D), lambda r: (r, 0)),
        ],
        out_specs=pl.BlockSpec((RB, D), lambda r: (r, 0)),
        out_shape=jax.ShapeDtypeStruct((N, D), jnp.float32),
        interpret=_INTERP,
    )(a0, a1, rdeg, p, oh0, oh1, bl2, h1r0, h1r1)


def kernel(x, edge_index, Wg, bg, Wl1, bl1, Wr1, Wl2, bl2, Wr2):
    src = edge_index[0]
    dst = edge_index[1]

    p, oh0, oh1, ep = _gate(x, Wg, bg)

    ones = jnp.ones((E,), jnp.float32)
    deg = jax.ops.segment_sum(ones, dst, num_segments=N)
    aggx = jax.ops.segment_sum(jnp.take(x, src, axis=0), dst, num_segments=N)
    rdeg = (1.0 / jnp.maximum(deg, 1.0))[:, None]
    meanx = aggx * rdeg

    xcat = jnp.concatenate([meanx, x], axis=1)
    W1cat = jnp.concatenate([Wl1, Wr1], axis=1)
    h1w, h1r0, h1r1 = _expert_mats(xcat, W1cat, bl1[:, None, :], Wl2, Wr2,
                                   oh0, oh1)

    h1w_flat = h1w.reshape(NE * N, D)
    eb = jnp.take(ep[:, :2] * N, dst, axis=0)
    gg = jnp.concatenate([eb[:, 0] + src, eb[:, 1] + src])
    segid = jnp.concatenate([dst, dst + N])
    y = jax.ops.segment_sum(jnp.take(h1w_flat, gg, axis=0), segid,
                            num_segments=2 * N)
    a0 = y[:N]
    a1 = y[N:]

    return _combine(a0, a1, rdeg, p, oh0, oh1, bl2, h1r0, h1r1)

# --- scband reference (transcript-rebuilt; emitter-appended) ---
"""Pipeline reference for scband-moe-84061099917776 (READ-ONLY COPY).

The authoritative reference and input builder live on the scoring server;
editing this copy changes nothing except your own understanding.
"""

import jax, jax.numpy as jnp
import numpy as np

N = 10000
E_EDGES = 160000
D_IN = 256
D_HID = 256
D_OUT = 256
NUM_EXPERTS = 8
TOP_K = 2


def setup_inputs(seed: int = 0) -> dict:
    key = jax.random.key(seed)
    ks = jax.random.split(key, 12)
    x = jax.random.normal(ks[0], (N, D_IN), dtype=jnp.float32)
    edge_index = jax.random.randint(ks[1], (2, E_EDGES), 0, N, dtype=jnp.int32)
    s1 = 1.0 / np.sqrt(D_IN)
    s2 = 1.0 / np.sqrt(D_HID)
    Wg = jax.random.normal(ks[2], (D_IN, NUM_EXPERTS), dtype=jnp.float32) * s1
    bg = jnp.zeros((NUM_EXPERTS,), dtype=jnp.float32)
    Wl1 = jax.random.normal(ks[3], (NUM_EXPERTS, D_IN, D_HID), dtype=jnp.float32) * s1
    bl1 = jnp.zeros((NUM_EXPERTS, D_HID), dtype=jnp.float32)
    Wr1 = jax.random.normal(ks[4], (NUM_EXPERTS, D_IN, D_HID), dtype=jnp.float32) * s1
    Wl2 = jax.random.normal(ks[5], (NUM_EXPERTS, D_HID, D_OUT), dtype=jnp.float32) * s2
    bl2 = jnp.zeros((NUM_EXPERTS, D_OUT), dtype=jnp.float32)
    Wr2 = jax.random.normal(ks[6], (NUM_EXPERTS, D_HID, D_OUT), dtype=jnp.float32) * s2
    return {"x": x, "edge_index": edge_index, "Wg": Wg, "bg": bg,
            "Wl1": Wl1, "bl1": bl1, "Wr1": Wr1,
            "Wl2": Wl2, "bl2": bl2, "Wr2": Wr2}


def _sage_conv(h, edge_index, Wl, bl, Wr):
    # PyG SAGEConv with mean aggregation: out = lin_l(mean_{j->i} h_j) + lin_r(h_i)
    src = edge_index[0]
    dst = edge_index[1]
    msg = jnp.take(h, src, axis=0)
    agg = jax.ops.segment_sum(msg, dst, num_segments=N)
    deg = jax.ops.segment_sum(jnp.ones((edge_index.shape[1],), dtype=h.dtype), dst, num_segments=N)
    mean = agg / jnp.maximum(deg, 1.0)[:, None]
    return mean @ Wl + bl + h @ Wr


def _expert(x, edge_index, Wl1, bl1, Wr1, Wl2, bl2, Wr2):
    # SAGE_Encoder, layer_num=2, norm='id' (identity), relu, dropout in eval (identity), last_activation=True
    h = _sage_conv(x, edge_index, Wl1, bl1, Wr1)
    h = jax.nn.relu(h)
    h = _sage_conv(h, edge_index, Wl2, bl2, Wr2)
    h = jax.nn.relu(h)
    return h


def reference(x, edge_index, Wg, bg, Wl1, bl1, Wr1, Wl2, bl2, Wr2):
    # Gating network: softmax over experts
    gate_weights = jax.nn.softmax(x @ Wg + bg, axis=-1)  # [N, E]
    top_k_values, top_k_indices = jax.lax.top_k(gate_weights, TOP_K)  # [N, K]
    # Run all experts (as in the torch code)
    expert_outs = []
    for e in range(NUM_EXPERTS):
        expert_outs.append(_expert(x, edge_index, Wl1[e], bl1[e], Wr1[e], Wl2[e], bl2[e], Wr2[e]))
    expert_outputs = jnp.stack(expert_outs, axis=1)  # [N, E, D_OUT]
    # Gather top-k expert outputs per node and combine with gate weights
    gathered = jnp.take_along_axis(expert_outputs, top_k_indices[:, :, None], axis=1)  # [N, K, D_OUT]
    output = jnp.sum(gathered * top_k_values[:, :, None], axis=1)  # [N, D_OUT]
    return output

if __name__ == "__main__":
    import jax
    _d = setup_inputs()
    print(jax.jit(kernel)(*tuple(_d.values())))

</pallas_src>

<mosaic_0001>
module attributes {stable_mosaic.version = 14 : i64} {
  func.func @_gate_body(%arg0: i32, %arg1: memref<1000x256xf32, #tpu.memory_space<vmem>>, %arg2: memref<256x8xf32, #tpu.memory_space<vmem>>, %arg3: memref<8xf32, #tpu.memory_space<vmem>>, %arg4: memref<1000x8xf32, #tpu.memory_space<vmem>>, %arg5: memref<1000x8xf32, #tpu.memory_space<vmem>>, %arg6: memref<1000x8xf32, #tpu.memory_space<vmem>>, %arg7: memref<1000x8xi32, #tpu.memory_space<vmem>>) attributes {dimension_semantics = [#tpu.dimension_semantics<arbitrary>], iteration_bounds = array<i64: 10>, scalar_prefetch = 0 : i64, scratch_operands = 0 : i64, tpu.core_type = #tpu.core_type<tc>, window_params = [{transform_indices = @transform_0, window_bounds = array<i64: 1000, 256>}, {pipeline_mode = #tpu.pipeline_mode<synchronous>, transform_indices = @transform_1, window_bounds = array<i64: 256, 8>}, {pipeline_mode = #tpu.pipeline_mode<synchronous>, transform_indices = @transform_2, window_bounds = array<i64: 8>}, {transform_indices = @transform_3, window_bounds = array<i64: 1000, 8>}, {transform_indices = @transform_4, window_bounds = array<i64: 1000, 8>}, {transform_indices = @transform_5, window_bounds = array<i64: 1000, 8>}, {transform_indices = @transform_6, window_bounds = array<i64: 1000, 8>}]} {
    %get3A = arith.constant 0 : index
    %get3A_0 = arith.constant 0 : index
    %get3A_1 = vector.load %arg1[%get3A, %get3A_0] : memref<1000x256xf32, #tpu.memory_space<vmem>>, vector<1000x256xf32>
    %get3A_2 = arith.constant 0 : index
    %get3A_3 = arith.constant 0 : index
    %get3A_4 = vector.load %arg2[%get3A_2, %get3A_3] : memref<256x8xf32, #tpu.memory_space<vmem>>, vector<256x8xf32>
    %dot_general3A = arith.constant dense<0.000000e+00> : vector<1000x8xf32>
    %dot_general3A_5 = tpu.matmul %get3A_1, %get3A_4, %dot_general3A {dimension_numbers = #tpu.dot_dimension_numbers<[1], [0], [0], [1], [0, 0, 1, 1], [], []>, transpose_lhs_hint = false} : vector<1000x256xf32>, vector<256x8xf32>, vector<1000x8xf32> -> vector<1000x8xf32>
    %get3A_6 = arith.constant 0 : index
    %get3A_7 = vector.load %arg3[%get3A_6] : memref<8xf32, #tpu.memory_space<vmem>>, vector<8xf32>
    %broadcast_in_dim3A = vector.shape_cast %get3A_7 : vector<8xf32> to vector<1x8xf32>
    %add3A = vector.broadcast %broadcast_in_dim3A : vector<1x8xf32> to vector<1000x8xf32>
    %add3A_8 = arith.addf %dot_general3A_5, %add3A : vector<1000x8xf32>
    %reduce_max3A = arith.constant dense<0xFF800000> : vector<1000xf32>
    %reduce_max3A_9 = vector.multi_reduction <maximumf>, %add3A_8, %reduce_max3A [1] : vector<1000x8xf32> to vector<1000xf32>
    %broadcast_in_dim3A_10 = vector.shape_cast %reduce_max3A_9 : vector<1000xf32> to vector<1000x1xf32>
    %sub3A = vector.broadcast %broadcast_in_dim3A_10 : vector<1000x1xf32> to vector<1000x8xf32>
    %sub3A_11 = arith.subf %add3A_8, %sub3A : vector<1000x8xf32>
    %exp3A = math.exp %sub3A_11 : vector<1000x8xf32>
    %reduce_sum3A = arith.constant dense<0.000000e+00> : vector<1000xf32>
    %reduce_sum3A_12 = vector.multi_reduction <add>, %exp3A, %reduce_sum3A [1] : vector<1000x8xf32> to vector<1000xf32>
    %broadcast_in_dim3A_13 = vector.shape_cast %reduce_sum3A_12 : vector<1000xf32> to vector<1000x1xf32>
    %div3A = vector.broadcast %broadcast_in_dim3A_13 : vector<1000x1xf32> to vector<1000x8xf32>
    %div3A_14 = arith.divf %exp3A, %div3A : vector<1000x8xf32>
    %iota3A = tpu.iota {dimensions = array<i32: 1>} : vector<1000x8xi32>
    %reduce_max3A_15 = arith.constant dense<0xFF800000> : vector<1000xf32>
    %reduce_max3A_16 = vector.multi_reduction <maximumf>, %div3A_14, %reduce_max3A_15 [1] : vector<1000x8xf32> to vector<1000xf32>
    %broadcast_in_dim3A_17 = vector.shape_cast %reduce_max3A_16 : vector<1000xf32> to vector<1000x1xf32>
    %eq3A = vector.broadcast %broadcast_in_dim3A_17 : vector<1000x1xf32> to vector<1000x8xf32>
    %eq3A_18 = arith.cmpf oeq, %div3A_14, %eq3A : vector<1000x8xf32>
    %jit3A = arith.constant 9 : i32
    %broadcast_in_dim3A_19 = vector.broadcast %jit3A : i32 to vector<1000x8xi32>
    %select_n3A = arith.select %eq3A_18, %iota3A, %broadcast_in_dim3A_19 : vector<1000x8xi1>, vector<1000x8xi32>
    %reduce_min3A = arith.constant dense<2147483647> : vector<1000xi32>
    %reduce_min3A_20 = vector.multi_reduction <minsi>, %select_n3A, %reduce_min3A [1] : vector<1000x8xi32> to vector<1000xi32>
    %broadcast_in_dim3A_21 = vector.shape_cast %reduce_min3A_20 : vector<1000xi32> to vector<1000x1xi32>
    %eq3A_22 = vector.broadcast %broadcast_in_dim3A_21 : vector<1000x1xi32> to vector<1000x8xi32>
    %eq3A_23 = arith.cmpi eq, %iota3A, %eq3A_22 : vector<1000x8xi32>
    %convert_element_type3A = arith.extui %eq3A_23 : vector<1000x8xi1> to vector<1000x8xi32>
    %convert_element_type3A_24 = arith.sitofp %convert_element_type3A : vector<1000x8xi32> to vector<1000x8xf32>
    %eq3A_25 = vector.broadcast %broadcast_in_dim3A_21 : vector<1000x1xi32> to vector<1000x8xi32>
    %eq3A_26 = arith.cmpi eq, %iota3A, %eq3A_25 : vector<1000x8xi32>
    %jit3A_27 = arith.constant -1.000000e+00 : f32
    %broadcast_in_dim3A_28 = vector.broadcast %jit3A_27 : f32 to vector<1000x8xf32>
    %select_n3A_29 = arith.select %eq3A_26, %broadcast_in_dim3A_28, %div3A_14 : vector<1000x8xi1>, vector<1000x8xf32>
    %reduce_max3A_30 = arith.constant dense<0xFF800000> : vector<1000xf32>
    %reduce_max3A_31 = vector.multi_reduction <maximumf>, %select_n3A_29, %reduce_max3A_30 [1] : vector<1000x8xf32> to vector<1000xf32>
    %broadcast_in_dim3A_32 = vector.shape_cast %reduce_max3A_31 : vector<1000xf32> to vector<1000x1xf32>
    %eq3A_33 = vector.broadcast %broadcast_in_dim3A_32 : vector<1000x1xf32> to vector<1000x8xf32>
    %eq3A_34 = arith.cmpf oeq, %select_n3A_29, %eq3A_33 : vector<1000x8xf32>
    %jit3A_35 = arith.constant 9 : i32
    %broadcast_in_dim3A_36 = vector.broadcast %jit3A_35 : i32 to vector<1000x8xi32>
    %select_n3A_37 = arith.select %eq3A_34, %iota3A, %broadcast_in_dim3A_36 : vector<1000x8xi1>, vector<1000x8xi32>
    %reduce_min3A_38 = arith.constant dense<2147483647> : vector<1000xi32>
    %reduce_min3A_39 = vector.multi_reduction <minsi>, %select_n3A_37, %reduce_min3A_38 [1] : vector<1000x8xi32> to vector<1000xi32>
    %broadcast_in_dim3A_40 = vector.shape_cast %reduce_min3A_39 : vector<1000xi32> to vector<1000x1xi32>
    %eq3A_41 = vector.broadcast %broadcast_in_dim3A_40 : vector<1000x1xi32> to vector<1000x8xi32>
    %eq3A_42 = arith.cmpi eq, %iota3A, %eq3A_41 : vector<1000x8xi32>
    %convert_element_type3A_43 = arith.extui %eq3A_42 : vector<1000x8xi1> to vector<1000x8xi32>
    %convert_element_type3A_44 = arith.sitofp %convert_element_type3A_43 : vector<1000x8xi32> to vector<1000x8xf32>
    %swap3A = arith.constant 0 : index
    %swap3A_45 = arith.constant 0 : index
    %swap3A_46 = vector.load %arg4[%swap3A, %swap3A_45] : memref<1000x8xf32, #tpu.memory_space<vmem>>, vector<1000x8xf32>
    tpu.vector_store %arg4[%swap3A, %swap3A_45], %div3A_14 {strides = array<i32>} : memref<1000x8xf32, #tpu.memory_space<vmem>>, vector<1000x8xf32>,
    %swap3A_47 = arith.constant 0 : index
    %swap3A_48 = arith.constant 0 : index
    %swap3A_49 = vector.load %arg5[%swap3A_47, %swap3A_48] : memref<1000x8xf32, #tpu.memory_space<vmem>>, vector<1000x8xf32>
    tpu.vector_store %arg5[%swap3A_47, %swap3A_48], %convert_element_type3A_24 {strides = array<i32>} : memref<1000x8xf32, #tpu.memory_space<vmem>>, vector<1000x8xf32>,
    %swap3A_50 = arith.constant 0 : index
    %swap3A_51 = arith.constant 0 : index
    %swap3A_52 = vector.load %arg6[%swap3A_50, %swap3A_51] : memref<1000x8xf32, #tpu.memory_space<vmem>>, vector<1000x8xf32>
    tpu.vector_store %arg6[%swap3A_50, %swap3A_51], %convert_element_type3A_44 {strides = array<i32>} : memref<1000x8xf32, #tpu.memory_space<vmem>>, vector<1000x8xf32>,
    %eq3A_53 = arith.constant 0 : i32
    %eq3A_54 = vector.broadcast %eq3A_53 : i32 to vector<1000x8xi32>
    %eq3A_55 = arith.cmpi eq, %iota3A, %eq3A_54 : vector<1000x8xi32>
    %eq3A_56 = arith.constant 1 : i32
    %eq3A_57 = vector.broadcast %eq3A_56 : i32 to vector<1000x8xi32>
    %eq3A_58 = arith.cmpi eq, %iota3A, %eq3A_57 : vector<1000x8xi32>
    %jit3A_59 = arith.constant 0 : i32
    %broadcast_in_dim3A_60 = vector.shape_cast %broadcast_in_dim3A_40 : vector<1000x1xi32> to vector<1000x1xi32>
    %broadcast_in_dim3A_61 = vector.broadcast %broadcast_in_dim3A_60 : vector<1000x1xi32> to vector<1000x8xi32>
    %broadcast_in_dim3A_62 = vector.broadcast %jit3A_59 : i32 to vector<1000x8xi32>
    %select_n3A_63 = arith.select %eq3A_58, %broadcast_in_dim3A_61, %broadcast_in_dim3A_62 : vector<1000x8xi1>, vector<1000x8xi32>
    %broadcast_in_dim3A_64 = vector.shape_cast %broadcast_in_dim3A_21 : vector<1000x1xi32> to vector<1000x1xi32>
    %broadcast_in_dim3A_65 = vector.broadcast %broadcast_in_dim3A_64 : vector<1000x1xi32> to vector<1000x8xi32>
    %select_n3A_66 = arith.select %eq3A_55, %broadcast_in_dim3A_65, %select_n3A_63 : vector<1000x8xi1>, vector<1000x8xi32>
    %swap3A_67 = arith.constant 0 : index
    %swap3A_68 = arith.constant 0 : index
    %swap3A_69 = vector.load %arg7[%swap3A_67, %swap3A_68] : memref<1000x8xi32, #tpu.memory_space<vmem>>, vector<1000x8xi32>
    tpu.vector_store %arg7[%swap3A_67, %swap3A_68], %select_n3A_66 {strides = array<i32>} : memref<1000x8xi32, #tpu.memory_space<vmem>>, vector<1000x8xi32>,
    return
  }
  func.func @transform_0(%arg0: i32) -> (i32, i32) {
    %c0_i32 = arith.constant 0 : i32
    %c0_i32_0 = arith.constant 0 : i32
    return %arg0, %c0_i32 : i32, i32
  }
  func.func @transform_1(%arg0: i32) -> (i32, i32) {
    %c0_i32 = arith.constant 0 : i32
    %c0_i32_0 = arith.constant 0 : i32
    %c0_i32_1 = arith.constant 0 : i32
    return %c0_i32, %c0_i32_0 : i32, i32
  }
  func.func @transform_2(%arg0: i32) -> i32 {
    %c0_i32 = arith.constant 0 : i32
    %c0_i32_0 = arith.constant 0 : i32
    return %c0_i32 : i32
  }
  func.func @transform_3(%arg0: i32) -> (i32, i32) {
    %c0_i32 = arith.constant 0 : i32
    %c0_i32_0 = arith.constant 0 : i32
    return %arg0, %c0_i32 : i32, i32
  }
  func.func @transform_4(%arg0: i32) -> (i32, i32) {
    %c0_i32 = arith.constant 0 : i32
    %c0_i32_0 = arith.constant 0 : i32
    return %arg0, %c0_i32 : i32, i32
  }
  func.func @transform_5(%arg0: i32) -> (i32, i32) {
    %c0_i32 = arith.constant 0 : i32
    %c0_i32_0 = arith.constant 0 : i32
    return %arg0, %c0_i32 : i32, i32
  }
  func.func @transform_6(%arg0: i32) -> (i32, i32) {
    %c0_i32 = arith.constant 0 : i32
    %c0_i32_0 = arith.constant 0 : i32
    return %arg0, %c0_i32 : i32, i32
  }
}

module attributes {stable_mosaic.version = 14 : i64} {
  func.func @_expert_body(%arg0: i32, %arg1: i32, %arg2: memref<1000x512xf32, #tpu.memory_space<vmem>>, %arg3: memref<1x512x256xf32, #tpu.memory_space<vmem>>, %arg4: memref<1x1x256xf32, #tpu.memory_space<vmem>>, %arg5: memref<1x256x256xf32, #tpu.memory_space<vmem>>, %arg6: memref<1x256x256xf32, #tpu.memory_space<vmem>>, %arg7: memref<1000x8xf32, #tpu.memory_space<vmem>>, %arg8: memref<1000x8xf32, #tpu.memory_space<vmem>>, %arg9: memref<1x1000x256xf32, #tpu.memory_space<vmem>>, %arg10: memref<1000x256xf32, #tpu.memory_space<vmem>>, %arg11: memref<1000x256xf32, #tpu.memory_space<vmem>>) attributes {dimension_semantics = [#tpu.dimension_semantics<arbitrary>, #tpu.dimension_semantics<arbitrary>], iteration_bounds = array<i64: 10, 8>, scalar_prefetch = 0 : i64, scratch_operands = 0 : i64, tpu.core_type = #tpu.core_type<tc>, window_params = [{transform_indices = @transform_0, window_bounds = array<i64: 1000, 512>}, {transform_indices = @transform_1, window_bounds = array<i64: 1, 512, 256>}, {transform_indices = @transform_2, window_bounds = array<i64: 1, 1, 256>}, {transform_indices = @transform_3, window_bounds = array<i64: 1, 256, 256>}, {transform_indices = @transform_4, window_bounds = array<i64: 1, 256, 256>}, {transform_indices = @transform_5, window_bounds = array<i64: 1000, 8>}, {transform_indices = @transform_6, window_bounds = array<i64: 1000, 8>}, {transform_indices = @transform_7, window_bounds = array<i64: 1, 1000, 256>}, {transform_indices = @transform_8, window_bounds = array<i64: 1000, 256>}, {transform_indices = @transform_9, window_bounds = array<i64: 1000, 256>}]} {
    %get3A = arith.constant 0 : index
    %get3A_0 = arith.constant 0 : index
    %get3A_1 = vector.load %arg2[%get3A, %get3A_0] : memref<1000x512xf32, #tpu.memory_space<vmem>>, vector<1000x512xf32>
    %get3A_2 = arith.constant 0 : index
    %get3A_3 = arith.constant 0 : index
    %get3A_4 = arith.constant 0 : index
    %get3A_5 = vector.load %arg3[%get3A_2, %get3A_3, %get3A_4] : memref<1x512x256xf32, #tpu.memory_space<vmem>>, vector<1x512x256xf32>
    %get3A_6 = vector.shape_cast %get3A_5 : vector<1x512x256xf32> to vector<512x256xf32>
    %dot_general3A = arith.constant dense<0.000000e+00> : vector<1000x256xf32>
    %dot_general3A_7 = tpu.matmul %get3A_1, %get3A_6, %dot_general3A {dimension_numbers = #tpu.dot_dimension_numbers<[1], [0], [0], [1], [0, 0, 1, 1], [], []>, transpose_lhs_hint = false} : vector<1000x512xf32>, vector<512x256xf32>, vector<1000x256xf32> -> vector<1000x256xf32>
    %get3A_8 = arith.constant 0 : index
    %get3A_9 = arith.constant 0 : index
    %get3A_10 = arith.constant 0 : index
    %get3A_11 = vector.load %arg4[%get3A_8, %get3A_9, %get3A_10] : memref<1x1x256xf32, #tpu.memory_space<vmem>>, vector<1x1x256xf32>
    %get3A_12 = vector.shape_cast %get3A_11 : vector<1x1x256xf32> to vector<1x256xf32>
    %add3A = vector.broadcast %get3A_12 : vector<1x256xf32> to vector<1000x256xf32>
    %add3A_13 = arith.addf %dot_general3A_7, %add3A : vector<1000x256xf32>
    %max3A = arith.constant 0.000000e+00 : f32
    %max3A_14 = vector.broadcast %max3A : f32 to vector<1000x256xf32>
    %max3A_15 = arith.maximumf %add3A_13, %max3A_14 : vector<1000x256xf32>
    %get3A_16 = arith.constant 0 : index
    %get3A_17 = arith.constant 0 : index
    %get3A_18 = arith.constant 0 : index
    %get3A_19 = vector.load %arg5[%get3A_16, %get3A_17, %get3A_18] : memref<1x256x256xf32, #tpu.memory_space<vmem>>, vector<1x256x256xf32>
    %get3A_20 = vector.shape_cast %get3A_19 : vector<1x256x256xf32> to vector<256x256xf32>
    %dot_general3A_21 = arith.constant dense<0.000000e+00> : vector<1000x256xf32>
    %dot_general3A_22 = tpu.matmul %max3A_15, %get3A_20, %dot_general3A_21 {dimension_numbers = #tpu.dot_dimension_numbers<[1], [0], [0], [1], [0, 0, 1, 1], [], []>, transpose_lhs_hint = false} : vector<1000x256xf32>, vector<256x256xf32>, vector<1000x256xf32> -> vector<1000x256xf32>
    %swap3A = arith.constant 0 : index
    %swap3A_23 = arith.constant 0 : index
    %swap3A_24 = arith.constant 0 : index
    %swap3A_25 = vector.load %arg9[%swap3A, %swap3A_23, %swap3A_24] : memref<1x1000x256xf32, #tpu.memory_space<vmem>>, vector<1x1000x256xf32>
    %swap3A_26 = vector.shape_cast %swap3A_25 : vector<1x1000x256xf32> to vector<1000x256xf32>
    %swap3A_27 = vector.shape_cast %dot_general3A_22 : vector<1000x256xf32> to vector<1x1000x256xf32>
    tpu.vector_store %arg9[%swap3A, %swap3A_23, %swap3A_24], %swap3A_27 {strides = array<i32>} : memref<1x1000x256xf32, #tpu.memory_space<vmem>>, vector<1x1000x256xf32>,
    %get3A_28 = arith.constant 0 : index
    %get3A_29 = arith.constant 0 : index
    %get3A_30 = arith.constant 0 : index
    %get3A_31 = vector.load %arg6[%get3A_28, %get3A_29, %get3A_30] : memref<1x256x256xf32, #tpu.memory_space<vmem>>, vector<1x256x256xf32>
    %get3A_32 = vector.shape_cast %get3A_31 : vector<1x256x256xf32> to vector<256x256xf32>
    %dot_general3A_33 = arith.constant dense<0.000000e+00> : vector<1000x256xf32>
    %dot_general3A_34 = tpu.matmul %max3A_15, %get3A_32, %dot_general3A_33 {dimension_numbers = #tpu.dot_dimension_numbers<[1], [0], [0], [1], [0, 0, 1, 1], [], []>, transpose_lhs_hint = false} : vector<1000x256xf32>, vector<256x256xf32>, vector<1000x256xf32> -> vector<1000x256xf32>
    %iota3A = tpu.iota {dimensions = array<i32: 1>} : vector<1000x8xi32>
    %eq3A = vector.broadcast %arg1 : i32 to vector<1000x8xi32>
    %eq3A_35 = arith.cmpi eq, %iota3A, %eq3A : vector<1000x8xi32>
    %convert_element_type3A = arith.extui %eq3A_35 : vector<1000x8xi1> to vector<1000x8xi32>
    %convert_element_type3A_36 = arith.sitofp %convert_element_type3A : vector<1000x8xi32> to vector<1000x8xf32>
    %get3A_37 = arith.constant 0 : index
    %get3A_38 = arith.constant 0 : index
    %get3A_39 = vector.load %arg7[%get3A_37, %get3A_38] : memref<1000x8xf32, #tpu.memory_space<vmem>>, vector<1000x8xf32>
    %mul3A = arith.mulf %get3A_39, %convert_element_type3A_36 : vector<1000x8xf32>
    %reduce_sum3A = arith.constant dense<0.000000e+00> : vector<1000xf32>
    %reduce_sum3A_40 = vector.multi_reduction <add>, %mul3A, %reduce_sum3A [1] : vector<1000x8xf32> to vector<1000xf32>
    %broadcast_in_dim3A = vector.shape_cast %reduce_sum3A_40 : vector<1000xf32> to vector<1000x1xf32>
    %get3A_41 = arith.constant 0 : index
    %get3A_42 = arith.constant 0 : index
    %get3A_43 = vector.load %arg8[%get3A_41, %get3A_42] : memref<1000x8xf32, #tpu.memory_space<vmem>>, vector<1000x8xf32>
    %mul3A_44 = arith.mulf %get3A_43, %convert_element_type3A_36 : vector<1000x8xf32>
    %reduce_sum3A_45 = arith.constant dense<0.000000e+00> : vector<1000xf32>
    %reduce_sum3A_46 = vector.multi_reduction <add>, %mul3A_44, %reduce_sum3A_45 [1] : vector<1000x8xf32> to vector<1000xf32>
    %broadcast_in_dim3A_47 = vector.shape_cast %reduce_sum3A_46 : vector<1000xf32> to vector<1000x1xf32>
    %eq3A_48 = arith.constant 0 : i32
    %eq3A_49 = arith.cmpi eq, %arg1, %eq3A_48 : i32
    %convert_element_type3A_50 = arith.extui %eq3A_49 : i1 to i32
    %cond3A = arith.constant 0 : i32
    %cond3A_51 = arith.cmpi ne, %convert_element_type3A_50, %cond3A : i32
    scf.if %cond3A_51 {
      %mul3A_56 = vector.broadcast %broadcast_in_dim3A : vector<1000x1xf32> to vector<1000x256xf32>
      %mul3A_57 = arith.mulf %mul3A_56, %dot_general3A_34 : vector<1000x256xf32>
      %swap3A_58 = arith.constant 0 : index
      %swap3A_59 = arith.constant 0 : index
      %swap3A_60 = vector.load %arg10[%swap3A_58, %swap3A_59] : memref<1000x256xf32, #tpu.memory_space<vmem>>, vector<1000x256xf32>
      tpu.vector_store %arg10[%swap3A_58, %swap3A_59], %mul3A_57 {strides = array<i32>} : memref<1000x256xf32, #tpu.memory_space<vmem>>, vector<1000x256xf32>,
      %mul3A_61 = vector.broadcast %broadcast_in_dim3A_47 : vector<1000x1xf32> to vector<1000x256xf32>
      %mul3A_62 = arith.mulf %mul3A_61, %dot_general3A_34 : vector<1000x256xf32>
      %swap3A_63 = arith.constant 0 : index
      %swap3A_64 = arith.constant 0 : index
      %swap3A_65 = vector.load %arg11[%swap3A_63, %swap3A_64] : memref<1000x256xf32, #tpu.memory_space<vmem>>, vector<1000x256xf32>
      tpu.vector_store %arg11[%swap3A_63, %swap3A_64], %mul3A_62 {strides = array<i32>} : memref<1000x256xf32, #tpu.memory_space<vmem>>, vector<1000x256xf32>,
    } else {
    }
    %gt3A = arith.constant 0 : i32
    %gt3A_52 = arith.cmpi sgt, %arg1, %gt3A : i32
    %convert_element_type3A_53 = arith.extui %gt3A_52 : i1 to i32
    %cond3A_54 = arith.constant 0 : i32
    %cond3A_55 = arith.cmpi ne, %convert_element_type3A_53, %cond3A_54 : i32
    scf.if %cond3A_55 {
      %get3A_56 = arith.constant 0 : index
      %get3A_57 = arith.constant 0 : index
      %get3A_58 = vector.load %arg10[%get3A_56, %get3A_57] : memref<1000x256xf32, #tpu.memory_space<vmem>>, vector<1000x256xf32>
      %mul3A_59 = vector.broadcast %broadcast_in_dim3A : vector<1000x1xf32> to vector<1000x256xf32>
      %mul3A_60 = arith.mulf %mul3A_59, %dot_general3A_34 : vector<1000x256xf32>
      %add3A_61 = arith.addf %get3A_58, %mul3A_60 : vector<1000x256xf32>
      %swap3A_62 = arith.constant 0 : index
      %swap3A_63 = arith.constant 0 : index
      %swap3A_64 = vector.load %arg10[%swap3A_62, %swap3A_63] : memref<1000x256xf32, #tpu.memory_space<vmem>>, vector<1000x256xf32>
      tpu.vector_store %arg10[%swap3A_62, %swap3A_63], %add3A_61 {strides = array<i32>} : memref<1000x256xf32, #tpu.memory_space<vmem>>, vector<1000x256xf32>,
      %get3A_65 = arith.constant 0 : index
      %get3A_66 = arith.constant 0 : index
      %get3A_67 = vector.load %arg11[%get3A_65, %get3A_66] : memref<1000x256xf32, #tpu.memory_space<vmem>>, vector<1000x256xf32>
      %mul3A_68 = vector.broadcast %broadcast_in_dim3A_47 : vector<1000x1xf32> to vector<1000x256xf32>
      %mul3A_69 = arith.mulf %mul3A_68, %dot_general3A_34 : vector<1000x256xf32>
      %add3A_70 = arith.addf %get3A_67, %mul3A_69 : vector<1000x256xf32>
      %swap3A_71 = arith.constant 0 : index
      %swap3A_72 = arith.constant 0 : index
      %swap3A_73 = vector.load %arg11[%swap3A_71, %swap3A_72] : memref<1000x256xf32, #tpu.memory_space<vmem>>, vector<1000x256xf32>
      tpu.vector_store %arg11[%swap3A_71, %swap3A_72], %add3A_70 {strides = array<i32>} : memref<1000x256xf32, #tpu.memory_space<vmem>>, vector<1000x256xf32>,
    } else {
    }
    return
  }
  func.func @transform_0(%arg0: i32, %arg1: i32) -> (i32, i32) {
    %c0_i32 = arith.constant 0 : i32
    %c0_i32_0 = arith.constant 0 : i32
    return %arg0, %c0_i32 : i32, i32
  }
  func.func @transform_1(%arg0: i32, %arg1: i32) -> (i32, i32, i32) {
    %c0_i32 = arith.constant 0 : i32
    %c0_i32_0 = arith.constant 0 : i32
    %c0_i32_1 = arith.constant 0 : i32
    return %arg1, %c0_i32, %c0_i32_0 : i32, i32, i32
  }
  func.func @transform_2(%arg0: i32, %arg1: i32) -> (i32, i32, i32) {
    %c0_i32 = arith.constant 0 : i32
    %c0_i32_0 = arith.constant 0 : i32
    %c0_i32_1 = arith.constant 0 : i32
    return %arg1, %c0_i32, %c0_i32_0 : i32, i32, i32
  }
  func.func @transform_3(%arg0: i32, %arg1: i32) -> (i32, i32, i32) {
    %c0_i32 = arith.constant 0 : i32
    %c0_i32_0 = arith.constant 0 : i32
    %c0_i32_1 = arith.constant 0 : i32
    return %arg1, %c0_i32, %c0_i32_0 : i32, i32, i32
  }
  func.func @transform_4(%arg0: i32, %arg1: i32) -> (i32, i32, i32) {
    %c0_i32 = arith.constant 0 : i32
    %c0_i32_0 = arith.constant 0 : i32
    %c0_i32_1 = arith.constant 0 : i32
    return %arg1, %c0_i32, %c0_i32_0 : i32, i32, i32
  }
  func.func @transform_5(%arg0: i32, %arg1: i32) -> (i32, i32) {
    %c0_i32 = arith.constant 0 : i32
    %c0_i32_0 = arith.constant 0 : i32
    return %arg0, %c0_i32 : i32, i32
  }
  func.func @transform_6(%arg0: i32, %arg1: i32) -> (i32, i32) {
    %c0_i32 = arith.constant 0 : i32
    %c0_i32_0 = arith.constant 0 : i32
    return %arg0, %c0_i32 : i32, i32
  }
  func.func @transform_7(%arg0: i32, %arg1: i32) -> (i32, i32, i32) {
    %c0_i32 = arith.constant 0 : i32
    %c0_i32_0 = arith.constant 0 : i32
    return %arg1, %arg0, %c0_i32 : i32, i32, i32
  }
  func.func @transform_8(%arg0: i32, %arg1: i32) -> (i32, i32) {
    %c0_i32 = arith.constant 0 : i32
    %c0_i32_0 = arith.constant 0 : i32
    return %arg0, %c0_i32 : i32, i32
  }
  func.func @transform_9(%arg0: i32, %arg1: i32) -> (i32, i32) {
    %c0_i32 = arith.constant 0 : i32
    %c0_i32_0 = arith.constant 0 : i32
    return %arg0, %c0_i32 : i32, i32
  }
}

module attributes {stable_mosaic.version = 14 : i64} {
  func.func @_combine_body(%arg0: i32, %arg1: memref<1000x256xf32, #tpu.memory_space<vmem>>, %arg2: memref<1000x256xf32, #tpu.memory_space<vmem>>, %arg3: memref<1000x1xf32, #tpu.memory_space<vmem>>, %arg4: memref<1000x8xf32, #tpu.memory_space<vmem>>, %arg5: memref<1000x8xf32, #tpu.memory_space<vmem>>, %arg6: memref<1000x8xf32, #tpu.memory_space<vmem>>, %arg7: memref<8x256xf32, #tpu.memory_space<vmem>>, %arg8: memref<1000x256xf32, #tpu.memory_space<vmem>>, %arg9: memref<1000x256xf32, #tpu.memory_space<vmem>>, %arg10: memref<1000x256xf32, #tpu.memory_space<vmem>>) attributes {dimension_semantics = [#tpu.dimension_semantics<arbitrary>], iteration_bounds = array<i64: 10>, scalar_prefetch = 0 : i64, scratch_operands = 0 : i64, tpu.core_type = #tpu.core_type<tc>, window_params = [{transform_indices = @transform_0, window_bounds = array<i64: 1000, 256>}, {transform_indices = @transform_1, window_bounds = array<i64: 1000, 256>}, {transform_indices = @transform_2, window_bounds = array<i64: 1000, 1>}, {transform_indices = @transform_3, window_bounds = array<i64: 1000, 8>}, {transform_indices = @transform_4, window_bounds = array<i64: 1000, 8>}, {transform_indices = @transform_5, window_bounds = array<i64: 1000, 8>}, {pipeline_mode = #tpu.pipeline_mode<synchronous>, transform_indices = @transform_6, window_bounds = array<i64: 8, 256>}, {transform_indices = @transform_7, window_bounds = array<i64: 1000, 256>}, {transform_indices = @transform_8, window_bounds = array<i64: 1000, 256>}, {transform_indices = @transform_9, window_bounds = array<i64: 1000, 256>}]} {
    %get3A = arith.constant 0 : index
    %get3A_0 = arith.constant 0 : index
    %get3A_1 = vector.load %arg3[%get3A, %get3A_0] : memref<1000x1xf32, #tpu.memory_space<vmem>>, vector<1000x1xf32>
    %get3A_2 = arith.constant 0 : index
    %get3A_3 = arith.constant 0 : index
    %get3A_4 = vector.load %arg4[%get3A_2, %get3A_3] : memref<1000x8xf32, #tpu.memory_space<vmem>>, vector<1000x8xf32>
    %get3A_5 = arith.constant 0 : index
    %get3A_6 = arith.constant 0 : index
    %get3A_7 = vector.load %arg5[%get3A_5, %get3A_6] : memref<1000x8xf32, #tpu.memory_space<vmem>>, vector<1000x8xf32>
    %mul3A = arith.mulf %get3A_4, %get3A_7 : vector<1000x8xf32>
    %reduce_sum3A = arith.constant dense<0.000000e+00> : vector<1000xf32>
    %reduce_sum3A_8 = vector.multi_reduction <add>, %mul3A, %reduce_sum3A [1] : vector<1000x8xf32> to vector<1000xf32>
    %broadcast_in_dim3A = vector.shape_cast %reduce_sum3A_8 : vector<1000xf32> to vector<1000x1xf32>
    %get3A_9 = arith.constant 0 : index
    %get3A_10 = arith.constant 0 : index
    %get3A_11 = vector.load %arg4[%get3A_9, %get3A_10] : memref<1000x8xf32, #tpu.memory_space<vmem>>, vector<1000x8xf32>
    %get3A_12 = arith.constant 0 : index
    %get3A_13 = arith.constant 0 : index
    %get3A_14 = vector.load %arg6[%get3A_12, %get3A_13] : memref<1000x8xf32, #tpu.memory_space<vmem>>, vector<1000x8xf32>
    %mul3A_15 = arith.mulf %get3A_11, %get3A_14 : vector<1000x8xf32>
    %reduce_sum3A_16 = arith.constant dense<0.000000e+00> : vector<1000xf32>
    %reduce_sum3A_17 = vector.multi_reduction <add>, %mul3A_15, %reduce_sum3A_16 [1] : vector<1000x8xf32> to vector<1000xf32>
    %broadcast_in_dim3A_18 = vector.shape_cast %reduce_sum3A_17 : vector<1000xf32> to vector<1000x1xf32>
    %get3A_19 = arith.constant 0 : index
    %get3A_20 = arith.constant 0 : index
    %get3A_21 = vector.load %arg5[%get3A_19, %get3A_20] : memref<1000x8xf32, #tpu.memory_space<vmem>>, vector<1000x8xf32>
    %get3A_22 = arith.constant 0 : index
    %get3A_23 = arith.constant 0 : index
    %get3A_24 = vector.load %arg7[%get3A_22, %get3A_23] : memref<8x256xf32, #tpu.memory_space<vmem>>, vector<8x256xf32>
    %dot_general3A = arith.constant dense<0.000000e+00> : vector<1000x256xf32>
    %dot_general3A_25 = tpu.matmul %get3A_21, %get3A_24, %dot_general3A {dimension_numbers = #tpu.dot_dimension_numbers<[1], [0], [0], [1], [0, 0, 1, 1], [], []>, transpose_lhs_hint = false} : vector<1000x8xf32>, vector<8x256xf32>, vector<1000x256xf32> -> vector<1000x256xf32>
    %get3A_26 = arith.constant 0 : index
    %get3A_27 = arith.constant 0 : index
    %get3A_28 = vector.load %arg6[%get3A_26, %get3A_27] : memref<1000x8xf32, #tpu.memory_space<vmem>>, vector<1000x8xf32>
    %get3A_29 = arith.constant 0 : index
    %get3A_30 = arith.constant 0 : index
    %get3A_31 = vector.load %arg7[%get3A_29, %get3A_30] : memref<8x256xf32, #tpu.memory_space<vmem>>, vector<8x256xf32>
    %dot_general3A_32 = arith.constant dense<0.000000e+00> : vector<1000x256xf32>
    %dot_general3A_33 = tpu.matmul %get3A_28, %get3A_31, %dot_general3A_32 {dimension_numbers = #tpu.dot_dimension_numbers<[1], [0], [0], [1], [0, 0, 1, 1], [], []>, transpose_lhs_hint = false} : vector<1000x8xf32>, vector<8x256xf32>, vector<1000x256xf32> -> vector<1000x256xf32>
    %get3A_34 = arith.constant 0 : index
    %get3A_35 = arith.constant 0 : index
    %get3A_36 = vector.load %arg1[%get3A_34, %get3A_35] : memref<1000x256xf32, #tpu.memory_space<vmem>>, vector<1000x256xf32>
    %mul3A_37 = vector.broadcast %get3A_1 : vector<1000x1xf32> to vector<1000x256xf32>
    %mul3A_38 = arith.mulf %get3A_36, %mul3A_37 : vector<1000x256xf32>
    %add3A = arith.addf %mul3A_38, %dot_general3A_25 : vector<1000x256xf32>
    %get3A_39 = arith.constant 0 : index
    %get3A_40 = arith.constant 0 : index
    %get3A_41 = vector.load %arg8[%get3A_39, %get3A_40] : memref<1000x256xf32, #tpu.memory_space<vmem>>, vector<1000x256xf32>
    %add3A_42 = arith.addf %add3A, %get3A_41 : vector<1000x256xf32>
    %max3A = arith.constant 0.000000e+00 : f32
    %max3A_43 = vector.broadcast %max3A : f32 to vector<1000x256xf32>
    %max3A_44 = arith.maximumf %add3A_42, %max3A_43 : vector<1000x256xf32>
    %get3A_45 = arith.constant 0 : index
    %get3A_46 = arith.constant 0 : index
    %get3A_47 = vector.load %arg2[%get3A_45, %get3A_46] : memref<1000x256xf32, #tpu.memory_space<vmem>>, vector<1000x256xf32>
    %mul3A_48 = vector.broadcast %get3A_1 : vector<1000x1xf32> to vector<1000x256xf32>
    %mul3A_49 = arith.mulf %get3A_47, %mul3A_48 : vector<1000x256xf32>
    %add3A_50 = arith.addf %mul3A_49, %dot_general3A_33 : vector<1000x256xf32>
    %get3A_51 = arith.constant 0 : index
    %get3A_52 = arith.constant 0 : index
    %get3A_53 = vector.load %arg9[%get3A_51, %get3A_52] : memref<1000x256xf32, #tpu.memory_space<vmem>>, vector<1000x256xf32>
    %add3A_54 = arith.addf %add3A_50, %get3A_53 : vector<1000x256xf32>
    %max3A_55 = arith.constant 0.000000e+00 : f32
    %max3A_56 = vector.broadcast %max3A_55 : f32 to vector<1000x256xf32>
    %max3A_57 = arith.maximumf %add3A_54, %max3A_56 : vector<1000x256xf32>
    %mul3A_58 = vector.broadcast %broadcast_in_dim3A : vector<1000x1xf32> to vector<1000x256xf32>
    %mul3A_59 = arith.mulf %mul3A_58, %max3A_44 : vector<1000x256xf32>
    %mul3A_60 = vector.broadcast %broadcast_in_dim3A_18 : vector<1000x1xf32> to vector<1000x256xf32>
    %mul3A_61 = arith.mulf %mul3A_60, %max3A_57 : vector<1000x256xf32>
    %add3A_62 = arith.addf %mul3A_59, %mul3A_61 : vector<1000x256xf32>
    %swap3A = arith.constant 0 : index
    %swap3A_63 = arith.constant 0 : index
    %swap3A_64 = vector.load %arg10[%swap3A, %swap3A_63] : memref<1000x256xf32, #tpu.memory_space<vmem>>, vector<1000x256xf32>
    tpu.vector_store %arg10[%swap3A, %swap3A_63], %add3A_62 {strides = array<i32>} : memref<1000x256xf32, #tpu.memory_space<vmem>>, vector<1000x256xf32>,
    return
  }
  func.func @transform_0(%arg0: i32) -> (i32, i32) {
    %c0_i32 = arith.constant 0 : i32
    %c0_i32_0 = arith.constant 0 : i32
    return %arg0, %c0_i32 : i32, i32
  }
  func.func @transform_1(%arg0: i32) -> (i32, i32) {
    %c0_i32 = arith.constant 0 : i32
    %c0_i32_0 = arith.constant 0 : i32
    return %arg0, %c0_i32 : i32, i32
  }
  func.func @transform_2(%arg0: i32) -> (i32, i32) {
    %c0_i32 = arith.constant 0 : i32
    %c0_i32_0 = arith.constant 0 : i32
    return %arg0, %c0_i32 : i32, i32
  }
  func.func @transform_3(%arg0: i32) -> (i32, i32) {
    %c0_i32 = arith.constant 0 : i32
    %c0_i32_0 = arith.constant 0 : i32
    return %arg0, %c0_i32 : i32, i32
  }
  func.func @transform_4(%arg0: i32) -> (i32, i32) {
    %c0_i32 = arith.constant 0 : i32
    %c0_i32_0 = arith.constant 0 : i32
    return %arg0, %c0_i32 : i32, i32
  }
  func.func @transform_5(%arg0: i32) -> (i32, i32) {
    %c0_i32 = arith.constant 0 : i32
    %c0_i32_0 = arith.constant 0 : i32
    return %arg0, %c0_i32 : i32, i32
  }
  func.func @transform_6(%arg0: i32) -> (i32, i32) {
    %c0_i32 = arith.constant 0 : i32
    %c0_i32_0 = arith.constant 0 : i32
    %c0_i32_1 = arith.constant 0 : i32
    return %c0_i32, %c0_i32_0 : i32, i32
  }
  func.func @transform_7(%arg0: i32) -> (i32, i32) {
    %c0_i32 = arith.constant 0 : i32
    %c0_i32_0 = arith.constant 0 : i32
    return %arg0, %c0_i32 : i32, i32
  }
  func.func @transform_8(%arg0: i32) -> (i32, i32) {
    %c0_i32 = arith.constant 0 : i32
    %c0_i32_0 = arith.constant 0 : i32
    return %arg0, %c0_i32 : i32, i32
  }
  func.func @transform_9(%arg0: i32) -> (i32, i32) {
    %c0_i32 = arith.constant 0 : i32
    %c0_i32_0 = arith.constant 0 : i32
    return %arg0, %c0_i32 : i32, i32
  }
}

</mosaic_0001>

<sc_bundles>
// kernel: gather_offload_async_start
scs
__scs_entry_jumppad:
0x0: {  	(pc) =	sbr.rel $0x88, $3  }
0x1: {  	(tag) =	ssettag $0x0;
	lr =	simm.s32 $0x1  }
0x2: {  	[smem:$0x3F97] =	sst lr;
	_ =	strace $0xD0000000  }
0x3: {  	_ = 	snop  }
0x4: {  	_ = 	snop  }
0x5: {  	_ = 	snop  }
0x6: {  	_ = 	snop  }
0x7: {  	_ = 	snop  }
__scs_overlays_trampoline_lowered:
0x8: {  	[smem:$0x3FA6] =	sst s0  }
0x9: {  	[smem:$0x3FA7] =	sst s1  }
0xa: {  	[smem:$0x3FA8] =	sst s2  }
0xb: {  	[smem:$0x3FA9] =	sst s3  }
0xc: {  	[smem:$0x3FAA] =	sst s4  }
0xd: {  	[smem:$0x3FAB] =	sst s5  }
0xe: {  	[smem:$0x3FAC] =	sst s6  }
0xf: {  	[smem:$0x3FAD] =	sst s7  }
0x10: {  	[smem:$0x3FAE] =	sst s8  }
0x11: {  	[smem:$0x3FAF] =	sst s9;
	s0 =	simm.s32 @!p0 $0x0  }
0x12: {  	s1 =	sld [smem:$0x3F95];
	s0 =	simm.s32 @p0 $0x1  }
0x13: {  	[smem:$0x3FB0] =	sst s0;
	s0 =	simm.s32 @!p1 $0x0  }
0x14: {  	s2 =	sld [smem:$0x3F94];
	s0 =	simm.s32 @p1 $0x1  }
0x15: {  	[smem:$0x3FB1] =	sst s0;
	s0 =	simm.s32 @!p2 $0x0  }
0x16: {  	s3 =	sld [smem:$0x3FDB];
	s0 =	simm.s32 @p2 $0x1  }
0x17: {  	s4 =	simm.s32 $0x1BF5;
	[smem:$0x3FB3] =	sst s0  }
0x18: {  	s0 =	sld [smem:$0x3F96];
	_ =	swait.ge [sflag:s4], $0x0  }
0x19: {  	s7 =	sld [smem:$0x3F97]  }
0x1a: {  	s8 =	sadd.s32 $0xFFFFE003, lr  }
0x1b: {  	s9 =	sadd.s32 $0xFFFFFEF7, lr;
	s5 =	simm.s32 $0xFFFFFFFF;
	p2 =	slt.u32 s8, $0xFFFFF086  }
0x1c: {  	p1 =	slt.u32 s9, $0xF7A;
	s5 =	simm.s32 @!p2 $0x0  }
0x1d: {  	s5 =	simm.s32 @p1 $0x1;
	p0 =	seq.s32 s7, s2  }
0x1e: {  	s7 =	smul.u32 @!p0 $0xF7A, s2;
	p2 =	seq.s32 @!p0 s5, $0x0  }
0x1f: {  	s9 =	smul.u32 $0xF7A, s1;
	s8 =	simm.s32 @!p0 $0x1BF5;
	p2 =	por !p2, p0  }
0x20: {  	[sflag:s8] =	ssyncset.s32 @!p0 $0xFFFFF086;
	s6 =	sadd.s32 @!p0 s3, s7;
	s7 =	simm.s32 @!p0 $0x108  }
0x21: {  	s3 =	sadd.s32 s3, s9;
	s6 =	sadd.s32 @!p0 $0x88, s6;
	s7 =	simm.s32 @p2 $0x1082  }
0x22: {  	[simem:s7], [sflag:s8] =	dma.local @!p0 [hbm:s6], $0xF7A  }
0x23: {  	s9 =	sor.u32 $0xD0000000, s2;
	s6 =	simm.s32 $0x108;
	_ =	swait.ge @!p0 [sflag:s8], $0x0  }
0x24: {  	s3 =	sadd.s32 $0x88, s3;
	s6 =	simm.s32 @!p1 $0x1082;
	[sflag:s4] =	ssyncset.s32 $0xFFFFF086  }
0x25: {  	[simem:s6], [sflag:s4] =	dma.local [hbm:s3], $0xF7A  }
0x26: {  	[smem:$0x3F97] =	sst s1;
	(tag) =	ssettag s2;
	_ =	strace s9  }
0x27: {  	s1 =	sld [smem:$0x3FA7]  }
0x28: {  	s2 =	sld [smem:$0x3FA8]  }
0x29: {  	s4 =	sld [smem:$0x3FAA]  }
0x2a: {  	p0 =	seq.s32 s5, $0x0;
	s5 =	sld [smem:$0x3FAB]  }
0x2b: {  	s6 =	sld [smem:$0x3FAC]  }
0x2c: {  	s7 =	sld [smem:$0x3FAD]  }
0x2d: {  	s3 =	simm.s32 $0x108;
	s8 =	sld [smem:$0x3FAE]  }
0x2e: {  	s3 =	simm.s32 @!p0 $0x1082;
	s9 =	sld [smem:$0x3FAF]  }
0x2f: {  	lr =	sadd.s32 s0, s3;
	s0 =	sld [smem:$0x3FA6]  }
0x30: {  	s3 =	sld [smem:$0x3FA9]  }
0x31: {  	[smem:$0x3FB2] =	sst s10  }
0x32: {  	s10 =	sld [smem:$0x3FB0];
	_ =	sdelay $0x3  }
0x33: {  	p0 =	seq.s32 s10, $0x1;
	s10 =	sld [smem:$0x3FB2];
	_ =	sdelay $0x3  }
0x34: {  	[smem:$0x3FB2] =	sst s10  }
0x35: {  	s10 =	sld [smem:$0x3FB1];
	_ =	sdelay $0x3  }
0x36: {  	p1 =	seq.s32 s10, $0x1;
	s10 =	sld [smem:$0x3FB2];
	_ =	sdelay $0x3  }
0x37: {  	[smem:$0x3FB2] =	sst s10  }
0x38: {  	s10 =	sld [smem:$0x3FB3]  }
0x39: {  	_ = 	snop;
	(pc) =	sbr.ind lr, $3  }
0x3a: {  	_ = 	snop  }
0x3b: {  	_ = 	snop  }
0x3c: {  	p2 =	seq.s32 s10, $0x1;
	s10 =	sld [smem:$0x3FB2]  }
0x3d: {  	_ =	shalt  }
0x3e: {  	_ =	shalt  }
0x3f: {  	_ =	shalt  }
0x40: {  	_ =	shalt  }
0x41: {  	_ =	shalt  }
0x42: {  	_ =	shalt  }
0x43: {  	_ =	shalt  }
0x44: {  	_ =	shalt  }
0x45: {  	_ =	shalt  }
0x46: {  	_ =	shalt  }
0x47: {  	_ =	shalt  }
0x48: {  	_ =	shalt  }
0x49: {  	_ =	shalt  }
0x4a: {  	_ =	shalt  }
0x4b: {  	_ =	shalt  }
0x4c: {  	_ =	shalt  }
0x4d: {  	_ =	shalt  }
0x4e: {  	_ =	shalt  }
0x4f: {  	_ =	shalt  }
0x50: {  	_ =	shalt  }
0x51: {  	_ =	shalt  }
0x52: {  	_ =	shalt  }
0x53: {  	_ =	shalt  }
0x54: {  	_ =	shalt  }
0x55: {  	_ =	shalt  }
0x56: {  	_ =	shalt  }
0x57: {  	_ =	shalt  }
0x58: {  	_ =	shalt  }
0x59: {  	_ =	shalt  }
0x5a: {  	_ =	shalt  }
0x5b: {  	_ =	shalt  }
0x5c: {  	_ =	shalt  }
0x5d: {  	_ =	shalt  }
0x5e: {  	_ =	shalt  }
0x5f: {  	_ =	shalt  }
0x60: {  	_ =	shalt  }
0x61: {  	_ =	shalt  }
0x62: {  	_ =	shalt  }
0x63: {  	_ =	shalt  }
0x64: {  	_ =	shalt  }
0x65: {  	_ =	shalt  }
0x66: {  	_ =	shalt  }
0x67: {  	_ =	shalt  }
0x68: {  	_ =	shalt  }
0x69: {  	_ =	shalt  }
0x6a: {  	_ =	shalt  }
0x6b: {  	_ =	shalt  }
0x6c: {  	_ =	shalt  }
0x6d: {  	_ =	shalt  }
0x6e: {  	_ =	shalt  }
0x6f: {  	_ =	shalt  }
0x70: {  	_ =	shalt  }
0x71: {  	_ =	shalt  }
0x72: {  	_ =	shalt  }
0x73: {  	_ =	shalt  }
0x74: {  	_ =	shalt  }
0x75: {  	_ =	shalt  }
0x76: {  	_ =	shalt  }
0x77: {  	_ =	shalt  }
0x78: {  	_ =	shalt  }
0x79: {  	_ =	shalt  }
0x7a: {  	_ =	shalt  }
0x7b: {  	_ =	shalt  }
0x7c: {  	_ =	shalt  }
0x7d: {  	_ =	shalt  }
0x7e: {  	_ =	shalt  }
0x7f: {  	_ =	shalt  }
0x80: {  	_ =	shalt  }
0x81: {  	_ =	shalt  }
0x82: {  	_ =	shalt  }
0x83: {  	_ =	shalt  }
0x84: {  	_ =	shalt  }
0x85: {  	_ =	shalt  }
0x86: {  	_ =	shalt  }
0x87: {  	_ =	shalt  }
.Lfunc_end0:
.L_simem_size_0:
called_computation.3_lowered:
.L_overlay_start_0:
0x88: {  	s2 =	sld [smem:$0x3FD9]  }
0x89: {  	s3 =	sld [smem:$0x3FFE];
	_ =	sdelay $0x1  }
0x8a: {  	s1 =	srdreg.scid  }
0x8b: {  	s0 =	sand.u32 $0x1, s1  }
0x8c: {  	s16 =	sshll.u32 s0, $0xA;
	s2 =	sadd.s32 s3, s2  }
0x8d: {  	s2 =	sadd.s32 s2, s16  }
0x8e: {  	[smem:$0x3FBE] =	sst s2  }
0x8f: {  	_ = 	snop  }
0x90: {  	(tm) =	ssettm $0x1  }
0x91: {  	s17 =	sld [smem:$0x3FFB];
	_ =	sdelay $0x3  }
0x92: {  	_ =	strace s17  }
0x93: {  	s2 =	sld [smem:$0x3FFC];
	_ =	sdelay $0x3  }
0x94: {  	_ =	strace s2  }
0x95: {  	s2 =	sld [smem:$0x3FFD];
	_ =	sdelay $0x3  }
0x96: {  	_ =	strace s2  }
0x97: {  	_ =	strace $0x8FFFFFFF  }
0x98: {  	s18 =	sld [smem:$0x3FDB];
	_ =	sdelay $0x1  }
0x99: {  	s19 =	simm.s32 $_scs_section_size  }
0x9a: {  	s4 =	simm.s32 $_size__tile_overlayer_lowered;
	s5 =	simm.s32 $_tile_overlayer_lowered  }
0x9b: {  	s22 =	simm.s32 $0x1BFF;
	s21 =	sshll.u32 s5, $0x1;
	s2 =	sadd.s32 s19, s18  }
0x9c: {  	s6 =	simm.s32 $0x0;
	s20 =	sshll.u32 s4, $0x1;
	s4 =	sadd.s32 s21, s2  }
0x9d: {  	[timem:s6], [sflag:s22] =	dma.local [hbm:s4], s20  }
0x9e: {  	_ =	swait.ge [sflag:s22], s20  }
0x9f: {  	s3 =	ssub.s32 $0x0, s20;
	[sflag:s22] =	ssyncset.done $0x0  }
0xa0: {  	[sflag:s22] =	ssyncadd.s32 s3;
	_ =	sdelay $0x1  }
0xa1: {  	s23 =	simm.s32 $0x1B8B  }
0xa2: {  	_ =	swait.ge [sflag:s23], $0x1  }
0xa3: {  	[sflag:s23] =	ssyncset.done $0x0  }
0xa4: {  	s25 =	simm.s32 $0x1B8E;
	s24 =	sld [smem:$0x3FFE];
	[sflag:s23] =	ssyncadd.s32 $0xFFFFFFFF  }
0xa5: {  	s26 =	simm.s32 $execute0_lowered;
	[smem:$0x3FD2] =	sst s25  }
0xa6: {  	s4 =	sshll.u32 s26, $0x1;
	_ =	strace $0x8000004C;
	[dreg:$0x1] =	wrdreg $0xFFFFFFFF  }
0xa7: {  	s28 =	simm.s32 $_size_execute0_lowered;
	s2 =	sadd.s32 s2, s4;
	[dreg:$0x0] =	wrdreg $0x0  }
0xa8: {  	s4 =	sshll.u32 s28, $0x1;
	[dreg:$0x2] =	wrdreg s2  }
0xa9: {  	[dreg:$0x3] =	wrdreg s4  }
0xaa: {  	[dreg:$0x4] =	wrdreg $0xC0  }
0xab: {  	_ =	task [dreg:s6], $0x5FFFF  }
0xac: {  	[dreg:$0x1] =	wrdreg $0xFFFFFFFF  }
0xad: {  	[dreg:$0x0] =	wrdreg $0x60  }
0xae: {  	[dreg:$0x2] =	wrdreg s24  }
0xaf: {  	[dreg:$0x3] =	wrdreg $0x9  }
0xb0: {  	_ =	task.clear_ibuf [dreg:s6], $0x4FFFF;
	_ =	strace $0x9000004C  }
0xb1: {  	s29 =	simm.s32 $0x9;
	_ =	strace $0x8000004E  }
0xb2: {  	_ =	swait.ge [sflag:s29], $0x1  }
0xb3: {  	[sflag:s29] =	ssyncadd.s32 $0xFFFFFFFF  }
0xb4: {  	_ =	strace $0x9000004E  }
0xb5: {  	_ =	sfence  }
0xb6: {  	s30 =	sld [smem:$0x0];
	_ =	sdelay $0x2  }
0xb7: {  	s31 =	sshll.u32 s1, $0xD;
	s1 =	sshrl.u32 s1, $0x2  }
0xb8: {  	s3 =	sand.u32 $0x4000, s31;
	s1 =	sadd.s32 s1, s30  }
0xb9: {  	s0 =	sor.u32 s3, s0;
	s1 =	sshll.u32 s1, $0x11  }
0xba: {  	s0 =	sor.u32 s1, s0  }
0xbb: {  	s0 =	sadd.s32 $0x8F2B, s0  }
0xbc: {  	[sflag:s0] =	ssyncadd.remote.s32 $0x1  }
0xbd: {  	_ =	sfence.sel $0xFFFF  }
0xbe: {  	[dreg:$0x0] =	wrdreg $0xFFFFFFFF;
	(pc) =	sbr.abs _section_cstart, $3  }
0xbf: {  	[dreg:$0x1] =	wrdreg $0xFFFFFFFF  }
0xc0: {  	_ =	task.clear_ibuf [dreg:s6], $0x2FFFF;
	_ =	strace $0x9FFFFFFF  }
0xc1: {  	(tm) =	ssettm $0x7FFFFFFF  }
tec
execute0_lowered:
.L_overlay_start_1:
0x0: {  	(tag) =	ssettag $0x1  }
0x1: {  	s8 =	rddreg [dreg:$0x0]  }
0x2: {  	s0 =	rddreg [dreg:$0x1];
	s1 =	srdreg.scid;
	_ =	strace $0x8000004D  }
0x3: {  	s4 =	simm.s32 $0x1;
	s6 =	simm.s32 $0x2;
	s10 =	simm.s32 $0x3  }
0x4: {  	p3 =	por $0x0, $0x0;
	s11 =	simm.s32 $0x80;
	s3 =	sshll.u32 s1, $0x4  }
.Ltmp0:
0x5: {  	s1 =	stileid.u32;
	s5 =	sand.u32 $0x10, s3;
	(pc) =	sbr.rel .LBB2_1-.Ltmp0, $4  }
0x6: {  	s2 =	sadd.s32 $0xC2400, s8;
	[sflag:s4] =	ssyncpa.u1 $0x0;
	s5 =	sor.u32 s1, s5  }
0x7: {  	s7 =	sadd.s32 $0x596A00, s8;
	[sflag:s6] =	ssyncpa.u1 $0x0;
	s5 =	smul.u32 $0x2710, s5  }
0x8: {  	s3 =	sadd.s32 $0x582E00, s8;
	s8 =	sadd.s32 $0x58CC00, s8;
	[sflag:s10] =	ssyncpa.u1 $0x0  }
0x9: {  	v0 =	vlaneseq.u32;
	s10 =	simm.s32 $0x0;
	s9 =	sadd.s32 $0x2710, s5;
	s12 =	smov.u32 s5  }
.LBB2_6:
0xa: {  	s15 =	sadd.s32 s17, s15  }
0xb: {  	v2 =	vld.msk [tilespmem:s15+$0x0 ss:$0x1], $0x1;
	_ =	sdelay $0x2  }
0xc: {  	(v2sf) =	vpush v1, $0x1  }
0xd: {  	(v2sf) =	vpush v1, $0x0  }
0xe: {  	(v2sf) =	vpush v2, $0x0;
	_ =	sdelay $0xc  }
0xf: {  	p0 =	seq.s32 s18, $0x31C;
	s15 =	simm.s32 $0x1;
	s18 =	spop (v2sf)  }
0x10: {  	s15 =	simm.s32 @!p0 $0x2;
	s18 =	simm.s32 @p1 $0xFFFFFFFF;
	s19 =	spop (v2sf)  }
0x11: {  	v1 =	vmov s15;
	p0 =	sne.s32 s19, s18;
	s18 =	simm.s32 $0x1;
	s28 =	spop (v2sf)  }
0x12: {  	vm0 =	vgt.u32 v1, v0;
	s18 =	simm.s32 @!p0 $0x0;
	s29 =	sshll.u32 s28, $0x8;
	s15 =	sshll.u32 s28, $0x7  }
0x13: {  	s16 =	sadd.s32 s18, s16;
	s19 =	sand.u32 $0xFFFFF800, s29;
	s15 =	sand.u32 $0x380, s15  }
0x14: {  	s16 =	sshll.u32 s16, $0xA;
	s15 =	sor.u32 s15, s19  }
0x15: {  	s16 =	sshra.s32 s16, $0x2;
	s15 =	sshrl.u32 s15, $0x3  }
0x16: {  	s13 =	sadd.s32 s17, s13;
	s14 =	sadd.s32 s16, s14;
	s15 =	sadd.s32 s7, s15  }
0x17: {  	[hbm:s15] =	stream.strided.scatter [tilespmem:s14], [sflag:$0x3], $0x100, s11, s11, $0x38;
	[tilespmem:$0x19320] =	vst v63  }
0x18: {  	v1 =	vld.msk [tilespmem:s13+$0x0 ss:$0x1], vm0;
	_ =	sdelay $0x4  }
0x19: {  	(v2sf) =	vpush v1, $0x1  }
0x1a: {  	(v2sf) =	vpush v1, $0x0;
	_ =	sdelay $0xb  }
0x1b: {  	s13 =	sld [smem:$0x7FC];
	_ =	sdelay $0x1  }
0x1c: {  	s30 =	spop (v2sf)  }
0x1d: {  	p3 =	seq.s32 s13, $0x1;
	s31 =	spop (v2sf)  }
.LBB2_7:
0x1e: {  	p0 =	slt.u32 s10, $0x2;
	s10 =	sadd.s32 $0x1, s10  }
0x1f: {  	p2 =	sne.s32 s10, $0x34  }
.Ltmp1:
0x20: {  	_ = 	snop;
	(pc) =	sbr.rel @!p2 .LBB2_8-.Ltmp1, $4  }
0x21: {  	s13 =	simm.s32 @!p0 $0x3  }
0x22: {  	s14 =	sadd.s32 $0xC8, s12;
	_ =	swait.ge @!p0 [sflag:s13], $0xC800  }
0x23: {  	s12 =	smov.u32 s5;
	p1 =	slt.s32 s14, s9;
	[sflag:s13] =	ssyncset.done @!p0 $0x0  }
0x24: {  	p3 =	por !p3, !p3;
	s12 =	smov.u32 @p1 s14;
	[sflag:s13] =	ssyncadd.s32 @!p0 $0xFFFF3800  }
.LBB2_1:
0x25: {  	p0 =	sgt.u32 s10, $0x31  }
0x26: {  	s13 =	sxor.u32 @!p0 $0xFFFFFFFF, s10  }
0x27: {  	s13 =	sand.u32 @!p0 $0x1, s13  }
0x28: {  	s14 =	sshrl.u32 @!p0 s12, $0x3;
	s13 =	smul.u32 @!p0 $0xC8, s13  }
0x29: {  	s16 =	sand.u32 @!p0 $0x7, s12;
	s15 =	sadd.s32 @!p0 s3, s14  }
0x2a: {  	[tilespmem:s13], [sflag:$0x2] =	stream.linear.gather @!p0 [hbm4b:s15+s16], $0xC8, $0x38;
	[tilespmem:$0x19320] =	vst v63  }
0x2b: {  	s31 =	sadd.s32 $0xFFFFFFFF, s10;
	s14 =	sadd.s32 @!p0 s8, s14;
	s13 =	sadd.s32 @!p0 $0x190, s13  }
0x2c: {  	[tilespmem:s13], [sflag:$0x2] =	stream.linear.gather @!p0 [hbm4b:s14+s16], $0xC8, $0x38;
	[tilespmem:$0x19320] =	vst v63  }
0x2d: {  	p0 =	sgt.u32 s31, $0x31  }
.Ltmp2:
0x2e: {  	_ = 	snop;
	(pc) =	sbr.rel @p0 .LBB2_7-.Ltmp2, $1  }
0x2f: {  	_ =	sdelay $0x3  }
0x30: {  	p0 =	por $0x0, $0x0;
	s13 =	simm.s32 $0x1  }
0x31: {  	s13 =	simm.s32 @!p0 $0x2  }
0x32: {  	v1 =	vmov s13  }
0x33: {  	s14 =	simm.s32 @!p3 $0x0;
	s13 =	simm.s32 $0x1;
	vm0 =	vgt.u32 v1, v0  }
0x34: {  	s14 =	simm.s32 @p3 $0x1;
	s13 =	simm.s32 @!p3 $0x0  }
0x35: {  	[smem:$0x7FC] =	sst s14;
	s13 =	smul.u32 $0x320, s13  }
0x36: {  	_ =	swait.ge [sflag:s6], $0x190  }
0x37: {  	[sflag:s6] =	ssyncset.done $0x0;
	s13 =	sshrl.u32 s13, $0x2  }
0x38: {  	[sflag:s6] =	ssyncadd.s32 $0xFFFFFE70;
	s26 =	sadd.s32 $0x0, s13  }
0x39: {  	v2 =	vld.msk [tilespmem:s26+$0x0 ss:$0x1], vm0;
	_ =	sdelay $0x4  }
0x3a: {  	(v2sf) =	vpush v2, $0x1  }
0x3b: {  	p1 =	por $0x0, $0x0;
	s14 =	simm.s32 $0x1;
	(v2sf) =	vpush v2, $0x0  }
0x3c: {  	s14 =	simm.s32 @!p1 $0x2  }
0x3d: {  	v1 =	vmov s14  }
0x3e: {  	vm12 =	vgt.u32 v1, v0;
	_ =	sdelay $0x3  }
0x3f: {  	p2 =	por $0x0, $0x0;
	s15 =	simm.s32 $0x1  }
0x40: {  	s15 =	simm.s32 @!p2 $0x2;
	s28 =	sadd.s32 $0x1, s13  }
0x41: {  	v1 =	vmov s15;
	v3 =	vld.msk [tilespmem:s28+$0x0 ss:$0x1], vm12  }
0x42: {  	vm13 =	vgt.u32 v1, v0;
	_ =	sdelay $0x2  }
0x43: {  	p0 =	por p0, p0  }
0x44: {  	p0 =	por p0, p0;
	(v2sf) =	vpush v3, $0x1;
	s14 =	spop (v2sf)  }
0x45: {  	s29 =	sadd.s32 $0x2, s13;
	s14 =	simm.s32 @p0 $0xFFFFFFFF;
	s16 =	spop (v2sf)  }
0x46: {  	v1 =	vld.msk [tilespmem:s29+$0x0 ss:$0x1], vm13;
	(v2sf) =	vpush v3, $0x0;
	p0 =	seq.s32 s16, s14  }
0x47: {  	vm0 =	vgt.s32 @!p0 v2, $0x0  }
0x48: {  	v2 =	vnsel @!p0 vm0, $0x0, v2  }
0x49: {  	v2 =	vmin.u32 @!p0 v2, $0x1387F  }
0x4a: {  	(v2sf) =	vpush @!p0 v2, $0x0  }
0x4b: {  	(v2sf) =	vpush v1, $0x1  }
0x4c: {  	s30 =	sand.u32 $0x1, s10;
	(v2sf) =	vpush v1, $0x0  }
0x4d: {  	p4 =	por $0x0, $0x0;
	s17 =	simm.s32 $0x0;
	s21 =	simm.s32 $0x14  }
0x4e: {  	s19 =	simm.s32 $0x18;
	s22 =	simm.s32 $0x1;
	s16 =	simm.s32 $0x1  }
0x4f: {  	p2 =	por p2, p2;
	p1 =	por p1, p1;
	s16 =	simm.s32 @!p4 $0x2  }
0x50: {  	p2 =	por p2, p2;
	p1 =	por p1, p1;
	s15 =	sadd.s32 $0x190, s13;
	v2 =	vmov s16  }
0x51: {  	s24 =	sadd.s32 $0x3, s13;
	s31 =	sadd.s32 $0x4, s13;
	s14 =	smul.u32 $0x32000, s30;
	vm14 =	vgt.u32 v2, v0  }
0x52: {  	s20 =	simm.s32 @!p0 $0x1;
	p5 =	por p0, p0;
	p4 =	por p4, p4  }
0x53: {  	s14 =	sshrl.u32 s14, $0x2;
	s20 =	smov.u32 @p0 s17;
	s16 =	spop (v2sf)  }
0x54: {  	s17 =	simm.s32 @!p0 $0x80;
	s16 =	simm.s32 @p1 $0xFFFFFFFF;
	p1 =	por $0x0, $0x0  }
0x55: {  	s14 =	sor.u32 $0x320, s14;
	s22 =	simm.s32 @!p1 $0x2;
	s23 =	spop (v2sf)  }
0x56: {  	p5 =	por p5, p5;
	s18 =	sadd.s32 @!p0 $0x0, s14;
	v4 =	vmov s22;
	p3 =	seq.s32 s23, s16  }
0x57: {  	vm15 =	vgt.u32 v4, v0;
	v2 =	vld.msk [tilespmem:s24+$0x0 ss:$0x1], vm14;
	s24 =	simm.s32 $0x1C;
	s16 =	sadd.s32 @!p3 $0x1, s20;
	s22 =	sshll.u32 @!p3 s20, $0xA  }
0x58: {  	vm1 =	vgt.s32 @!p3 v3, $0x0;
	s22 =	sshra.s32 @!p3 s22, $0x2;
	s16 =	smov.u32 @p3 s20;
	s20 =	simm.s32 @!p3 $0x80  }
0x59: {  	v3 =	vnsel @!p3 vm1, $0x0, v3;
	s23 =	sadd.s32 @!p3 s22, s14;
	s22 =	spop @!p0 (v2sf);
	p0 =	por p3, p3  }
0x5a: {  	v3 =	vmin.u32 @!p3 v3, $0x1387F;
	s25 =	simm.s32 @!p0 $0x0;
	s26 =	spop (v2sf);
	s28 =	sshll.u32 @!p5 s22, $0x4  }
0x5b: {  	(v2sf) =	vpush @!p3 v3, $0x0;
	s25 =	simm.s32 @p0 $0x1;
	s26 =	simm.s32 @p2 $0xFFFFFFFF;
	s29 =	spop (v2sf)  }
0x5c: {  	(v2sf) =	vpush v2, $0x1;
	s28 =	sand.u32 @!p5 $0x70, s28;
	[smem:$0x7FD] =	sst s25;
	p6 =	seq.s32 s29, s26  }
0x5d: {  	(v2sf) =	vpush v2, $0x0;
	s26 =	sshll.u32 @!p5 s22, $0x5;
	s25 =	sadd.s32 @!p5 s2, s28;
	s22 =	smov.u32 s16;
	v3 =	vld.msk [tilespmem:s31+$0x0 ss:$0x1], vm15  }
.LBB2_3:
0x5e: {  	s28 =	simm.s32 @!p3 $0x0;
	s29 =	smov.u32 s19;
	s19 =	smov.u32 s24  }
0x5f: {  	s24 =	sadd.s32 $0x4, s24;
	s30 =	smov.u32 s23;
	p0 =	por p5, p5  }
0x60: {  	s31 =	sld [smem:$0x7FD];
	s28 =	simm.s32 @p3 $0x1;
	p3 =	por p6, p6  }
0x61: {  	p2 =	sne.s32 s24, $0x320;
	[smem:$0x7FA] =	sst s28;
	s28 =	smov.u32 s16  }
0x62: {  	vm0 =	vgt.s32 @!p6 v1, $0x0;
	s16 =	sadd.s32 @!p6 $0x1, s16;
	p6 =	por p4, p4;
	s23 =	simm.s32 @!p2 $0x0  }
0x63: {  	p4 =	por p1, p1;
	p1 =	seq.s32 s21, $0x31C;
	s23 =	simm.s32 @p2 $0x1  }
0x64: {  	s22 =	sshll.u32 @!p3 s22, $0xA;
	[smem:$0x7FB] =	sst s23;
	s23 =	simm.s32 $0x1  }
0x65: {  	s16 =	smov.u32 @p3 s28;
	s28 =	simm.s32 @!p3 $0x80;
	s23 =	simm.s32 @!p1 $0x2  }
0x66: {  	p2 =	seq.s32 s31, $0x1;
	s31 =	sshra.s32 s21, $0x2;
	v5 =	vmov s23;
	s23 =	sand.u32 @!p0 $0x3FFF00, s26  }
0x67: {  	p5 =	por p2, p2;
	p2 =	por p3, p3;
	s25 =	sadd.s32 @!p0 s23, s25  }
0x68: {  	[tilespmem:s18], [sflag:$0x1] =	stream.strided.gather @!p0 [hbm:s25], $0x100, s17, s17, $0x38;
	[tilespmem:$0x19320] =	vst v63  }
0x69: {  	s17 =	smov.u32 s20;
	s20 =	smov.u32 s28;
	s28 =	sld [smem:$0x7FA]  }
0x6a: {  	s26 =	sshra.s32 @!p3 s22, $0x2;
	s25 =	sadd.s32 s31, s13;
	s31 =	sld [smem:$0x7FB]  }
0x6b: {  	s23 =	sadd.s32 @!p3 s26, s14;
	s26 =	simm.s32 @!p2 $0x0  }
0x6c: {  	vm15 =	vgt.u32 v5, v0;
	s26 =	simm.s32 @p2 $0x1;
	p0 =	seq.s32 s28, $0x1  }
0x6d: {  	[smem:$0x7FD] =	sst s26;
	s26 =	spop @!p0 (v2sf);
	p0 =	seq.s32 s31, $0x1  }
.Ltmp3:
0x6e: {  	v4 =	vnsel @!p3 vm0, $0x0, v1;
	(pc) =	sbr.rel @p0 .LBB2_3-.Ltmp3, $4  }
0x6f: {  	v4 =	vmin.u32 @!p3 v4, $0x1387F;
	s21 =	smov.u32 s29;
	s22 =	smov.u32 s16  }
0x70: {  	(v2sf) =	vpush @!p3 v4, $0x0;
	s18 =	smov.u32 s30;
	s28 =	spop (v2sf);
	s29 =	sshll.u32 @!p5 s26, $0x4  }
0x71: {  	v1 =	vmov v2;
	v2 =	vmov v3;
	(v2sf) =	vpush v3, $0x1;
	s28 =	simm.s32 @p6 $0xFFFFFFFF;
	s30 =	spop (v2sf);
	s29 =	sand.u32 @!p5 $0x70, s29  }
0x72: {  	(v2sf) =	vpush v2, $0x0;
	v3 =	vld.msk [tilespmem:s25+$0x0 ss:$0x1], vm15;
	s26 =	sshll.u32 @!p5 s26, $0x5;
	p6 =	seq.s32 s30, s28;
	s25 =	sadd.s32 @!p5 s2, s29  }
0x73: {  	_ = 	snop  }
0x74: {  	vm0 =	vgt.s32 @!p6 v1, $0x0  }
0x75: {  	v1 =	vnsel @!p6 vm0, $0x0, v1  }
0x76: {  	v1 =	vmin.u32 @!p6 v1, $0x1387F  }
0x77: {  	(v2sf) =	vpush @!p6 v1, $0x0  }
0x78: {  	(v2sf) =	vpush v3, $0x1  }
0x79: {  	p0 =	seq.s32 s21, $0x31C;
	s24 =	simm.s32 $0x1;
	(v2sf) =	vpush v3, $0x0  }
0x7a: {  	s24 =	simm.s32 @!p0 $0x2  }
0x7b: {  	v1 =	vmov s24  }
0x7c: {  	vm14 =	vgt.u32 v1, v0;
	_ =	sdelay $0x1  }
0x7d: {  	p2 =	por p4, p4  }
0x7e: {  	s31 =	sshra.s32 s21, $0x2;
	p4 =	seq.s32 s19, $0x31C;
	s24 =	spop @!p3 (v2sf)  }
0x7f: {  	s29 =	simm.s32 $0x1;
	s21 =	sadd.s32 s31, s13;
	s28 =	spop (v2sf)  }
0x80: {  	s29 =	simm.s32 @!p4 $0x2;
	s28 =	simm.s32 @p2 $0xFFFFFFFF;
	s30 =	spop (v2sf)  }
0x81: {  	v4 =	vmov s29;
	v1 =	vld.msk [tilespmem:s21+$0x0 ss:$0x1], vm14;
	p3 =	seq.s32 s30, s28  }
0x82: {  	vm1 =	vgt.u32 v4, v0;
	vm0 =	vgt.s32 @!p3 v2, $0x0  }
0x83: {  	v2 =	vnsel @!p3 vm0, $0x0, v2  }
0x84: {  	v2 =	vmin.u32 @!p3 v2, $0x1387F  }
0x85: {  	p1 =	por p1, p1;
	s21 =	spop @!p6 (v2sf);
	(v2sf) =	vpush @!p3 v2, $0x0  }
0x86: {  	p1 =	por p1, p1;
	s30 =	sshra.s32 s19, $0x2;
	s28 =	spop (v2sf);
	(v2sf) =	vpush v1, $0x1  }
0x87: {  	s19 =	sadd.s32 s30, s13;
	s28 =	simm.s32 @p1 $0xFFFFFFFF;
	s31 =	spop (v2sf);
	(v2sf) =	vpush v1, $0x0  }
0x88: {  	v2 =	vld.msk [tilespmem:s19+$0x0 ss:$0x1], vm1;
	p1 =	seq.s32 s31, s28  }
0x89: {  	s30 =	sld [smem:$0x7FD];
	vm0 =	vgt.s32 @!p1 v3, $0x0  }
0x8a: {  	v3 =	vnsel @!p1 vm0, $0x0, v3  }
0x8b: {  	p2 =	por p5, p5;
	v3 =	vmin.u32 @!p1 v3, $0x1387F  }
0x8c: {  	s19 =	sand.u32 @!p2 $0x3FFF00, s26;
	p5 =	seq.s32 s30, $0x1;
	(v2sf) =	vpush @!p1 v3, $0x0  }
0x8d: {  	s19 =	sadd.s32 @!p2 s19, s25;
	p5 =	por p5, p5;
	(v2sf) =	vpush v2, $0x1  }
0x8e: {  	[tilespmem:s18], [sflag:$0x1] =	stream.strided.gather @!p2 [hbm:s19], $0x100, s17, s17, $0x38;
	(v2sf) =	vpush v2, $0x0;
	[tilespmem:$0x19320] =	vst v63  }
0x8f: {  	p0 =	por p0, p0;
	s17 =	sshll.u32 @!p5 s24, $0x4  }
0x90: {  	s18 =	sshll.u32 @!p5 s24, $0x5;
	p2 =	por p5, p5;
	s17 =	sand.u32 @!p5 $0x70, s17  }
0x91: {  	p0 =	por p0, p0;
	s18 =	sand.u32 @!p2 $0x3FFF00, s18;
	s17 =	sadd.s32 @!p5 s2, s17  }
0x92: {  	p5 =	por p6, p6;
	s17 =	sadd.s32 @!p2 s18, s17;
	s18 =	sshll.u32 @!p6 s22, $0xA  }
0x93: {  	[tilespmem:s23], [sflag:$0x1] =	stream.strided.gather @!p2 [hbm:s17], $0x100, s20, s20, $0x38;
	[tilespmem:$0x19320] =	vst v63  }
0x94: {  	s17 =	sadd.s32 @!p6 $0x1, s16;
	p2 =	por p5, p5;
	s20 =	spop @!p3 (v2sf)  }
0x95: {  	s19 =	sshll.u32 @!p2 s21, $0x4;
	s21 =	sshll.u32 @!p2 s21, $0x5;
	s22 =	spop (v2sf)  }
0x96: {  	s19 =	sand.u32 @!p2 $0x70, s19;
	s22 =	simm.s32 @p0 $0xFFFFFFFF;
	s31 =	spop (v2sf)  }
0x97: {  	s19 =	sadd.s32 @!p2 s2, s19;
	p0 =	por p2, p2;
	p2 =	seq.s32 s31, s22  }
0x98: {  	s17 =	smov.u32 @p6 s16;
	s16 =	sshra.s32 @!p6 s18, $0x2;
	s18 =	sand.u32 @!p0 $0x3FFF00, s21;
	vm0 =	vgt.s32 @!p2 v1, $0x0  }
0x99: {  	s16 =	sadd.s32 @!p6 s16, s14;
	s21 =	simm.s32 @!p6 $0x80;
	s18 =	sadd.s32 @!p0 s18, s19;
	v1 =	vnsel @!p2 vm0, $0x0, v1  }
0x9a: {  	[tilespmem:s16], [sflag:$0x1] =	stream.strided.gather @!p0 [hbm:s18], $0x100, s21, s21, $0x38;
	v1 =	vmin.u32 @!p2 v1, $0x1387F;
	[tilespmem:$0x19320] =	vst v63  }
0x9b: {  	p4 =	por p4, p4;
	p5 =	por p3, p3;
	s18 =	spop @!p1 (v2sf);
	(v2sf) =	vpush @!p2 v1, $0x0  }
0x9c: {  	s16 =	sadd.s32 @!p3 $0x1, s17;
	p0 =	por p4, p4;
	s19 =	spop (v2sf)  }
0x9d: {  	s16 =	smov.u32 @p3 s17;
	s19 =	simm.s32 @p0 $0xFFFFFFFF;
	s24 =	spop (v2sf)  }
0x9e: {  	s17 =	sshll.u32 @!p3 s17, $0xA;
	p0 =	por p5, p5;
	p4 =	seq.s32 s24, s19  }
0x9f: {  	p6 =	por p1, p1;
	s17 =	sshra.s32 @!p3 s17, $0x2;
	s21 =	sshll.u32 @!p0 s20, $0x4;
	vm0 =	vgt.s32 @!p4 v2, $0x0  }
0xa0: {  	s20 =	sshll.u32 @!p0 s20, $0x5;
	p5 =	por p0, p0;
	s21 =	sand.u32 @!p0 $0x70, s21;
	v1 =	vnsel @!p4 vm0, $0x0, v2  }
0xa1: {  	s17 =	sadd.s32 @!p3 s17, s14;
	s20 =	sand.u32 @!p5 $0x3FFF00, s20;
	s21 =	sadd.s32 @!p0 s2, s21;
	v1 =	vmin.u32 @!p4 v1, $0x1387F  }
0xa2: {  	s19 =	simm.s32 @!p3 $0x80;
	p0 =	por p6, p6;
	s20 =	sadd.s32 @!p5 s20, s21;
	(v2sf) =	vpush @!p4 v1, $0x0  }
0xa3: {  	[tilespmem:s17], [sflag:$0x1] =	stream.strided.gather @!p5 [hbm:s20], $0x100, s19, s19, $0x38;
	[tilespmem:$0x19320] =	vst v63  }
0xa4: {  	p3 =	por p0, p0;
	s19 =	sshll.u32 @!p0 s18, $0x4  }
0xa5: {  	s17 =	sshll.u32 @!p1 s16, $0xA;
	s18 =	sshll.u32 @!p0 s18, $0x5;
	s19 =	sand.u32 @!p0 $0x70, s19  }
0xa6: {  	s17 =	sshra.s32 @!p1 s17, $0x2;
	s18 =	sand.u32 @!p3 $0x3FFF00, s18;
	s19 =	sadd.s32 @!p0 s2, s19  }
0xa7: {  	s20 =	simm.s32 @!p1 $0x80;
	s17 =	sadd.s32 @!p1 s17, s14;
	s18 =	sadd.s32 @!p3 s18, s19  }
0xa8: {  	[tilespmem:s17], [sflag:$0x1] =	stream.strided.gather @!p3 [hbm:s18], $0x100, s20, s20, $0x38;
	[tilespmem:$0x19320] =	vst v63  }
0xa9: {  	p5 =	por p2, p2;
	s17 =	sadd.s32 @!p1 $0x1, s16  }
0xaa: {  	p0 =	por p5, p5;
	s17 =	smov.u32 @p1 s16;
	s16 =	spop @!p2 (v2sf)  }
0xab: {  	p1 =	por p0, p0;
	s19 =	sshll.u32 @!p0 s16, $0x4  }
0xac: {  	s18 =	sshll.u32 @!p2 s17, $0xA;
	s16 =	sshll.u32 @!p0 s16, $0x5;
	s19 =	sand.u32 @!p0 $0x70, s19  }
0xad: {  	s18 =	sshra.s32 @!p2 s18, $0x2;
	s16 =	sand.u32 @!p1 $0x3FFF00, s16;
	s19 =	sadd.s32 @!p0 s2, s19  }
0xae: {  	s20 =	simm.s32 @!p2 $0x80;
	s18 =	sadd.s32 @!p2 s18, s14;
	s16 =	sadd.s32 @!p1 s16, s19  }
0xaf: {  	[tilespmem:s18], [sflag:$0x1] =	stream.strided.gather @!p1 [hbm:s16], $0x100, s20, s20, $0x38;
	[tilespmem:$0x19320] =	vst v63  }
0xb0: {  	p6 =	por p4, p4;
	s16 =	sadd.s32 @!p2 $0x1, s17  }
0xb1: {  	p0 =	por p6, p6;
	s18 =	spop @!p4 (v2sf);
	s16 =	smov.u32 @p2 s17  }
0xb2: {  	s17 =	sshll.u32 @!p0 s18, $0x4;
	s19 =	sadd.s32 @!p4 $0x1, s16  }
0xb3: {  	s20 =	sshll.u32 @!p4 s16, $0xA;
	s18 =	sshll.u32 @!p0 s18, $0x5;
	s17 =	sand.u32 @!p0 $0x70, s17  }
0xb4: {  	s19 =	smov.u32 @p4 s16;
	s17 =	sadd.s32 @!p0 s2, s17;
	p0 =	por p0, p0  }
0xb5: {  	s16 =	sshra.s32 @!p4 s20, $0x2;
	s20 =	simm.s32 @!p4 $0x80;
	s18 =	sand.u32 @!p0 $0x3FFF00, s18  }
0xb6: {  	s16 =	sadd.s32 @!p4 s16, s14;
	s25 =	sshll.u32 s19, $0x8;
	s17 =	sadd.s32 @!p0 s18, s17  }
0xb7: {  	[tilespmem:s16], [sflag:$0x1] =	stream.strided.gather @!p0 [hbm:s17], $0x100, s20, s20, $0x38;
	[tilespmem:$0x19320] =	vst v63  }
0xb8: {  	s16 =	sand.u32 $0x3FFFFF00, s25  }
0xb9: {  	_ =	swait.ge [sflag:s4], s16  }
0xba: {  	s16 =	ssub.s32 $0x0, s16;
	[sflag:s4] =	ssyncset.done $0x0  }
0xbb: {  	s26 =	sadd.s32 $0x0, s15;
	[sflag:s4] =	ssyncadd.s32 s16  }
0xbc: {  	v1 =	vld.msk [tilespmem:s26+$0x0 ss:$0x1], $0x1;
	_ =	sdelay $0x4  }
0xbd: {  	(v2sf) =	vpush v1, $0x0;
	_ =	sdelay $0xc  }
0xbe: {  	p0 =	por $0x0, $0x0;
	s16 =	simm.s32 $0x1  }
0xbf: {  	s16 =	simm.s32 @!p0 $0x2  }
0xc0: {  	v1 =	vmov s16;
	s28 =	spop (v2sf)  }
0xc1: {  	vm15 =	vgt.u32 v1, v0;
	s29 =	sshll.u32 s28, $0x8;
	s17 =	sshll.u32 s28, $0x7  }
0xc2: {  	s16 =	sand.u32 $0xFFFFF800, s29;
	s17 =	sand.u32 $0x380, s17  }
0xc3: {  	s16 =	sor.u32 s17, s16  }
0xc4: {  	s30 =	sadd.s32 $0x0, s14;
	s31 =	sadd.s32 $0x0, s13;
	s16 =	sshrl.u32 s16, $0x3  }
0xc5: {  	s19 =	simm.s32 $0x8;
	s18 =	simm.s32 $0x4;
	s16 =	sadd.s32 s7, s16  }
0xc6: {  	[hbm:s16] =	stream.strided.scatter [tilespmem:s30], [sflag:$0x3], $0x100, s11, s11, $0x38;
	[tilespmem:$0x19320] =	vst v63  }
0xc7: {  	p1 =	por p0, p0;
	s17 =	simm.s32 $0x1;
	s16 =	simm.s32 $0x0;
	v1 =	vld.msk [tilespmem:s31+$0x0 ss:$0x1], vm15  }
.LBB2_5:
0xc8: {  	p2 =	sne.s32 s19, $0x31C;
	s20 =	sadd.s32 s17, s15  }
0xc9: {  	v2 =	vld.msk [tilespmem:s20+$0x0 ss:$0x1], $0x1;
	_ =	sdelay $0x3  }
0xca: {  	(v2sf) =	vpush v1, $0x1  }
0xcb: {  	(v2sf) =	vpush v1, $0x0  }
0xcc: {  	(v2sf) =	vpush v2, $0x0;
	_ =	sdelay $0xb  }
0xcd: {  	p0 =	seq.s32 s18, $0x31C;
	s18 =	smov.u32 s19;
	s20 =	simm.s32 $0x1  }
0xce: {  	s20 =	simm.s32 @!p0 $0x2;
	s21 =	spop (v2sf)  }
0xcf: {  	s21 =	simm.s32 @p1 $0xFFFFFFFF;
	s22 =	spop (v2sf);
	p1 =	por p0, p0  }
0xd0: {  	v1 =	vmov s20;
	s20 =	spop (v2sf);
	p0 =	sne.s32 s22, s21;
	s22 =	simm.s32 $0x1  }
0xd1: {  	vm0 =	vgt.u32 v1, v0;
	s21 =	sshll.u32 s20, $0x8;
	s20 =	sshll.u32 s20, $0x7;
	s22 =	simm.s32 @!p0 $0x0  }
0xd2: {  	s21 =	sand.u32 $0xFFFFF800, s21;
	s20 =	sand.u32 $0x380, s20;
	s16 =	sadd.s32 s22, s16  }
.Ltmp4:
0xd3: {  	s20 =	sor.u32 s20, s21;
	s21 =	sshll.u32 s16, $0xA;
	(pc) =	sbr.rel @p2 .LBB2_5-.Ltmp4, $4  }
0xd4: {  	s20 =	sshrl.u32 s20, $0x3;
	s21 =	sshra.s32 s21, $0x2  }
0xd5: {  	s22 =	sadd.s32 s17, s13;
	s21 =	sadd.s32 s21, s14;
	s20 =	sadd.s32 s7, s20  }
0xd6: {  	[hbm:s20] =	stream.strided.scatter [tilespmem:s21], [sflag:$0x3], $0x100, s11, s11, $0x38;
	[tilespmem:$0x19320] =	vst v63  }
0xd7: {  	s19 =	sadd.s32 $0x4, s19;
	s17 =	sshra.s32 s18, $0x2;
	v1 =	vld.msk [tilespmem:s22+$0x0 ss:$0x1], vm0  }
.Ltmp5:
0xd8: {  	_ = 	snop;
	(pc) =	sbr.rel .LBB2_6-.Ltmp5, $1  }
0xd9: {  	_ =	sdelay $0x3  }
.LBB2_8:
0xda: {  	_ =	sfence.sel $0x180000  }
0xdb: {  	s2 =	simm.s32 $0x2;
	[bflag:$0x0] =	sbarrier.arrive $0xFFFF  }
0xdc: {  	s30 =	simm.s32 $0x3;
	[sflag:s2] =	ssyncpa.u1 $0x1  }
0xdd: {  	s31 =	simm.s32 $0x1;
	[sflag:s30] =	ssyncpa.u1 $0x1  }
0xde: {  	[sflag:s31] =	ssyncpa.u1 $0x1  }
0xdf: {  	p0 =	sne.s32 s1, $0x0;
	_ =	strace $0x9000004D  }
0xe0: {  	s0 =	sadd.s32 @!p0 $0x100000, s0;
	[bflag:$0x2] =	sbarrier.arrive $0xFFFF  }
0xe1: {  	[sflag:s0] =	ssyncadd.tile.s32 @!p0 $0x1;
	_ =	shalt  }
.Lfunc_end2:
_tile_overlayer_lowered:
.L_overlay_start_2:
0xe2: {  	(tag) =	ssettag $0x2  }
0xe3: {  	s0 =	rddreg [dreg:$0x0];
	s2 =	stileid.u32  }
0xe4: {  	s1 =	rddreg [dreg:$0x1];
	p0 =	sne.s32 s2, $0x0  }
0xe5: {  	s3 =	rddreg [dreg:$0x2];
	[bflag:$0x3] =	sbarrier.arrive $0xFFFF;
	s2 =	simm.s32 @!p0 $0x1C01  }
0xe6: {  	[timem:s3], [sflag:s2] =	dma.local @!p0 [hbm:s0], s1  }
0xe7: {  	s0 =	simm.s32 @!p0 $0x1  }
0xe8: {  	_ =	swait.ge @!p0 [sflag:s0], s1  }
0xe9: {  	s1 =	ssub.s32 @!p0 $0x0, s1;
	[sflag:s0] =	ssyncset.done @!p0 $0x0  }
0xea: {  	[sflag:s0] =	ssyncadd.s32 @!p0 s1  }
0xeb: {  	[bflag:$0x3] =	sbarrier.arrive $0xFFFF  }
0xec: {  	_ =	shalt  }

// kernel: scatter_offload_async_start.1
scs
__scs_entry_jumppad:
0x0: {  	(pc) =	sbr.rel $0x88, $3  }
0x1: {  	(tag) =	ssettag $0x0;
	lr =	simm.s32 $0x1  }
0x2: {  	[smem:$0x3F97] =	sst lr;
	_ =	strace $0xD0000000  }
0x3: {  	_ = 	snop  }
0x4: {  	_ = 	snop  }
0x5: {  	_ = 	snop  }
0x6: {  	_ = 	snop  }
0x7: {  	_ = 	snop  }
__scs_overlays_trampoline_lowered:
0x8: {  	[smem:$0x3FA6] =	sst s0  }
0x9: {  	[smem:$0x3FA7] =	sst s1  }
0xa: {  	[smem:$0x3FA8] =	sst s2  }
0xb: {  	[smem:$0x3FA9] =	sst s3  }
0xc: {  	[smem:$0x3FAA] =	sst s4  }
0xd: {  	[smem:$0x3FAB] =	sst s5  }
0xe: {  	[smem:$0x3FAC] =	sst s6  }
0xf: {  	[smem:$0x3FAD] =	sst s7  }
0x10: {  	[smem:$0x3FAE] =	sst s8  }
0x11: {  	[smem:$0x3FAF] =	sst s9;
	s0 =	simm.s32 @!p0 $0x0  }
0x12: {  	s1 =	sld [smem:$0x3F95];
	s0 =	simm.s32 @p0 $0x1  }
0x13: {  	[smem:$0x3FB0] =	sst s0;
	s0 =	simm.s32 @!p1 $0x0  }
0x14: {  	s2 =	sld [smem:$0x3F94];
	s0 =	simm.s32 @p1 $0x1  }
0x15: {  	[smem:$0x3FB1] =	sst s0;
	s0 =	simm.s32 @!p2 $0x0  }
0x16: {  	s3 =	sld [smem:$0x3FDB];
	s0 =	simm.s32 @p2 $0x1  }
0x17: {  	s4 =	simm.s32 $0x1BF5;
	[smem:$0x3FB3] =	sst s0  }
0x18: {  	s0 =	sld [smem:$0x3F96];
	_ =	swait.ge [sflag:s4], $0x0  }
0x19: {  	s7 =	sld [smem:$0x3F97]  }
0x1a: {  	s8 =	sadd.s32 $0xFFFFE003, lr  }
0x1b: {  	s9 =	sadd.s32 $0xFFFFFEF7, lr;
	s5 =	simm.s32 $0xFFFFFFFF;
	p2 =	slt.u32 s8, $0xFFFFF086  }
0x1c: {  	p1 =	slt.u32 s9, $0xF7A;
	s5 =	simm.s32 @!p2 $0x0  }
0x1d: {  	s5 =	simm.s32 @p1 $0x1;
	p0 =	seq.s32 s7, s2  }
0x1e: {  	s7 =	smul.u32 @!p0 $0xF7A, s2;
	p2 =	seq.s32 @!p0 s5, $0x0  }
0x1f: {  	s9 =	smul.u32 $0xF7A, s1;
	s8 =	simm.s32 @!p0 $0x1BF5;
	p2 =	por !p2, p0  }
0x20: {  	[sflag:s8] =	ssyncset.s32 @!p0 $0xFFFFF086;
	s6 =	sadd.s32 @!p0 s3, s7;
	s7 =	simm.s32 @!p0 $0x108  }
0x21: {  	s3 =	sadd.s32 s3, s9;
	s6 =	sadd.s32 @!p0 $0x88, s6;
	s7 =	simm.s32 @p2 $0x1082  }
0x22: {  	[simem:s7], [sflag:s8] =	dma.local @!p0 [hbm:s6], $0xF7A  }
0x23: {  	s9 =	sor.u32 $0xD0000000, s2;
	s6 =	simm.s32 $0x108;
	_ =	swait.ge @!p0 [sflag:s8], $0x0  }
0x24: {  	s3 =	sadd.s32 $0x88, s3;
	s6 =	simm.s32 @!p1 $0x1082;
	[sflag:s4] =	ssyncset.s32 $0xFFFFF086  }
0x25: {  	[simem:s6], [sflag:s4] =	dma.local [hbm:s3], $0xF7A  }
0x26: {  	[smem:$0x3F97] =	sst s1;
	(tag) =	ssettag s2;
	_ =	strace s9  }
0x27: {  	s1 =	sld [smem:$0x3FA7]  }
0x28: {  	s2 =	sld [smem:$0x3FA8]  }
0x29: {  	s4 =	sld [smem:$0x3FAA]  }
0x2a: {  	p0 =	seq.s32 s5, $0x0;
	s5 =	sld [smem:$0x3FAB]  }
0x2b: {  	s6 =	sld [smem:$0x3FAC]  }
0x2c: {  	s7 =	sld [smem:$0x3FAD]  }
0x2d: {  	s3 =	simm.s32 $0x108;
	s8 =	sld [smem:$0x3FAE]  }
0x2e: {  	s3 =	simm.s32 @!p0 $0x1082;
	s9 =	sld [smem:$0x3FAF]  }
0x2f: {  	lr =	sadd.s32 s0, s3;
	s0 =	sld [smem:$0x3FA6]  }
0x30: {  	s3 =	sld [smem:$0x3FA9]  }
0x31: {  	[smem:$0x3FB2] =	sst s10  }
0x32: {  	s10 =	sld [smem:$0x3FB0];
	_ =	sdelay $0x3  }
0x33: {  	p0 =	seq.s32 s10, $0x1;
	s10 =	sld [smem:$0x3FB2];
	_ =	sdelay $0x3  }
0x34: {  	[smem:$0x3FB2] =	sst s10  }
0x35: {  	s10 =	sld [smem:$0x3FB1];
	_ =	sdelay $0x3  }
0x36: {  	p1 =	seq.s32 s10, $0x1;
	s10 =	sld [smem:$0x3FB2];
	_ =	sdelay $0x3  }
0x37: {  	[smem:$0x3FB2] =	sst s10  }
0x38: {  	s10 =	sld [smem:$0x3FB3]  }
0x39: {  	_ = 	snop;
	(pc) =	sbr.ind lr, $3  }
0x3a: {  	_ = 	snop  }
0x3b: {  	_ = 	snop  }
0x3c: {  	p2 =	seq.s32 s10, $0x1;
	s10 =	sld [smem:$0x3FB2]  }
0x3d: {  	_ =	shalt  }
0x3e: {  	_ =	shalt  }
0x3f: {  	_ =	shalt  }
0x40: {  	_ =	shalt  }
0x41: {  	_ =	shalt  }
0x42: {  	_ =	shalt  }
0x43: {  	_ =	shalt  }
0x44: {  	_ =	shalt  }
0x45: {  	_ =	shalt  }
0x46: {  	_ =	shalt  }
0x47: {  	_ =	shalt  }
0x48: {  	_ =	shalt  }
0x49: {  	_ =	shalt  }
0x4a: {  	_ =	shalt  }
0x4b: {  	_ =	shalt  }
0x4c: {  	_ =	shalt  }
0x4d: {  	_ =	shalt  }
0x4e: {  	_ =	shalt  }
0x4f: {  	_ =	shalt  }
0x50: {  	_ =	shalt  }
0x51: {  	_ =	shalt  }
0x52: {  	_ =	shalt  }
0x53: {  	_ =	shalt  }
0x54: {  	_ =	shalt  }
0x55: {  	_ =	shalt  }
0x56: {  	_ =	shalt  }
0x57: {  	_ =	shalt  }
0x58: {  	_ =	shalt  }
0x59: {  	_ =	shalt  }
0x5a: {  	_ =	shalt  }
0x5b: {  	_ =	shalt  }
0x5c: {  	_ =	shalt  }
0x5d: {  	_ =	shalt  }
0x5e: {  	_ =	shalt  }
0x5f: {  	_ =	shalt  }
0x60: {  	_ =	shalt  }
0x61: {  	_ =	shalt  }
0x62: {  	_ =	shalt  }
0x63: {  	_ =	shalt  }
0x64: {  	_ =	shalt  }
0x65: {  	_ =	shalt  }
0x66: {  	_ =	shalt  }
0x67: {  	_ =	shalt  }
0x68: {  	_ =	shalt  }
0x69: {  	_ =	shalt  }
0x6a: {  	_ =	shalt  }
0x6b: {  	_ =	shalt  }
0x6c: {  	_ =	shalt  }
0x6d: {  	_ =	shalt  }
0x6e: {  	_ =	shalt  }
0x6f: {  	_ =	shalt  }
0x70: {  	_ =	shalt  }
0x71: {  	_ =	shalt  }
0x72: {  	_ =	shalt  }
0x73: {  	_ =	shalt  }
0x74: {  	_ =	shalt  }
0x75: {  	_ =	shalt  }
0x76: {  	_ =	shalt  }
0x77: {  	_ =	shalt  }
0x78: {  	_ =	shalt  }
0x79: {  	_ =	shalt  }
0x7a: {  	_ =	shalt  }
0x7b: {  	_ =	shalt  }
0x7c: {  	_ =	shalt  }
0x7d: {  	_ =	shalt  }
0x7e: {  	_ =	shalt  }
0x7f: {  	_ =	shalt  }
0x80: {  	_ =	shalt  }
0x81: {  	_ =	shalt  }
0x82: {  	_ =	shalt  }
0x83: {  	_ =	shalt  }
0x84: {  	_ =	shalt  }
0x85: {  	_ =	shalt  }
0x86: {  	_ =	shalt  }
0x87: {  	_ =	shalt  }
.Lfunc_end0:
.L_simem_size_0:
called_computation.1_lowered:
.L_overlay_start_0:
0x88: {  	s2 =	sld [smem:$0x3FD9]  }
0x89: {  	s3 =	sld [smem:$0x3FFE];
	_ =	sdelay $0x1  }
0x8a: {  	s1 =	srdreg.scid  }
0x8b: {  	s0 =	sand.u32 $0x1, s1  }
0x8c: {  	s17 =	sshll.u32 s0, $0xA;
	s2 =	sadd.s32 s3, s2  }
0x8d: {  	s2 =	sadd.s32 s2, s17  }
0x8e: {  	[smem:$0x3FBE] =	sst s2  }
0x8f: {  	_ = 	snop  }
0x90: {  	s18 =	sld [smem:$0x3FD0];
	(tm) =	ssettm $0x1  }
0x91: {  	s19 =	sld [smem:$0x3FFB];
	_ =	sdelay $0x3  }
0x92: {  	_ =	strace s19  }
0x93: {  	s2 =	sld [smem:$0x3FFC];
	_ =	sdelay $0x3  }
0x94: {  	_ =	strace s2  }
0x95: {  	s2 =	sld [smem:$0x3FFD];
	_ =	sdelay $0x3  }
0x96: {  	_ =	strace s2  }
0x97: {  	_ =	strace $0x8FFFFFFF  }
0x98: {  	s20 =	sld [smem:$0x3FDB];
	_ =	sdelay $0x1  }
0x99: {  	s4 =	simm.s32 $_scs_section_size  }
0x9a: {  	s5 =	simm.s32 $_size__tile_overlayer_lowered;
	s6 =	simm.s32 $_tile_overlayer_lowered  }
0x9b: {  	s7 =	simm.s32 $0x1BFF;
	s21 =	sshll.u32 s6, $0x1;
	s4 =	sadd.s32 s4, s20  }
0x9c: {  	s22 =	simm.s32 $0x0;
	s5 =	sshll.u32 s5, $0x1;
	s6 =	sadd.s32 s21, s4  }
0x9d: {  	[timem:s22], [sflag:s7] =	dma.local [hbm:s6], s5  }
0x9e: {  	_ =	swait.ge [sflag:s7], s5  }
0x9f: {  	s5 =	ssub.s32 $0x0, s5;
	[sflag:s7] =	ssyncset.done $0x0  }
0xa0: {  	[sflag:s7] =	ssyncadd.s32 s5;
	_ =	sdelay $0x1  }
0xa1: {  	s23 =	simm.s32 $0x1B8B  }
0xa2: {  	_ =	swait.ge [sflag:s23], $0x1  }
0xa3: {  	[sflag:s23] =	ssyncset.done $0x0  }
0xa4: {  	[sflag:s23] =	ssyncadd.s32 $0xFFFFFFFF  }
0xa5: {  	s5 =	sld [smem:$0x0]  }
0xa6: {  	s6 =	sand.u32 $0xFFFFFFFE, s1  }
0xa7: {  	p0 =	sne.s32 s1, s6  }
0xa8: {  	s6 =	sshll.u32 @p0 s6, $0xE  }
0xa9: {  	s6 =	sadd.s32 @p0 $0x11B8D, s6;
	s7 =	sshll.u32 @p0 s5, $0x11  }
0xaa: {  	s6 =	sor.u32 @p0 s7, s6  }
0xab: {  	[sflag:s6] =	ssyncadd.remote.s32 @p0 $0x1;
	_ =	sdelay $0x1  }
0xac: {  	s6 =	simm.s32 @p0 $0x1B8D  }
0xad: {  	_ =	swait.eq @p0 [sflag:s6], $0x1  }
0xae: {  	[sflag:s6] =	ssyncadd.s32 @p0 $0xFFFFFFFF  }
0xaf: {  	s7 =	sshll.u32 @!p0 s1, $0xE  }
0xb0: {  	s7 =	sor.u32 @!p0 $0x4000, s7;
	s6 =	simm.s32 @!p0 $0x1B8D  }
0xb1: {  	s8 =	sshll.u32 @!p0 s5, $0x11;
	s7 =	sadd.s32 @!p0 $0x11B8D, s7;
	_ =	swait.eq @!p0 [sflag:s6], $0x1  }
0xb2: {  	[sflag:s6] =	ssyncadd.s32 @!p0 $0xFFFFFFFF;
	s6 =	sor.u32 @!p0 s8, s7  }
0xb3: {  	s25 =	simm.s32 $0x1B8E;
	s24 =	sld [smem:$0x3FFE];
	[sflag:s6] =	ssyncadd.remote.s32 @!p0 $0x1  }
0xb4: {  	s26 =	simm.s32 $execute0_lowered;
	[smem:$0x3FD2] =	sst s25  }
0xb5: {  	s7 =	sshll.u32 s26, $0x1;
	_ =	strace $0x80000049;
	[dreg:$0x1] =	wrdreg $0xFFFFFFFF  }
0xb6: {  	s28 =	simm.s32 $_size_execute0_lowered;
	s4 =	sadd.s32 s4, s7;
	[dreg:$0x0] =	wrdreg $0x0  }
0xb7: {  	s7 =	sshll.u32 s28, $0x1;
	[dreg:$0x2] =	wrdreg s4  }
0xb8: {  	[dreg:$0x3] =	wrdreg s7  }
0xb9: {  	[dreg:$0x4] =	wrdreg $0xC0  }
0xba: {  	_ =	task [dreg:s22], $0x5FFFF  }
0xbb: {  	[dreg:$0x1] =	wrdreg $0xFFFFFFFF  }
0xbc: {  	[dreg:$0x0] =	wrdreg $0x60  }
0xbd: {  	[dreg:$0x2] =	wrdreg s18  }
0xbe: {  	[dreg:$0x3] =	wrdreg s24  }
0xbf: {  	[dreg:$0x4] =	wrdreg s1  }
0xc0: {  	[dreg:$0x5] =	wrdreg s5  }
0xc1: {  	[dreg:$0x6] =	wrdreg $0xA  }
0xc2: {  	_ =	task.clear_ibuf [dreg:s22], $0x7FFFF;
	_ =	strace $0x90000049  }
0xc3: {  	s29 =	simm.s32 $0xA;
	_ =	strace $0x8000004B  }
0xc4: {  	_ =	swait.ge [sflag:s29], $0x1  }
0xc5: {  	[sflag:s29] =	ssyncadd.s32 $0xFFFFFFFF  }
0xc6: {  	_ =	strace $0x9000004B  }
0xc7: {  	_ =	sfence  }
0xc8: {  	s30 =	sld [smem:$0x0];
	_ =	sdelay $0x2  }
0xc9: {  	s31 =	sshll.u32 s1, $0xD;
	s1 =	sshrl.u32 s1, $0x2  }
0xca: {  	s4 =	sand.u32 $0x4000, s31;
	s1 =	sadd.s32 s1, s30  }
0xcb: {  	s0 =	sor.u32 s4, s0;
	s1 =	sshll.u32 s1, $0x11  }
0xcc: {  	s0 =	sor.u32 s1, s0  }
0xcd: {  	s0 =	sadd.s32 $0x8F2B, s0  }
0xce: {  	[sflag:s0] =	ssyncadd.remote.s32 $0x1  }
0xcf: {  	_ =	sfence.sel $0xFFFF  }
0xd0: {  	[dreg:$0x0] =	wrdreg $0xFFFFFFFF;
	(pc) =	sbr.abs _section_cstart, $3  }
0xd1: {  	[dreg:$0x1] =	wrdreg $0xFFFFFFFF  }
0xd2: {  	_ =	task.clear_ibuf [dreg:s22], $0x2FFFF;
	_ =	strace $0x9FFFFFFF  }
0xd3: {  	(tm) =	ssettm $0x7FFFFFFF  }
tec
execute0_lowered:
.L_overlay_start_1:
0x0: {  	(tag) =	ssettag $0x1  }
0x1: {  	s1 =	rddreg [dreg:$0x0]  }
0x2: {  	s2 =	rddreg [dreg:$0x1]  }
0x3: {  	s3 =	rddreg [dreg:$0x2];
	_ =	strace $0x8000004A;
	s0 =	simm.s32 $0x1  }
0x4: {  	s5 =	simm.s32 $0x208;
	v0 =	vimm.s32 $0x0;
	[sflag:s0] =	ssyncpa.u1 $0x0  }
0x5: {  	[tilespmem:s5+$0x70] =	vst v0  }
0x6: {  	[tilespmem:s5+$0x60] =	vst v0  }
0x7: {  	[tilespmem:s5+$0x50] =	vst v0  }
0x8: {  	[tilespmem:s5+$0x40] =	vst v0  }
0x9: {  	[tilespmem:s5+$0x30] =	vst v0  }
0xa: {  	s0 =	sadd.s32 $0xD000, s2;
	s6 =	sadd.s32 $0x26000, s2;
	[tilespmem:s5+$0x20] =	vst v0  }
0xb: {  	s4 =	sadd.s32 $0x12000, s2;
	s10 =	sand.u32 $0x1, s3;
	s2 =	simm.s32 $0x40;
	[tilespmem:s5+$0x10] =	vst v0  }
.LBB2_1:
0xc: {  	s2 =	sadd.s32 $0x40, s2;
	[tilespmem:s5+$0x0] =	vst v0;
	s5 =	sadd.s32 $0x80, s5  }
0xd: {  	p0 =	slt.u32 s2, $0x3880;
	[tilespmem:s5+$0x70] =	vst v0  }
0xe: {  	[tilespmem:s5+$0x60] =	vst v0  }
.Ltmp0:
0xf: {  	[tilespmem:s5+$0x50] =	vst v0;
	(pc) =	sbr.rel @p0 .LBB2_1-.Ltmp0, $4  }
0x10: {  	[tilespmem:s5+$0x40] =	vst v0  }
0x11: {  	[tilespmem:s5+$0x30] =	vst v0  }
0x12: {  	[tilespmem:s5+$0x20] =	vst v0  }
0x13: {  	[tilespmem:s5+$0x10] =	vst v0  }
0x14: {  	s11 =	stileid.u32  }
0x15: {  	s2 =	smul.u32 $0x2C, s11  }
0x16: {  	s3 =	smin.u32 s11, $0xB  }
0x17: {  	s2 =	sadd.s32 s3, s2  }
0x18: {  	p0 =	slt.u32 s11, $0xB;
	s20 =	smul.u32 $0x70, s2;
	s2 =	simm.s32 $0x13B0  }
0x19: {  	s2 =	simm.s32 @!p0 $0x1340  }
0x1a: {  	s2 =	sadd.s32 s2, s20  }
0x1b: {  	s8 =	smin.u32 s2, $0x13880  }
0x1c: {  	s26 =	simm.s32 $0x2;
	s2 =	ssub.s32 s8, s20  }
0x1d: {  	s9 =	simm.s32 $0x9;
	s29 =	simm.s32 $0xA;
	p0 =	sgt.s32 s2, $0x0  }
0x1e: {  	s30 =	simm.s32 $0xB;
	s31 =	smul.u32 $0x2710, s10;
	s2 =	simm.s32 @!p0 $0x0  }
0x1f: {  	[dreg:$0x5] =	wrdreg s10;
	s12 =	simm.s32 $0x1;
	s25 =	smulhi.u32 $0x92492493, s2  }
0x20: {  	s24 =	simm.s32 $0x0;
	p1 =	por $0x0, $0x0;
	s18 =	simm.s32 $0x80  }
0x21: {  	s19 =	simm.s32 $0x400;
	s17 =	simm.s32 $0xC;
	s3 =	sshrl.u32 s25, $0x6  }
0x22: {  	s21 =	simm.s32 $0x0;
	s23 =	simm.s32 $0x0;
	s28 =	smul.u32 $0x70, s3  }
.Ltmp1:
0x23: {  	[tilespmem:s5+$0x0] =	vst v0;
	v0 =	vimm.s32 $0xFFFFFFFF;
	[sflag:s26] =	ssyncpa.u1 $0x0;
	s16 =	sshll.u32 s11, $0x9;
	(pc) =	sbr.rel .LBB2_3-.Ltmp1, $4  }
0x24: {  	[tilespmem:$0xE408] =	vst v0;
	[sflag:s9] =	ssyncpa.u1 $0x0;
	p0 =	sne.s32 s2, s28;
	s2 =	simm.s32 $0x1  }
0x25: {  	s14 =	sadd.s32 s31, s4;
	[sflag:s29] =	ssyncpa.u1 $0x0;
	s2 =	simm.s32 @!p0 $0x0  }
0x26: {  	s15 =	sadd.s32 s31, s0;
	[sflag:s30] =	ssyncpa.u1 $0x0;
	s13 =	sadd.s32 s2, s3  }
0x27: {  	v0 =	vlaneseq.u32;
	s22 =	smov.u32 s20;
	p0 =	por $0x1, $0x1;
	s11 =	sadd.s32 $0x1, s13  }
.LBB2_24:
0x28: {  	s2 =	sshrl.u32 s4, $0x2  }
.LBB2_26:
0x29: {  	_ =	swait.ge [sflag:s17], s2  }
0x2a: {  	s31 =	ssub.s32 $0x0, s2;
	v1 =	vmov s26;
	vm0 =	veq.s32 v0, $0x0;
	[sflag:s17] =	ssyncset.done $0x0  }
0x2b: {  	vm15 =	veq.s32 v0, $0x2;
	v1 =	vsel vm0, s0, v1;
	[sflag:s17] =	ssyncadd.s32 s31  }
0x2c: {  	v1 =	vsel vm15, s24, v1;
	[sflag:s17] =	ssyncpa.u1 $0x1  }
0x2d: {  	[tilespmem:$0xE408] =	vst v1  }
.LBB2_27:
0x2e: {  	s0 =	sadd.s32 $0x70, s22  }
0x2f: {  	s2 =	smov.u32 s20;
	p2 =	slt.s32 s0, s8  }
0x30: {  	s2 =	smov.u32 @p2 s0;
	p2 =	sne.s32 s23, s11  }
.Ltmp2:
0x31: {  	_ = 	snop;
	(pc) =	sbr.rel @!p2 .LBB2_28-.Ltmp2, $4  }
0x32: {  	_ = 	snop  }
0x33: {  	s24 =	smov.u32 s21  }
0x34: {  	s31 =	sadd.s32 $0x1, s23;
	s21 =	smov.u32 s22;
	p0 =	por !p0, !p0  }
0x35: {  	p1 =	por !p1, !p1;
	s23 =	smov.u32 s31;
	s22 =	smov.u32 s2  }
.LBB2_3:
0x36: {  	p2 =	sge.u32 s23, s13  }
0x37: {  	s0 =	smulhi.u32 @!p2 $0xAAAAAAAB, s23  }
0x38: {  	s2 =	smov.u32 s22;
	p3 =	sgt.s32 @!p2 s22, $0x13810  }
0x39: {  	s3 =	sshra.s32 @!p2 s22, $0x1F;
	p3 =	por !p3, p2;
	s0 =	sshrl.u32 @!p2 s0, $0x1  }
0x3a: {  	s3 =	sand.u32 @!p2 s3, s22;
	s2 =	simm.s32 @p3 $0x13810;
	s0 =	smul.u32 @!p2 $0x3, s0  }
0x3b: {  	s2 =	ssub.s32 @!p2 s2, s3  }
0x3c: {  	s2 =	sadd.s32 @!p2 $0xFFFEC7F0, s2;
	s0 =	ssub.s32 @!p2 s23, s0  }
0x3d: {  	s3 =	sshll.u32 @!p2 s2, $0x2;
	p3 =	sgt.s32 @!p2 s2, $0x6F;
	s0 =	smul.u32 @!p2 $0x1C0, s0  }
0x3e: {  	s4 =	sand.u32 @!p2 $0x7, s22;
	s2 =	ssub.s32 @!p2 $0x1C0, s3;
	p3 =	por !p3, p2  }
0x3f: {  	s3 =	sshrl.u32 @!p2 s22, $0x3;
	s2 =	sshrl.u32 @!p2 s2, $0x2;
	s0 =	sshrl.u32 @!p2 s0, $0x2  }
0x40: {  	s3 =	sadd.s32 @!p2 s3, s14;
	s2 =	simm.s32 @!p3 $0x0;
	s0 =	sadd.s32 @!p2 $0x10448, s0  }
0x41: {  	[tilespmem:s0], [sflag:$0xA] =	stream.linear.gather @!p2 [hbm4b:s3+s4], s2, $0x38;
	[tilespmem:$0x1E678] =	vst v63  }
0x42: {  	s2 =	sadd.s32 $0xFFFFFFFF, s23  }
0x43: {  	p2 =	sge.u32 s2, s13  }
0x44: {  	p3 =	sgt.s32 @!p2 s21, $0x13810  }
0x45: {  	s0 =	smov.u32 s21;
	s3 =	sshra.s32 @!p2 s21, $0x1F;
	p3 =	por !p3, p2  }
0x46: {  	s3 =	sand.u32 @!p2 s3, s21;
	s0 =	simm.s32 @p3 $0x13810  }
0x47: {  	s0 =	ssub.s32 @!p2 s0, s3  }
0x48: {  	s0 =	sadd.s32 @!p2 $0xFFFEC7F0, s0  }
0x49: {  	s3 =	sshll.u32 @!p2 s0, $0x2  }
0x4a: {  	p3 =	sgt.s32 @!p2 s0, $0x6F;
	s0 =	ssub.s32 @!p2 $0x1C0, s3  }
0x4b: {  	p3 =	por !p3, p2;
	s0 =	sshrl.u32 @!p2 s0, $0x2  }
0x4c: {  	s4 =	simm.s32 @!p2 $0xA;
	s3 =	sand.u32 @!p2 $0x1, s2;
	s0 =	simm.s32 @!p3 $0x0  }
0x4d: {  	s3 =	smul.u32 @!p2 $0x1C0, s3;
	_ =	swait.ge @!p2 [sflag:s4], s0  }
0x4e: {  	s5 =	ssub.s32 @!p2 $0x0, s0;
	[sflag:s4] =	ssyncset.done @!p2 $0x0  }
0x4f: {  	s3 =	sshrl.u32 @!p2 s3, $0x2;
	[sflag:s4] =	ssyncadd.s32 @!p2 s5;
	s4 =	sshrl.u32 @!p2 s21, $0x3  }
0x50: {  	s3 =	sadd.s32 @!p2 $0x10598, s3;
	s5 =	sand.u32 @!p2 $0x7, s21;
	s4 =	sadd.s32 @!p2 s4, s15  }
0x51: {  	[tilespmem:s3], [sflag:$0xB] =	stream.linear.gather @!p2 [hbm4b:s4+s5], s0, $0x38;
	[tilespmem:$0x1E678] =	vst v63  }
0x52: {  	s0 =	ssub.s32 @!p2 $0x13880, s21  }
0x53: {  	p3 =	slt.s32 @!p2 s0, $0x1  }
0x54: {  	p3 =	por p2, p3  }
.Ltmp3:
0x55: {  	_ = 	snop;
	(pc) =	sbr.rel @p3 .LBB2_9-.Ltmp3, $1  }
0x56: {  	_ =	sdelay $0x3  }
0x57: {  	s3 =	smulhi.u32 $0xAAAAAAAB, s2;
	_ =	sdelay $0x1  }
0x58: {  	s3 =	sshrl.u32 s3, $0x1  }
0x59: {  	s3 =	smul.u32 $0x3, s3;
	_ =	sdelay $0x1  }
0x5a: {  	s30 =	ssub.s32 s2, s3  }
0x5b: {  	s4 =	simm.s32 $0x1;
	s2 =	smul.u32 $0x1C0, s30  }
.Ltmp4:
0x5c: {  	s4 =	simm.s32 @!p0 $0x0;
	(pc) =	sbr.rel .LBB2_6-.Ltmp4, $4  }
0x5d: {  	s31 =	smul.u32 $0x1C000, s4  }
0x5e: {  	p3 =	slt.s32 @!p2 s0, $0x70;
	s2 =	sshrl.u32 s2, $0x2  }
0x5f: {  	p2 =	por !p3, p2;
	s3 =	sshrl.u32 s31, $0x2;
	s5 =	sadd.s32 $0x10448, s2  }
0x60: {  	s0 =	simm.s32 @p2 $0x70;
	s4 =	sor.u32 $0x10678, s3;
	s2 =	simm.s32 $0x0;
	v1 =	vmov s5  }
.LBB2_5:
0x61: {  	p2 =	sge.s32 s2, s0  }
.Ltmp5:
0x62: {  	_ = 	snop;
	(pc) =	sbr.rel @p2 .LBB2_9-.Ltmp5, $2  }
0x63: {  	_ =	sdelay $0x2  }
0x64: {  	s4 =	sadd.s32 $0x1000, s4  }
.LBB2_6:
0x65: {  	p2 =	sle.s32 s0, s2  }
.Ltmp6:
0x66: {  	_ = 	snop;
	(pc) =	sbr.rel @p2 .LBB2_5-.Ltmp6, $2  }
0x67: {  	_ =	sdelay $0x2  }
0x68: {  	s5 =	smov.u32 s2;
	s2 =	sadd.s32 $0x10, s2  }
0x69: {  	s3 =	ssub.s32 s0, s5  }
0x6a: {  	p2 =	slt.s32 s3, $0x10  }
0x6b: {  	s3 =	simm.s32 @!p2 $0x10  }
0x6c: {  	v2 =	vmov s3  }
0x6d: {  	vm0 =	vgt.s32 v2, v0;
	_ =	sdelay $0x5  }
0x6e: {  	v2 =	vld.idx.msk [tilespmem:v1+s5+$0x0 ss:$0x1], vm0;
	_ =	sdelay $0x2  }
0x6f: {  	p2 =	slt.s32 s2, s0;
	s3 =	smov.u32 s0  }
0x70: {  	s9 =	smov.u32 s4;
	s25 =	simm.s32 $0x0;
	s3 =	smov.u32 @p2 s2  }
.LBB2_8:
0x71: {  	(v2sf) =	vpush v2, s25;
	_ =	sdelay $0xe  }
0x72: {  	s25 =	sadd.s32 $0x1, s25;
	s10 =	spop (v2sf)  }
0x73: {  	s31 =	sadd.s32 s25, s5;
	s26 =	sshll.u32 s10, $0x8;
	s10 =	sshll.u32 s10, $0x7  }
0x74: {  	p2 =	slt.s32 s31, s3;
	s26 =	sand.u32 $0xFFFFF800, s26;
	s10 =	sand.u32 $0x380, s10  }
.Ltmp7:
0x75: {  	s10 =	sor.u32 s10, s26;
	(pc) =	sbr.rel @p2 .LBB2_8-.Ltmp7, $4  }
0x76: {  	s10 =	sshrl.u32 s10, $0x3  }
0x77: {  	s10 =	sadd.s32 s6, s10  }
0x78: {  	[tilespmem:s9], [sflag:$0x9] =	stream.strided.gather [hbm4b:s10+s18], $0x100, s19, s18, $0x38;
	[tilespmem:$0x1E678] =	vst v63  }
0x79: {  	s9 =	sadd.s32 $0x100, s9  }
.Ltmp8:
0x7a: {  	_ = 	snop;
	(pc) =	sbr.rel .LBB2_5-.Ltmp8, $1  }
0x7b: {  	_ =	sdelay $0x3  }
.LBB2_9:
0x7c: {  	p2 =	slt.u32 s23, $0x2  }
.Ltmp9:
0x7d: {  	_ = 	snop;
	(pc) =	sbr.rel @p2 .LBB2_27-.Ltmp9, $1  }
0x7e: {  	_ =	sdelay $0x3  }
0x7f: {  	p2 =	sgt.s32 s24, $0x13810  }
0x80: {  	s0 =	smov.u32 s24;
	s2 =	sshra.s32 s24, $0x1F;
	s3 =	ssub.s32 $0x13880, s24  }
0x81: {  	s0 =	simm.s32 @!p2 $0x13810;
	s2 =	sand.u32 s2, s24;
	p2 =	slt.s32 s3, $0x70  }
0x82: {  	s0 =	ssub.s32 s0, s2;
	s3 =	simm.s32 @!p2 $0x70  }
0x83: {  	s0 =	sadd.s32 $0xFFFEC7F0, s0;
	s9 =	sshll.u32 s3, $0x8  }
0x84: {  	s26 =	simm.s32 $0x9;
	s10 =	sshll.u32 s0, $0x2;
	s2 =	sand.u32 $0x3FFFFF00, s9  }
0x85: {  	p2 =	sgt.s32 s0, $0x6F;
	s25 =	ssub.s32 $0x1C0, s10;
	_ =	swait.ge [sflag:s26], s2  }
0x86: {  	s2 =	ssub.s32 $0x0, s2;
	[sflag:s26] =	ssyncset.done $0x0;
	s0 =	sshrl.u32 s25, $0x2  }
0x87: {  	s29 =	simm.s32 $0xB;
	[sflag:s26] =	ssyncadd.s32 s2;
	s0 =	simm.s32 @p2 $0x0  }
0x88: {  	_ =	swait.ge [sflag:s29], s0  }
0x89: {  	s0 =	ssub.s32 $0x0, s0;
	[sflag:s29] =	ssyncset.done $0x0  }
0x8a: {  	[sflag:s29] =	ssyncadd.s32 s0  }
0x8b: {  	v1 =	vld [tilespmem:$0xE408];
	_ =	sdelay $0x4  }
0x8c: {  	(v2sf) =	vpush v1, $0x0  }
0x8d: {  	(v2sf) =	vpush v1, $0x1  }
0x8e: {  	(v2sf) =	vpush v1, $0x2;
	_ =	sdelay $0x3  }
0x8f: {  	s0 =	sadd.s32 $0x70, s24  }
0x90: {  	s2 =	ssub.s32 $0x27100, s24;
	p2 =	slt.s32 s8, s0  }
0x91: {  	s0 =	smov.u32 @p2 s8;
	p2 =	sgt.s32 s2, $0x0  }
0x92: {  	s0 =	ssub.s32 s0, s24;
	s2 =	simm.s32 @!p2 $0x0  }
0x93: {  	p2 =	slt.s32 s2, s0  }
0x94: {  	s0 =	smov.u32 @p2 s2  }
0x95: {  	s4 =	simm.s32 $0x1;
	p2 =	slt.s32 s0, $0x1  }
.Ltmp10:
0x96: {  	s4 =	simm.s32 @!p1 $0x0;
	(pc) =	sbr.rel @p2 .LBB2_14-.Ltmp10, $4  }
0x97: {  	s30 =	smul.u32 $0x1C0, s4  }
0x98: {  	s5 =	spop (v2sf)  }
0x99: {  	s31 =	sshrl.u32 s30, $0x2;
	s28 =	spop (v2sf)  }
0x9a: {  	s25 =	sadd.s32 $0x10598, s31;
	s24 =	spop (v2sf)  }
0x9b: {  	s2 =	smin.u32 s0, $0x10  }
0x9c: {  	v1 =	vmov s2  }
0x9d: {  	vm1 =	vgt.u32 v1, v0  }
0x9e: {  	p3 =	sgt.s32 s0, $0x10  }
.Ltmp11:
0x9f: {  	_ = 	snop;
	(pc) =	sbr.rel @!p3 .LBB2_13-.Ltmp11, $2  }
0xa0: {  	_ =	sdelay $0x2  }
0xa1: {  	s26 =	simm.s32 $0x10;
	s29 =	sadd.s32 $0xFFFFFFF0, s0;
	s2 =	smov.u32 s25;
	vm0 =	vmmov vm1;
	v1 =	vld.msk [tilespmem:s25+$0x0 ss:$0x1], vm1  }
.LBB2_12:
0xa2: {  	s3 =	smin.u32 s29, $0x10;
	s26 =	sadd.s32 $0x10, s26  }
0xa3: {  	v2 =	vmov s3;
	p3 =	slt.s32 s26, s0  }
0xa4: {  	vm1 =	vgt.u32 v2, v0;
	_ =	sdelay $0x1  }
0xa5: {  	v2 =	vshll.u32 v1, $0x5;
	v1 =	vshll.u32 v1, $0x4  }
.Ltmp12:
0xa6: {  	v2 =	vand.u32 $0xFFFFFF00, v2;
	v1 =	vand.u32 $0x70, v1;
	(pc) =	sbr.rel @p3 .LBB2_12-.Ltmp12, $4  }
0xa7: {  	v1 =	vor.u32 v1, v2  }
0xa8: {  	[tilespmem:s2+$0x0] =	vst.msk vm0, v1;
	s2 =	sadd.s32 $0x10, s2;
	vm0 =	vmmov vm1  }
0xa9: {  	v1 =	vld.msk [tilespmem:s2+$0x0 ss:$0x1], vm1  }
0xaa: {  	s29 =	sadd.s32 $0xFFFFFFF0, s29  }
.LBB2_13:
0xab: {  	_ =	sdelay $0x3  }
0xac: {  	v2 =	vshll.u32 v1, $0x5;
	v1 =	vshll.u32 v1, $0x4  }
0xad: {  	v2 =	vand.u32 $0xFFFFFF00, v2;
	v1 =	vand.u32 $0x70, v1  }
0xae: {  	v1 =	vor.u32 v1, v2  }
0xaf: {  	[tilespmem:s2+$0x0] =	vst.msk vm0, v1  }
.LBB2_14:
0xb0: {  	s2 =	sand.u32 $0x1, s23  }
0xb1: {  	s2 =	smul.u32 $0x70, s2  }
0xb2: {  	p3 =	sne.s32 s28, $0xFFFFFFFF  }
0xb3: {  	v1 =	vld.msk @!p3 [tilespmem:s2+$0x10598], $0x1;
	_ =	sdelay $0x4  }
0xb4: {  	(v2sf) =	vpush @!p3 v1, $0x0;
	_ =	sdelay $0xc  }
.Ltmp13:
0xb5: {  	_ = 	snop;
	(pc) =	sbr.rel @p2 .LBB2_25-.Ltmp13, $4  }
0xb6: {  	_ = 	snop  }
0xb7: {  	s31 =	spop @!p3 (v2sf)  }
0xb8: {  	s24 =	simm.s32 @!p3 $0x0;
	s26 =	smov.u32 s31  }
0xb9: {  	[sflag:s17] =	ssyncpa.u1 $0x0;
	s31 =	smov.u32 @p3 s5;
	s26 =	smov.u32 @p3 s28  }
0xba: {  	v1 =	vld.msk [tilespmem:s25+$0x0], $0x1;
	_ =	sdelay $0x4  }
0xbb: {  	(v2sf) =	vpush v1, $0x0;
	_ =	sdelay $0xe  }
0xbc: {  	s7 =	smov.u32 s11;
	s5 =	spop (v2sf)  }
0xbd: {  	s17 =	smov.u32 s15;
	s2 =	smul.u32 $0x1C000, s4;
	p2 =	seq.s32 s31, s5  }
0xbe: {  	s3 =	smov.u32 s31;
	s29 =	ssub.s32 $0x0, s0;
	p3 =	sgt.s32 @!p2 s31, $0x0  }
0xbf: {  	s30 =	simm.s32 $0x0;
	s2 =	sshrl.u32 s2, $0x2;
	p3 =	por !p3, p2  }
0xc0: {  	s0 =	sadd.s32 $0x1, s29;
	s28 =	sor.u32 $0x106F8, s2;
	s3 =	simm.s32 @p3 $0x0  }
0xc1: {  	s2 =	simm.s32 @!p2 $0x1;
	p3 =	seq.s32 s0, $0x0;
	s3 =	smin.u32 @!p2 s3, $0x4E170  }
.Ltmp14:
0xc2: {  	s4 =	simm.s32 @!p2 $0x7308;
	s9 =	sand.u32 @!p2 $0x7FFF8, s3;
	(pc) =	sbr.rel @p3 .LBB2_17-.Ltmp14, $4  }
0xc3: {  	s10 =	sadd.s32 @!p2 $0x80, s3;
	s11 =	sadd.s32 @!p2 s1, s9;
	s9 =	sand.u32 @!p2 $0x7, s3  }
0xc4: {  	[tilespmem:s4], [sflag:$0x2] =	stream.linear.gather @!p2 [hbm4b:s11+s9], $0x80, $0x38;
	[tilespmem:$0x1E678] =	vst v63  }
0xc5: {  	s15 =	smov.u32 s14;
	s2 =	smov.u32 @p2 s30;
	s4 =	sand.u32 @!p2 $0xFFFF8, s10  }
0xc6: {  	s3 =	simm.s32 @!p2 $0x7388;
	s10 =	sadd.s32 @!p2 s1, s4;
	s4 =	sadd.s32 $0x1, s25  }
.LBB2_16:
0xc7: {  	s11 =	smov.u32 s2  }
0xc8: {  	[tilespmem:s3], [sflag:$0x2] =	stream.linear.gather @!p2 [hbm4b:s10+s9], $0x80, $0x38;
	[tilespmem:$0x1E678] =	vst v63  }
0xc9: {  	s0 =	sadd.s32 $0x1, s0;
	s9 =	smov.u32 s5;
	v1 =	vld.msk [tilespmem:s4+$0x0], $0x1  }
0xca: {  	p3 =	seq.s32 s0, $0x0;
	_ =	sdelay $0x3  }
0xcb: {  	(v2sf) =	vpush v1, $0x0;
	_ =	sdelay $0xe  }
0xcc: {  	s5 =	spop (v2sf)  }
0xcd: {  	p2 =	seq.s32 s9, s5  }
0xce: {  	p4 =	sgt.s32 @!p2 s9, $0x0;
	s3 =	sshll.u32 @!p2 s2, $0xA;
	s2 =	sadd.s32 @!p2 $0x1, s2  }
0xcf: {  	p4 =	por !p4, p2;
	s3 =	sshra.s32 @!p2 s3, $0x2;
	s2 =	smov.u32 @p2 s11  }
0xd0: {  	s9 =	simm.s32 @p4 $0x0;
	s10 =	sadd.s32 @!p2 $0x7308, s3;
	s3 =	sadd.s32 @!p2 $0x7388, s3  }
.Ltmp15:
0xd1: {  	s9 =	smin.u32 @!p2 s9, $0x4E170;
	(pc) =	sbr.rel @!p3 .LBB2_16-.Ltmp15, $4  }
0xd2: {  	s11 =	sand.u32 @!p2 $0x7FFF8, s9;
	s14 =	sadd.s32 @!p2 $0x80, s9  }
0xd3: {  	s9 =	sand.u32 @!p2 $0x7, s9;
	s11 =	sadd.s32 @!p2 s1, s11;
	s14 =	sand.u32 @!p2 $0xFFFF8, s14  }
0xd4: {  	[tilespmem:s10], [sflag:$0x2] =	stream.linear.gather @!p2 [hbm4b:s11+s9], $0x80, $0x38;
	[tilespmem:$0x1E678] =	vst v63  }
0xd5: {  	s4 =	sadd.s32 $0x1, s4;
	s10 =	sadd.s32 @!p2 s1, s14  }
.LBB2_17:
0xd6: {  	[tilespmem:s3], [sflag:$0x2] =	stream.linear.gather @!p2 [hbm4b:s10+s9], $0x80, $0x38;
	[tilespmem:$0x1E678] =	vst v63  }
0xd7: {  	s0 =	sshll.u32 s2, $0x8  }
.Ltmp16:
0xd8: {  	s14 =	simm.s32 $0x2;
	s0 =	sand.u32 $0x3FFFFF00, s0;
	(pc) =	sbr.rel .LBB2_18-.Ltmp16, $4  }
0xd9: {  	_ =	swait.ge [sflag:s14], s0  }
0xda: {  	s0 =	ssub.s32 $0x0, s0;
	[sflag:s14] =	ssyncset.done $0x0  }
0xdb: {  	s4 =	simm.s32 $0x0;
	s11 =	smov.u32 s7;
	[sflag:s14] =	ssyncadd.s32 s0  }
0xdc: {  	s14 =	smov.u32 s15;
	s15 =	smov.u32 s17;
	s17 =	simm.s32 $0xC  }
.LBB2_19:
0xdd: {  	v1 =	vld [tilespmem:s28+$0xFFFFFF80];
	_ =	sdelay $0x4  }
0xde: {  	[tilespmem:s5+$0x208] =	vst.add.f32.msk $0xffff, v1  }
0xdf: {  	v1 =	vld [tilespmem:s28+$0xFFFFFF90];
	_ =	sdelay $0x4  }
0xe0: {  	[tilespmem:s5+$0x218] =	vst.add.f32.msk $0xffff, v1  }
0xe1: {  	v1 =	vld [tilespmem:s28+$0xFFFFFFA0];
	_ =	sdelay $0x4  }
0xe2: {  	[tilespmem:s5+$0x228] =	vst.add.f32.msk $0xffff, v1  }
0xe3: {  	v1 =	vld [tilespmem:s28+$0xFFFFFFB0];
	_ =	sdelay $0x4  }
0xe4: {  	[tilespmem:s5+$0x238] =	vst.add.f32.msk $0xffff, v1  }
0xe5: {  	v1 =	vld [tilespmem:s28+$0xFFFFFFC0];
	_ =	sdelay $0x4  }
0xe6: {  	[tilespmem:s5+$0x248] =	vst.add.f32.msk $0xffff, v1  }
0xe7: {  	v1 =	vld [tilespmem:s28+$0xFFFFFFD0];
	_ =	sdelay $0x4  }
0xe8: {  	[tilespmem:s5+$0x258] =	vst.add.f32.msk $0xffff, v1  }
0xe9: {  	v1 =	vld [tilespmem:s28+$0xFFFFFFE0];
	_ =	sdelay $0x4  }
0xea: {  	[tilespmem:s5+$0x268] =	vst.add.f32.msk $0xffff, v1  }
0xeb: {  	v1 =	vld [tilespmem:s28+$0xFFFFFFF0];
	_ =	sdelay $0x4  }
0xec: {  	[tilespmem:s5+$0x278] =	vst.add.f32.msk $0xffff, v1  }
0xed: {  	v1 =	vld [tilespmem:s28+$0x0];
	_ =	sdelay $0x4  }
0xee: {  	[tilespmem:s5+$0x288] =	vst.add.f32.msk $0xffff, v1  }
0xef: {  	v1 =	vld [tilespmem:s28+$0x10];
	_ =	sdelay $0x4  }
0xf0: {  	[tilespmem:s5+$0x298] =	vst.add.f32.msk $0xffff, v1  }
0xf1: {  	v1 =	vld [tilespmem:s28+$0x20];
	_ =	sdelay $0x4  }
0xf2: {  	[tilespmem:s5+$0x2A8] =	vst.add.f32.msk $0xffff, v1  }
0xf3: {  	v1 =	vld [tilespmem:s28+$0x30];
	_ =	sdelay $0x4  }
0xf4: {  	[tilespmem:s5+$0x2B8] =	vst.add.f32.msk $0xffff, v1  }
0xf5: {  	v1 =	vld [tilespmem:s28+$0x40];
	_ =	sdelay $0x4  }
0xf6: {  	[tilespmem:s5+$0x2C8] =	vst.add.f32.msk $0xffff, v1  }
0xf7: {  	v1 =	vld [tilespmem:s28+$0x50];
	_ =	sdelay $0x4  }
0xf8: {  	[tilespmem:s5+$0x2D8] =	vst.add.f32.msk $0xffff, v1  }
0xf9: {  	v1 =	vld [tilespmem:s28+$0x60];
	_ =	sdelay $0x4  }
0xfa: {  	[tilespmem:s5+$0x2E8] =	vst.add.f32.msk $0xffff, v1  }
0xfb: {  	v1 =	vld [tilespmem:s28+$0x70];
	_ =	sdelay $0x4  }
0xfc: {  	[tilespmem:s5+$0x2F8] =	vst.add.f32.msk $0xffff, v1  }
.LBB2_23:
0xfd: {  	s29 =	sadd.s32 $0x1, s29  }
0xfe: {  	p2 =	seq.s32 s29, $0x0  }
.Ltmp17:
0xff: {  	_ = 	snop;
	(pc) =	sbr.rel @p2 .LBB2_24-.Ltmp17, $2  }
0x100: {  	_ =	sdelay $0x2  }
0x101: {  	s25 =	sadd.s32 $0x1, s25;
	s28 =	sadd.s32 $0x100, s28;
	s31 =	smov.u32 s0  }
.LBB2_18:
0x102: {  	v1 =	vld.msk [tilespmem:s25+$0x0], $0x1;
	_ =	sdelay $0x4  }
0x103: {  	(v2sf) =	vpush v1, $0x0;
	_ =	sdelay $0xe  }
0x104: {  	s0 =	spop (v2sf)  }
0x105: {  	p2 =	sne.s32 s31, s0  }
.Ltmp18:
0x106: {  	_ = 	snop;
	(pc) =	sbr.rel @!p2 .LBB2_19-.Ltmp18, $3  }
0x107: {  	_ =	sdelay $0x1  }
0x108: {  	s2 =	sshll.u32 s24, $0xA  }
0x109: {  	s5 =	sshra.s32 s2, $0x2  }
0x10a: {  	p2 =	seq.s32 s31, s26  }
.Ltmp19:
0x10b: {  	_ = 	snop;
	(pc) =	sbr.rel @!p2 .LBB2_21-.Ltmp19, $1  }
0x10c: {  	_ =	sdelay $0x3  }
.Ltmp20:
0x10d: {  	s2 =	sadd.s32 $0x208, s5;
	(pc) =	sbr.rel .LBB2_22-.Ltmp20, $4  }
0x10e: {  	[spmem:s16] =	stream.linear.scatter [tilespmem:s2], [sflag:$0x1], $0x100, $0x38;
	[tilespmem:$0x1E678] =	vst v63  }
0x10f: {  	_ =	swait.ge [sflag:s12], $0x100  }
0x110: {  	[sflag:s12] =	ssyncset.done $0x0  }
0x111: {  	[sflag:s12] =	ssyncadd.s32 $0xFFFFFF00  }
.LBB2_21:
0x112: {  	s2 =	sshll.u32 s30, $0xA  }
0x113: {  	s2 =	sshra.s32 s2, $0x2  }
0x114: {  	v1 =	vld [tilespmem:s2+$0x7308];
	_ =	sdelay $0x4  }
0x115: {  	[tilespmem:s5+$0x208] =	vst.add.f32.msk $0xffff, v1  }
0x116: {  	v1 =	vld [tilespmem:s2+$0x7318];
	_ =	sdelay $0x4  }
0x117: {  	[tilespmem:s5+$0x218] =	vst.add.f32.msk $0xffff, v1  }
0x118: {  	v1 =	vld [tilespmem:s2+$0x7328];
	_ =	sdelay $0x4  }
0x119: {  	[tilespmem:s5+$0x228] =	vst.add.f32.msk $0xffff, v1  }
0x11a: {  	v1 =	vld [tilespmem:s2+$0x7338];
	_ =	sdelay $0x4  }
0x11b: {  	[tilespmem:s5+$0x238] =	vst.add.f32.msk $0xffff, v1  }
0x11c: {  	v1 =	vld [tilespmem:s2+$0x7348];
	_ =	sdelay $0x4  }
0x11d: {  	[tilespmem:s5+$0x248] =	vst.add.f32.msk $0xffff, v1  }
0x11e: {  	v1 =	vld [tilespmem:s2+$0x7358];
	_ =	sdelay $0x4  }
0x11f: {  	[tilespmem:s5+$0x258] =	vst.add.f32.msk $0xffff, v1  }
0x120: {  	v1 =	vld [tilespmem:s2+$0x7368];
	_ =	sdelay $0x4  }
0x121: {  	[tilespmem:s5+$0x268] =	vst.add.f32.msk $0xffff, v1  }
0x122: {  	v1 =	vld [tilespmem:s2+$0x7378];
	_ =	sdelay $0x4  }
0x123: {  	[tilespmem:s5+$0x278] =	vst.add.f32.msk $0xffff, v1  }
0x124: {  	v1 =	vld [tilespmem:s2+$0x7388];
	_ =	sdelay $0x4  }
0x125: {  	[tilespmem:s5+$0x288] =	vst.add.f32.msk $0xffff, v1  }
0x126: {  	v1 =	vld [tilespmem:s2+$0x7398];
	_ =	sdelay $0x4  }
0x127: {  	[tilespmem:s5+$0x298] =	vst.add.f32.msk $0xffff, v1  }
0x128: {  	v1 =	vld [tilespmem:s2+$0x73A8];
	_ =	sdelay $0x4  }
0x129: {  	[tilespmem:s5+$0x2A8] =	vst.add.f32.msk $0xffff, v1  }
0x12a: {  	v1 =	vld [tilespmem:s2+$0x73B8];
	_ =	sdelay $0x4  }
0x12b: {  	[tilespmem:s5+$0x2B8] =	vst.add.f32.msk $0xffff, v1  }
0x12c: {  	v1 =	vld [tilespmem:s2+$0x73C8];
	_ =	sdelay $0x4  }
0x12d: {  	[tilespmem:s5+$0x2C8] =	vst.add.f32.msk $0xffff, v1  }
0x12e: {  	v1 =	vld [tilespmem:s2+$0x73D8];
	_ =	sdelay $0x4  }
0x12f: {  	[tilespmem:s5+$0x2D8] =	vst.add.f32.msk $0xffff, v1  }
0x130: {  	v1 =	vld [tilespmem:s2+$0x73E8];
	_ =	sdelay $0x4  }
0x131: {  	[tilespmem:s5+$0x2E8] =	vst.add.f32.msk $0xffff, v1  }
0x132: {  	v1 =	vld [tilespmem:s2+$0x73F8];
	_ =	sdelay $0x2  }
0x133: {  	p2 =	sgt.u32 s31, $0x4E170  }
0x134: {  	s2 =	sand.u32 @!p2 $0x7FFF8, s31  }
0x135: {  	s3 =	sadd.s32 $0x208, s5;
	s9 =	sand.u32 @!p2 $0x7, s31;
	s2 =	sadd.s32 @!p2 s1, s2;
	[tilespmem:s5+$0x2F8] =	vst.add.f32.msk $0xffff, v1  }
0x136: {  	[hbm4b:s2+s9] =	stream.linear.scatter @!p2 [tilespmem:s3], [sflag:$0xC], $0x80, $0x38;
	[tilespmem:$0x1E678] =	vst v63  }
0x137: {  	s2 =	sadd.s32 @!p2 $0x80, s31  }
0x138: {  	s2 =	sand.u32 @!p2 $0xFFFF8, s2  }
0x139: {  	s3 =	sadd.s32 $0x288, s5;
	s2 =	sadd.s32 @!p2 s1, s2  }
0x13a: {  	[hbm4b:s2+s9] =	stream.linear.scatter @!p2 [tilespmem:s3], [sflag:$0xC], $0x80, $0x38;
	[tilespmem:$0x1E678] =	vst v63  }
0x13b: {  	s2 =	simm.s32 $0x0  }
0x13c: {  	s2 =	simm.s32 @!p2 $0x400  }
0x13d: {  	s4 =	sadd.s32 s2, s4  }
.LBB2_22:
0x13e: {  	s2 =	sadd.s32 $0x1, s24  }
0x13f: {  	s3 =	sshrl.u32 s2, $0x4  }
0x140: {  	s3 =	smulhi.u32 $0x24924925, s3  }
0x141: {  	v1 =	vld [tilespmem:s28+$0xFFFFFF80]  }
0x142: {  	s3 =	smul.u32 $0x70, s3;
	_ =	sdelay $0x1  }
0x143: {  	s24 =	ssub.s32 s2, s3  }
0x144: {  	s2 =	sshll.u32 s24, $0x8  }
0x145: {  	[tilespmem:s2+$0x208] =	vst v1  }
0x146: {  	v1 =	vld [tilespmem:s28+$0xFFFFFF90];
	_ =	sdelay $0x4  }
0x147: {  	[tilespmem:s2+$0x218] =	vst v1  }
0x148: {  	v1 =	vld [tilespmem:s28+$0xFFFFFFA0];
	_ =	sdelay $0x4  }
0x149: {  	[tilespmem:s2+$0x228] =	vst v1  }
0x14a: {  	v1 =	vld [tilespmem:s28+$0xFFFFFFB0];
	_ =	sdelay $0x4  }
0x14b: {  	[tilespmem:s2+$0x238] =	vst v1  }
0x14c: {  	v1 =	vld [tilespmem:s28+$0xFFFFFFC0];
	_ =	sdelay $0x4  }
0x14d: {  	[tilespmem:s2+$0x248] =	vst v1  }
0x14e: {  	v1 =	vld [tilespmem:s28+$0xFFFFFFD0];
	_ =	sdelay $0x4  }
0x14f: {  	[tilespmem:s2+$0x258] =	vst v1  }
0x150: {  	v1 =	vld [tilespmem:s28+$0xFFFFFFE0];
	_ =	sdelay $0x4  }
0x151: {  	[tilespmem:s2+$0x268] =	vst v1  }
0x152: {  	v1 =	vld [tilespmem:s28+$0xFFFFFFF0];
	_ =	sdelay $0x4  }
0x153: {  	[tilespmem:s2+$0x278] =	vst v1  }
0x154: {  	v1 =	vld [tilespmem:s28+$0x0];
	_ =	sdelay $0x4  }
0x155: {  	[tilespmem:s2+$0x288] =	vst v1  }
0x156: {  	v1 =	vld [tilespmem:s28+$0x10];
	_ =	sdelay $0x4  }
0x157: {  	[tilespmem:s2+$0x298] =	vst v1  }
0x158: {  	v1 =	vld [tilespmem:s28+$0x20];
	_ =	sdelay $0x4  }
0x159: {  	[tilespmem:s2+$0x2A8] =	vst v1  }
0x15a: {  	v1 =	vld [tilespmem:s28+$0x30];
	_ =	sdelay $0x4  }
0x15b: {  	[tilespmem:s2+$0x2B8] =	vst v1  }
0x15c: {  	v1 =	vld [tilespmem:s28+$0x40];
	_ =	sdelay $0x4  }
0x15d: {  	[tilespmem:s2+$0x2C8] =	vst v1  }
0x15e: {  	v1 =	vld [tilespmem:s28+$0x50];
	_ =	sdelay $0x4  }
0x15f: {  	[tilespmem:s2+$0x2D8] =	vst v1  }
0x160: {  	v1 =	vld [tilespmem:s28+$0x60];
	_ =	sdelay $0x4  }
0x161: {  	[tilespmem:s2+$0x2E8] =	vst v1  }
0x162: {  	v1 =	vld [tilespmem:s28+$0x70]  }
.Ltmp21:
0x163: {  	_ = 	snop;
	(pc) =	sbr.rel .LBB2_23-.Ltmp21, $2  }
0x164: {  	_ =	sdelay $0x2  }
0x165: {  	s30 =	sadd.s32 $0x1, s30;
	[tilespmem:s2+$0x2F8] =	vst v1  }
.LBB2_25:
.Ltmp22:
0x166: {  	(pc) =	sbr.rel .LBB2_26-.Ltmp22, $4  }
0x167: {  	_ = 	snop  }
0x168: {  	s0 =	simm.s32 $0x2  }
0x169: {  	_ =	swait.ge [sflag:s0], $0x0  }
0x16a: {  	s2 =	simm.s32 $0x0;
	[sflag:s0] =	ssyncset.done $0x0;
	s0 =	smov.u32 s31  }
.LBB2_28:
0x16b: {  	_ =	sfence.sel $0x180000  }
0x16c: {  	s0 =	simm.s32 $0x9;
	[bflag:$0x0] =	sbarrier.arrive $0xFFFF  }
0x16d: {  	s24 =	simm.s32 $0xA;
	[sflag:s0] =	ssyncpa.u1 $0x1  }
0x16e: {  	s25 =	simm.s32 $0xB;
	[sflag:s24] =	ssyncpa.u1 $0x1  }
0x16f: {  	s26 =	simm.s32 $0x2;
	[sflag:s25] =	ssyncpa.u1 $0x1  }
0x170: {  	[sflag:s26] =	ssyncpa.u1 $0x1  }
0x171: {  	v0 =	vld [tilespmem:$0xE408];
	_ =	sdelay $0x4  }
0x172: {  	(v2sf) =	vpush v0, $0x0  }
0x173: {  	(v2sf) =	vpush v0, $0x1;
	_ =	sdelay $0x1  }
0x174: {  	(v2sf) =	vpush v0, $0x2;
	_ =	sdelay $0xb  }
0x175: {  	s0 =	spop (v2sf)  }
0x176: {  	s2 =	spop (v2sf)  }
0x177: {  	s3 =	smov.u32 s0;
	p0 =	sne.s32 s0, s2  }
0x178: {  	s4 =	spop (v2sf);
	s3 =	simm.s32 @!p0 $0xFFFFFFFF  }
0x179: {  	v2 =	vimm.s32 $0x1;
	v3 =	vlaneseq.u32;
	p0 =	seq.s32 s4, $0xFFFFFFFF;
	v1 =	vmov s3  }
0x17a: {  	s15 =	stileid.u32;
	v0 =	vperm.xlane v0, v2;
	p1 =	sne.s32 @!p0 s0, s2;
	v1 =	vperm.xlane v1, v3  }
0x17b: {  	vm0 =	vcmask $0x3F04;
	s6 =	simm.s32 $0xE408;
	s0 =	simm.s32 @!p0 $0x1;
	p1 =	por !p1, p0  }
0x17c: {  	s3 =	sshll.u32 s15, $0x1;
	s2 =	sshll.u32 @!p0 s4, $0xA;
	s0 =	simm.s32 @p1 $0x0;
	v0 =	vsel vm0, v1, v0  }
0x17d: {  	s5 =	sor.u32 $0x2000, s3;
	s2 =	sshra.s32 @!p0 s2, $0x2;
	s0 =	sor.u32 @!p0 s0, s3;
	[tilespmem:$0xE408] =	vst v0  }
0x17e: {  	[spmem:s5] =	stream.linear.scatter [tilespmem:s6], [sflag:$0x1], $0x2, $0x38;
	[tilespmem:$0x1E678] =	vst v63  }
0x17f: {  	s2 =	sadd.s32 @!p0 $0x208, s2;
	s0 =	sshll.u32 @!p0 s0, $0x8  }
0x180: {  	[spmem:s0] =	stream.linear.scatter @!p0 [tilespmem:s2], [sflag:$0x1], $0x100, $0x38;
	[tilespmem:$0x1E678] =	vst v63  }
0x181: {  	s0 =	simm.s32 @!p0 $0x102  }
0x182: {  	s28 =	simm.s32 $0x1;
	s0 =	simm.s32 @p0 $0x2  }
0x183: {  	_ =	swait.ge [sflag:s28], s0  }
0x184: {  	s0 =	ssub.s32 $0x0, s0;
	[sflag:s28] =	ssyncset.done $0x0  }
0x185: {  	p0 =	sne.s32 s15, $0x0;
	[sflag:s28] =	ssyncadd.s32 s0  }
.Ltmp23:
0x186: {  	_ =	sfence.stream.spmem;
	(pc) =	sbr.rel @p0 .LBB2_45-.Ltmp23, $4  }
0x187: {  	s29 =	simm.s32 $0x3;
	[bflag:$0x0] =	sbarrier.arrive $0xFFFF  }
0x188: {  	s30 =	simm.s32 $0x4;
	[sflag:s29] =	ssyncpa.u1 $0x1  }
0x189: {  	s31 =	simm.s32 $0x3C;
	[sflag:s30] =	ssyncpa.u1 $0x1  }
0x18a: {  	s14 =	rddreg [dreg:$0x5];
	[sflag:s31] =	ssyncpa.u1 $0x1  }
0x18b: {  	_ =	sfence.stream.spmem;
	s0 =	simm.s32 $0x5  }
0x18c: {  	s2 =	simm.s32 $0x2000;
	s3 =	simm.s32 $0xE418;
	[sflag:s0] =	ssyncpa.u1 $0x0  }
0x18d: {  	[tilespmem:s3], [sflag:$0x5] =	stream.linear.gather [spmem:s2], $0x20, $0x38;
	[tilespmem:$0x1E678] =	vst v63  }
0x18e: {  	s26 =	simm.s32 $0x0;
	s28 =	simm.s32 $0xE438  }
0x18f: {  	[tilespmem:s28], [sflag:$0x5] =	stream.linear.gather [spmem:s26], $0x2000, $0x38;
	[tilespmem:$0x1E678] =	vst v63  }
0x190: {  	_ =	swait.ge [sflag:s0], $0x2020  }
0x191: {  	[sflag:s0] =	ssyncset.done $0x0  }
0x192: {  	s29 =	simm.s32 $0x0;
	[sflag:s0] =	ssyncadd.s32 $0xFFFFDFE0  }
0x193: {  	v0 =	vld.msk [tilespmem:s29+$0xE418], $0x1;
	_ =	sdelay $0x1  }
0x194: {  	s30 =	simm.s32 $0x1  }
0x195: {  	v1 =	vld.msk [tilespmem:s30+$0xE418], $0x1;
	_ =	sdelay $0x1  }
0x196: {  	(v2sf) =	vpush v0, $0x0;
	_ =	sdelay $0x2  }
0x197: {  	(v2sf) =	vpush v1, $0x0;
	_ =	sdelay $0x2  }
0x198: {  	s31 =	simm.s32 $0x2  }
0x199: {  	v0 =	vld.msk [tilespmem:s31+$0xE418], $0x1;
	_ =	sdelay $0x2  }
0x19a: {  	s2 =	simm.s32 $0xFFFFFFFF;
	s3 =	simm.s32 $0xFFFFFFFF;
	s0 =	simm.s32 $0xC  }
.LBB2_30:
0x19b: {  	s4 =	smov.u32 s3;
	s5 =	smov.u32 s2  }
0x19c: {  	s2 =	sshra.s32 s0, $0x2;
	p1 =	sne.s32 s0, $0x7C;
	s0 =	sadd.s32 $0x4, s0;
	(v2sf) =	vpush v0, $0x0  }
0x19d: {  	v0 =	vld.msk [tilespmem:s2+$0xE418], $0x1  }
.Ltmp24:
0x19e: {  	(pc) =	sbr.rel @p1 .LBB2_30-.Ltmp24, $4  }
0x19f: {  	s3 =	spop (v2sf)  }
0x1a0: {  	p2 =	sne.s32 s5, $0xFFFFFFFF;
	s2 =	smov.u32 s3  }
0x1a1: {  	p3 =	seq.s32 s3, $0xFFFFFFFF;
	s2 =	smov.u32 @p2 s5  }
0x1a2: {  	s3 =	smov.u32 @p3 s4;
	s2 =	smov.u32 @p3 s5  }
0x1a3: {  	(v2sf) =	vpush v0, $0x0;
	_ =	sdelay $0x8  }
0x1a4: {  	s0 =	spop (v2sf)  }
0x1a5: {  	p1 =	sne.s32 s2, $0xFFFFFFFF;
	s9 =	simm.s32 $0x6;
	s4 =	smov.u32 s0  }
0x1a6: {  	s6 =	simm.s32 $0x0;
	p2 =	seq.s32 s0, $0xFFFFFFFF;
	s4 =	smov.u32 @p1 s2  }
0x1a7: {  	s10 =	simm.s32 $0xE308;
	s4 =	smov.u32 @p2 s2;
	s2 =	spop (v2sf)  }
0x1a8: {  	s0 =	smov.u32 @p2 s3;
	p1 =	sne.s32 s4, $0xFFFFFFFF;
	s5 =	smov.u32 s2  }
.Ltmp25:
0x1a9: {  	p2 =	seq.s32 s2, $0xFFFFFFFF;
	s5 =	smov.u32 @p1 s4;
	(pc) =	sbr.rel .LBB2_32-.Ltmp25, $4  }
0x1aa: {  	s11 =	simm.s32 $0xE388;
	s5 =	smov.u32 @p2 s4;
	s7 =	spop (v2sf)  }
0x1ab: {  	s12 =	simm.s32 $0x0;
	p1 =	sne.s32 s5, $0xFFFFFFFF;
	s8 =	smov.u32 s7  }
0x1ac: {  	s2 =	smov.u32 @p2 s0;
	p2 =	seq.s32 s7, $0xFFFFFFFF;
	s8 =	smov.u32 @p1 s5  }
0x1ad: {  	[sflag:s9] =	ssyncpa.u1 $0x0;
	s7 =	smov.u32 @p2 s2;
	s8 =	smov.u32 @p2 s5  }
.LBB2_38:
0x1ae: {  	p1 =	sgt.u32 s0, $0x4E170  }
0x1af: {  	p2 =	seq.s32 @!p1 s0, s8  }
0x1b0: {  	p1 =	por p1, p2  }
0x1b1: {  	p2 =	sne.s32 @!p1 s0, s7  }
0x1b2: {  	p1 =	por p1, !p2  }
0x1b3: {  	s0 =	sshll.u32 @p1 s12, $0xA  }
0x1b4: {  	s2 =	sand.u32 @!p1 $0x7FFF8, s0;
	s3 =	sand.u32 @!p1 $0x7, s0;
	s0 =	sadd.s32 @!p1 $0x80, s0  }
0x1b5: {  	s2 =	sadd.s32 @!p1 s1, s2;
	s0 =	sand.u32 @!p1 $0xFFFF8, s0  }
0x1b6: {  	[tilespmem:s10], [sflag:$0x6] =	stream.linear.gather @!p1 [hbm4b:s2+s3], $0x80, $0x38;
	[tilespmem:$0x1E678] =	vst v63  }
0x1b7: {  	s0 =	sadd.s32 @!p1 s1, s0  }
0x1b8: {  	[tilespmem:s11], [sflag:$0x6] =	stream.linear.gather @!p1 [hbm4b:s0+s3], $0x80, $0x38;
	[tilespmem:$0x1E678] =	vst v63  }
0x1b9: {  	_ =	swait.ge @!p1 [sflag:s9], $0x100  }
0x1ba: {  	[sflag:s9] =	ssyncset.done @!p1 $0x0  }
0x1bb: {  	[sflag:s9] =	ssyncadd.s32 @!p1 $0xFFFFFF00  }
0x1bc: {  	v1 =	vld @!p1 [tilespmem:$0xE308];
	_ =	sdelay $0x2  }
0x1bd: {  	s0 =	sshll.u32 @!p1 s12, $0xA  }
0x1be: {  	s2 =	sshrl.u32 @!p1 s0, $0x2  }
0x1bf: {  	[tilespmem:s2+$0xE438] =	vst.add.f32.msk @!p1 $0xffff, v1  }
0x1c0: {  	v1 =	vld @!p1 [tilespmem:$0xE318];
	_ =	sdelay $0x4  }
0x1c1: {  	[tilespmem:s2+$0xE448] =	vst.add.f32.msk @!p1 $0xffff, v1  }
0x1c2: {  	v1 =	vld @!p1 [tilespmem:$0xE328];
	_ =	sdelay $0x4  }
0x1c3: {  	[tilespmem:s2+$0xE458] =	vst.add.f32.msk @!p1 $0xffff, v1  }
0x1c4: {  	v1 =	vld @!p1 [tilespmem:$0xE338];
	_ =	sdelay $0x4  }
0x1c5: {  	[tilespmem:s2+$0xE468] =	vst.add.f32.msk @!p1 $0xffff, v1  }
0x1c6: {  	v1 =	vld @!p1 [tilespmem:$0xE348];
	_ =	sdelay $0x4  }
0x1c7: {  	[tilespmem:s2+$0xE478] =	vst.add.f32.msk @!p1 $0xffff, v1  }
0x1c8: {  	v1 =	vld @!p1 [tilespmem:$0xE358];
	_ =	sdelay $0x4  }
0x1c9: {  	[tilespmem:s2+$0xE488] =	vst.add.f32.msk @!p1 $0xffff, v1  }
0x1ca: {  	v1 =	vld @!p1 [tilespmem:$0xE368];
	_ =	sdelay $0x4  }
0x1cb: {  	[tilespmem:s2+$0xE498] =	vst.add.f32.msk @!p1 $0xffff, v1  }
0x1cc: {  	v1 =	vld @!p1 [tilespmem:$0xE378];
	_ =	sdelay $0x4  }
0x1cd: {  	[tilespmem:s2+$0xE4A8] =	vst.add.f32.msk @!p1 $0xffff, v1  }
0x1ce: {  	v1 =	vld @!p1 [tilespmem:$0xE388];
	_ =	sdelay $0x4  }
0x1cf: {  	[tilespmem:s2+$0xE4B8] =	vst.add.f32.msk @!p1 $0xffff, v1  }
0x1d0: {  	v1 =	vld @!p1 [tilespmem:$0xE398];
	_ =	sdelay $0x4  }
0x1d1: {  	[tilespmem:s2+$0xE4C8] =	vst.add.f32.msk @!p1 $0xffff, v1  }
0x1d2: {  	v1 =	vld @!p1 [tilespmem:$0xE3A8];
	_ =	sdelay $0x4  }
0x1d3: {  	[tilespmem:s2+$0xE4D8] =	vst.add.f32.msk @!p1 $0xffff, v1  }
0x1d4: {  	v1 =	vld @!p1 [tilespmem:$0xE3B8];
	_ =	sdelay $0x4  }
0x1d5: {  	[tilespmem:s2+$0xE4E8] =	vst.add.f32.msk @!p1 $0xffff, v1  }
0x1d6: {  	v1 =	vld @!p1 [tilespmem:$0xE3C8];
	_ =	sdelay $0x4  }
0x1d7: {  	[tilespmem:s2+$0xE4F8] =	vst.add.f32.msk @!p1 $0xffff, v1  }
0x1d8: {  	v1 =	vld @!p1 [tilespmem:$0xE3D8];
	_ =	sdelay $0x4  }
0x1d9: {  	[tilespmem:s2+$0xE508] =	vst.add.f32.msk @!p1 $0xffff, v1  }
0x1da: {  	v1 =	vld @!p1 [tilespmem:$0xE3E8];
	_ =	sdelay $0x4  }
0x1db: {  	[tilespmem:s2+$0xE518] =	vst.add.f32.msk @!p1 $0xffff, v1  }
0x1dc: {  	v1 =	vld @!p1 [tilespmem:$0xE3F8];
	_ =	sdelay $0x4  }
0x1dd: {  	[tilespmem:s2+$0xE528] =	vst.add.f32.msk @!p1 $0xffff, v1  }
0x1de: {  	s0 =	sshrl.u32 s0, $0x2;
	[tilespmem:s6+$0xE418] =	vst.msk $0x1, v0  }
0x1df: {  	v0 =	vld [tilespmem:s0+$0xE438];
	_ =	sdelay $0x2  }
0x1e0: {  	s31 =	sshll.u32 s6, $0xA  }
0x1e1: {  	s2 =	sshra.s32 s31, $0x2  }
0x1e2: {  	[tilespmem:s2+$0xE438] =	vst v0  }
0x1e3: {  	v0 =	vld [tilespmem:s0+$0xE448];
	_ =	sdelay $0x4  }
0x1e4: {  	[tilespmem:s2+$0xE448] =	vst v0  }
0x1e5: {  	v0 =	vld [tilespmem:s0+$0xE458];
	_ =	sdelay $0x4  }
0x1e6: {  	[tilespmem:s2+$0xE458] =	vst v0  }
0x1e7: {  	v0 =	vld [tilespmem:s0+$0xE468];
	_ =	sdelay $0x4  }
0x1e8: {  	[tilespmem:s2+$0xE468] =	vst v0  }
0x1e9: {  	v0 =	vld [tilespmem:s0+$0xE478];
	_ =	sdelay $0x4  }
0x1ea: {  	[tilespmem:s2+$0xE478] =	vst v0  }
0x1eb: {  	v0 =	vld [tilespmem:s0+$0xE488];
	_ =	sdelay $0x4  }
0x1ec: {  	[tilespmem:s2+$0xE488] =	vst v0  }
0x1ed: {  	v0 =	vld [tilespmem:s0+$0xE498];
	_ =	sdelay $0x4  }
0x1ee: {  	[tilespmem:s2+$0xE498] =	vst v0  }
0x1ef: {  	v0 =	vld [tilespmem:s0+$0xE4A8];
	_ =	sdelay $0x4  }
0x1f0: {  	[tilespmem:s2+$0xE4A8] =	vst v0  }
0x1f1: {  	v0 =	vld [tilespmem:s0+$0xE4B8];
	_ =	sdelay $0x4  }
0x1f2: {  	[tilespmem:s2+$0xE4B8] =	vst v0  }
0x1f3: {  	v0 =	vld [tilespmem:s0+$0xE4C8];
	_ =	sdelay $0x4  }
0x1f4: {  	[tilespmem:s2+$0xE4C8] =	vst v0  }
0x1f5: {  	v0 =	vld [tilespmem:s0+$0xE4D8];
	_ =	sdelay $0x4  }
0x1f6: {  	[tilespmem:s2+$0xE4D8] =	vst v0  }
0x1f7: {  	v0 =	vld [tilespmem:s0+$0xE4E8];
	_ =	sdelay $0x4  }
0x1f8: {  	[tilespmem:s2+$0xE4E8] =	vst v0  }
0x1f9: {  	v0 =	vld [tilespmem:s0+$0xE4F8];
	_ =	sdelay $0x4  }
0x1fa: {  	[tilespmem:s2+$0xE4F8] =	vst v0  }
0x1fb: {  	v0 =	vld [tilespmem:s0+$0xE508];
	_ =	sdelay $0x4  }
0x1fc: {  	[tilespmem:s2+$0xE508] =	vst v0  }
0x1fd: {  	v0 =	vld [tilespmem:s0+$0xE518];
	_ =	sdelay $0x4  }
0x1fe: {  	[tilespmem:s2+$0xE518] =	vst v0  }
0x1ff: {  	v0 =	vld [tilespmem:s0+$0xE528];
	_ =	sdelay $0x4  }
0x200: {  	s6 =	sadd.s32 $0x1, s6;
	[tilespmem:s2+$0xE528] =	vst v0  }
.LBB2_39:
0x201: {  	s12 =	sadd.s32 $0x1, s12  }
0x202: {  	p1 =	sne.s32 s12, $0x20  }
.Ltmp26:
0x203: {  	_ = 	snop;
	(pc) =	sbr.rel @!p1 .LBB2_40-.Ltmp26, $1  }
0x204: {  	_ =	sdelay $0x3  }
.LBB2_32:
0x205: {  	v0 =	vld.msk [tilespmem:s12+$0xE418], $0x1;
	_ =	sdelay $0x4  }
0x206: {  	(v2sf) =	vpush v0, $0x0;
	_ =	sdelay $0xe  }
0x207: {  	s0 =	spop (v2sf)  }
0x208: {  	p1 =	seq.s32 s0, $0xFFFFFFFF  }
.Ltmp27:
0x209: {  	_ = 	snop;
	(pc) =	sbr.rel @p1 .LBB2_39-.Ltmp27, $1  }
0x20a: {  	_ =	sdelay $0x3  }
0x20b: {  	p1 =	slt.s32 s6, $0x1  }
.Ltmp28:
0x20c: {  	_ = 	snop;
	(pc) =	sbr.rel @p1 .LBB2_38-.Ltmp28, $1  }
0x20d: {  	_ =	sdelay $0x3  }
0x20e: {  	s4 =	simm.s32 $0xE418;
	p1 =	por $0x0, $0x0  }
0x20f: {  	v1 =	vld.msk @!p1 [tilespmem:s4+$0x0], $0x1;
	_ =	sdelay $0x4  }
0x210: {  	(v2sf) =	vpush @!p1 v1, $0x0;
	_ =	sdelay $0xd  }
0x211: {  	p3 =	sne.s32 s6, $0x1  }
.Ltmp29:
0x212: {  	s2 =	spop @!p1 (v2sf);
	(pc) =	sbr.rel @!p3 .LBB2_36-.Ltmp29, $4  }
0x213: {  	p2 =	seq.s32 @!p1 s0, s2  }
0x214: {  	s5 =	simm.s32 $0x0;
	p2 =	por !p2, p1  }
0x215: {  	s2 =	simm.s32 $0xFFFFFFFF;
	s5 =	simm.s32 @p2 $0xFFFFFFFF  }
0x216: {  	s13 =	simm.s32 $0x1;
	s5 =	smov.u32 @p1 s2  }
.LBB2_35:
0x217: {  	s2 =	smov.u32 s5;
	p1 =	sne.s32 s5, $0xFFFFFFFF  }
0x218: {  	s4 =	sadd.s32 $0x1, s4;
	s5 =	smov.u32 s13;
	s13 =	sadd.s32 $0x1, s13  }
0x219: {  	p2 =	sne.s32 s6, s13;
	v1 =	vld.msk @!p1 [tilespmem:s4+$0x0], $0x1;
	_ =	sdelay $0x4  }
0x21a: {  	(v2sf) =	vpush @!p1 v1, $0x0;
	_ =	sdelay $0xe  }
.Ltmp30:
0x21b: {  	s3 =	spop @!p1 (v2sf);
	(pc) =	sbr.rel @p2 .LBB2_35-.Ltmp30, $4  }
0x21c: {  	p3 =	seq.s32 @!p1 s0, s3  }
0x21d: {  	p3 =	por !p3, p1  }
0x21e: {  	s5 =	simm.s32 @p3 $0xFFFFFFFF  }
0x21f: {  	s5 =	smov.u32 @p1 s2  }
.LBB2_36:
0x220: {  	p1 =	seq.s32 s5, $0xFFFFFFFF  }
.Ltmp31:
0x221: {  	_ = 	snop;
	(pc) =	sbr.rel @p1 .LBB2_38-.Ltmp31, $1  }
0x222: {  	_ =	sdelay $0x3  }
0x223: {  	s0 =	sshll.u32 s12, $0x8  }
0x224: {  	s0 =	sand.u32 $0x3FFFFF00, s0  }
0x225: {  	v0 =	vld [tilespmem:s0+$0xE438];
	_ =	sdelay $0x2  }
0x226: {  	s2 =	sshll.u32 s5, $0xA  }
0x227: {  	s2 =	sshra.s32 s2, $0x2  }
0x228: {  	[tilespmem:s2+$0xE438] =	vst.add.f32.msk $0xffff, v0  }
0x229: {  	v0 =	vld [tilespmem:s0+$0xE448];
	_ =	sdelay $0x4  }
0x22a: {  	[tilespmem:s2+$0xE448] =	vst.add.f32.msk $0xffff, v0  }
0x22b: {  	v0 =	vld [tilespmem:s0+$0xE458];
	_ =	sdelay $0x4  }
0x22c: {  	[tilespmem:s2+$0xE458] =	vst.add.f32.msk $0xffff, v0  }
0x22d: {  	v0 =	vld [tilespmem:s0+$0xE468];
	_ =	sdelay $0x4  }
0x22e: {  	[tilespmem:s2+$0xE468] =	vst.add.f32.msk $0xffff, v0  }
0x22f: {  	v0 =	vld [tilespmem:s0+$0xE478];
	_ =	sdelay $0x4  }
0x230: {  	[tilespmem:s2+$0xE478] =	vst.add.f32.msk $0xffff, v0  }
0x231: {  	v0 =	vld [tilespmem:s0+$0xE488];
	_ =	sdelay $0x4  }
0x232: {  	[tilespmem:s2+$0xE488] =	vst.add.f32.msk $0xffff, v0  }
0x233: {  	v0 =	vld [tilespmem:s0+$0xE498];
	_ =	sdelay $0x4  }
0x234: {  	[tilespmem:s2+$0xE498] =	vst.add.f32.msk $0xffff, v0  }
0x235: {  	v0 =	vld [tilespmem:s0+$0xE4A8];
	_ =	sdelay $0x4  }
0x236: {  	[tilespmem:s2+$0xE4A8] =	vst.add.f32.msk $0xffff, v0  }
0x237: {  	v0 =	vld [tilespmem:s0+$0xE4B8];
	_ =	sdelay $0x4  }
0x238: {  	[tilespmem:s2+$0xE4B8] =	vst.add.f32.msk $0xffff, v0  }
0x239: {  	v0 =	vld [tilespmem:s0+$0xE4C8];
	_ =	sdelay $0x4  }
0x23a: {  	[tilespmem:s2+$0xE4C8] =	vst.add.f32.msk $0xffff, v0  }
0x23b: {  	v0 =	vld [tilespmem:s0+$0xE4D8];
	_ =	sdelay $0x4  }
0x23c: {  	[tilespmem:s2+$0xE4D8] =	vst.add.f32.msk $0xffff, v0  }
0x23d: {  	v0 =	vld [tilespmem:s0+$0xE4E8];
	_ =	sdelay $0x4  }
0x23e: {  	[tilespmem:s2+$0xE4E8] =	vst.add.f32.msk $0xffff, v0  }
0x23f: {  	v0 =	vld [tilespmem:s0+$0xE4F8];
	_ =	sdelay $0x4  }
0x240: {  	[tilespmem:s2+$0xE4F8] =	vst.add.f32.msk $0xffff, v0  }
0x241: {  	v0 =	vld [tilespmem:s0+$0xE508];
	_ =	sdelay $0x4  }
0x242: {  	[tilespmem:s2+$0xE508] =	vst.add.f32.msk $0xffff, v0  }
0x243: {  	v0 =	vld [tilespmem:s0+$0xE518];
	_ =	sdelay $0x4  }
0x244: {  	[tilespmem:s2+$0xE518] =	vst.add.f32.msk $0xffff, v0  }
0x245: {  	v0 =	vld [tilespmem:s0+$0xE528]  }
.Ltmp32:
0x246: {  	_ = 	snop;
	(pc) =	sbr.rel .LBB2_39-.Ltmp32, $2  }
0x247: {  	_ =	sdelay $0x2  }
0x248: {  	[tilespmem:s2+$0xE528] =	vst.add.f32.msk $0xffff, v0  }
.LBB2_40:
0x249: {  	s0 =	simm.s32 $0x6;
	p1 =	seq.s32 s6, $0x0  }
0x24a: {  	[sflag:s0] =	ssyncpa.u1 $0x1;
	v0 =	vimm.s32 @p1 $0xFFFFFFFF  }
0x24b: {  	s0 =	sadd.s32 $0xFFFFFFFF, s6;
	[tilespmem:$0x10438] =	vst @p1 v0  }
0x24c: {  	v0 =	vld.msk @!p1 [tilespmem:s0+$0xE418], $0x1;
	_ =	sdelay $0x1  }
0x24d: {  	v1 =	vld.msk @!p1 [tilespmem:$0xE418], $0x1;
	_ =	sdelay $0x2  }
0x24e: {  	p2 =	seq.s32 @!p1 s0, $0x0;
	v0 =	vbroadcast @!p1 v0, $0x0  }
0x24f: {  	vm0 =	vmmov @!p1 $0x1;
	p2 =	por !p2, p1  }
0x250: {  	v1 =	vnsel @!p1 vm0, $0xFFFFFFFF, v1;
	vm0 =	vcmask @!p1 $0x308;
	v0 =	vpsel !p2, $0xFFFFFFFF, v0  }
0x251: {  	p2 =	sne.s32 @!p1 s8, s7;
	v0 =	vsel @!p1 vm0, v1, v0  }
0x252: {  	s2 =	simm.s32 @!p1 $0xE438;
	s3 =	simm.s32 @!p1 $0x0;
	p3 =	por !p2, p1;
	[tilespmem:$0x10438] =	vst @!p1 v0  }
0x253: {  	[spmem:s3] =	stream.linear.scatter @!p1 [tilespmem:s2], [sflag:$0x1], $0x100, $0x38;
	[tilespmem:$0x1E678] =	vst v63  }
0x254: {  	s2 =	sshll.u32 @!p3 s0, $0xA  }
0x255: {  	s2 =	sshra.s32 @!p3 s2, $0x2  }
0x256: {  	s3 =	simm.s32 @!p3 $0x100;
	s2 =	sadd.s32 @!p3 $0xE438, s2  }
0x257: {  	[spmem:s3] =	stream.linear.scatter @!p3 [tilespmem:s2], [sflag:$0x1], $0x100, $0x38;
	[tilespmem:$0x1E678] =	vst v63  }
0x258: {  	s2 =	simm.s32 @!p3 $0x1  }
0x259: {  	_ =	swait.ge @!p3 [sflag:s2], $0x200  }
0x25a: {  	p1 =	por p2, p1;
	[sflag:s2] =	ssyncset.done @!p3 $0x0  }
0x25b: {  	[sflag:s2] =	ssyncadd.s32 @!p3 $0xFFFFFE00;
	s2 =	simm.s32 @!p1 $0x1  }
0x25c: {  	_ =	swait.ge @!p1 [sflag:s2], $0x100  }
0x25d: {  	s29 =	simm.s32 $0x10438;
	[sflag:s2] =	ssyncset.done @!p1 $0x0  }
0x25e: {  	s30 =	simm.s32 $0x2000;
	s31 =	simm.s32 $0x1;
	[sflag:s2] =	ssyncadd.s32 @!p1 $0xFFFFFF00  }
0x25f: {  	[spmem:s30] =	stream.linear.scatter [tilespmem:s29], [sflag:$0x1], $0x10, $0x38;
	[tilespmem:$0x1E678] =	vst v63  }
0x260: {  	_ =	swait.ge [sflag:s31], $0x10  }
0x261: {  	[sflag:s31] =	ssyncset.done $0x0  }
0x262: {  	p1 =	seq.s32 s14, $0x0;
	s9 =	rddreg [dreg:$0x2];
	[sflag:s31] =	ssyncadd.s32 $0xFFFFFFF0  }
0x263: {  	s3 =	sshll.u32 @p1 s9, $0xE;
	s8 =	rddreg [dreg:$0x3]  }
0x264: {  	s2 =	sadd.s32 @p1 $0x15C3C, s3;
	s3 =	sshll.u32 @p1 s8, $0x11  }
0x265: {  	_ =	sfence.stream.spmem;
	s2 =	sor.u32 @p1 s3, s2  }
0x266: {  	[sflag:s2] =	ssyncadd.remote.s32 @p1 $0x1;
	s2 =	simm.s32 @p1 $0x4  }
0x267: {  	s4 =	simm.s32 @!p1 $0x3C;
	s3 =	sand.u32 $0xFFFFFFFE, s9;
	_ =	swait.ge @p1 [sflag:s2], $0x42  }
0x268: {  	s5 =	simm.s32 @!p1 $0x0;
	s3 =	sadd.s32 @!p1 $0x4, s3;
	[sflag:s2] =	ssyncset.done @p1 $0x0  }
0x269: {  	s7 =	simm.s32 @!p1 $0x200;
	[sflag:s2] =	ssyncadd.s32 @p1 $0xFFFFFFBE;
	s2 =	sshll.u32 @!p1 s3, $0x1A  }
0x26a: {  	s3 =	sshll.u32 @!p1 s3, $0xD;
	s2 =	sor.u32 @!p1 s2, s8;
	_ =	swait.eq @!p1 [sflag:s4], $0x1  }
0x26b: {  	s3 =	sor.u32 @!p1 $0x1C04, s3;
	s4 =	simm.s32 @!p1 $0x1C03;
	s2 =	sor.u32 @!p1 $0x80004000, s2  }
0x26c: {  	[spmem:s7], [sflag:s3] =	dma.general @!p1 [spmem:s5], [sflag:s4], length:$0x40, [dreg:$0x0], stride_count:$0x0, ici_dest:s2, dma_misc:DstOpCode:WRITE  }
0x26d: {  	p2 =	slt.s32 s0, $0x2;
	s5 =	simm.s32 @!p1 $0x400;
	s7 =	simm.s32 @!p1 $0x402  }
0x26e: {  	[spmem:s7], [sflag:s3] =	dma.general @!p1 [spmem:s5], [sflag:s4], length:$0x2, [dreg:$0x0], stride_count:$0x0, ici_dest:s2, dma_misc:DstOpCode:WRITE  }
.Ltmp33:
0x26f: {  	s2 =	simm.s32 @!p1 $0x3;
	(pc) =	sbr.rel @p2 .LBB2_44-.Ltmp33, $4  }
0x270: {  	s3 =	sshll.u32 @!p1 s9, $0xE;
	_ =	swait.ge @!p1 [sflag:s2], $0x42  }
0x271: {  	s4 =	sshll.u32 @!p1 s8, $0x11;
	s3 =	sadd.s32 @!p1 $0x11C3C, s3;
	[sflag:s2] =	ssyncset.done @!p1 $0x0  }
0x272: {  	[sflag:s2] =	ssyncadd.s32 @!p1 $0xFFFFFFBE;
	s2 =	sor.u32 @!p1 s4, s3  }
0x273: {  	s0 =	simm.s32 $0x0;
	[sflag:s2] =	ssyncadd.remote.s32 @!p1 $0xFFFFFFFF  }
0x274: {  	s0 =	simm.s32 $0xE419  }
0x275: {  	v0 =	vld.msk [tilespmem:s0+$0x0], $0x1;
	_ =	sdelay $0x4  }
0x276: {  	(v2sf) =	vpush v0, $0x0;
	_ =	sdelay $0xd  }
0x277: {  	s31 =	sadd.s32 $0xFFFFFFFE, s6  }
0x278: {  	s6 =	simm.s32 $0x0;
	s0 =	sadd.s32 $0xFFFFFFFF, s31;
	s2 =	spop (v2sf)  }
0x279: {  	s3 =	simm.s32 $0xE538;
	p1 =	sne.s32 s0, $0x0;
	p2 =	sgt.u32 s2, $0x4E170  }
.Ltmp34:
0x27a: {  	s4 =	simm.s32 $0xE638;
	s5 =	sand.u32 @!p2 $0x7FFF8, s2;
	(pc) =	sbr.rel @!p1 .LBB2_43-.Ltmp34, $4  }
0x27b: {  	s7 =	sadd.s32 @!p2 $0x80, s2;
	s2 =	sand.u32 @!p2 $0x7, s2;
	s6 =	simm.s32 @!p2 $0x400  }
0x27c: {  	s5 =	sadd.s32 @!p2 s1, s5;
	s7 =	sand.u32 @!p2 $0xFFFF8, s7;
	s6 =	sadd.s32 $0x0, s6  }
0x27d: {  	[hbm4b:s5+s2] =	stream.linear.scatter @!p2 [tilespmem:s3], [sflag:$0x5], $0x80, $0x38;
	[tilespmem:$0x1E678] =	vst v63  }
0x27e: {  	s5 =	simm.s32 $0xE41A;
	s3 =	simm.s32 @!p2 $0xE5B8;
	s7 =	sadd.s32 @!p2 s1, s7  }
.LBB2_42:
0x27f: {  	[hbm4b:s7+s2] =	stream.linear.scatter @!p2 [tilespmem:s3], [sflag:$0x5], $0x80, $0x38;
	[tilespmem:$0x1E678] =	vst v63  }
0x280: {  	s0 =	sadd.s32 $0xFFFFFFFF, s0;
	s3 =	smov.u32 s4;
	v0 =	vld.msk [tilespmem:s5+$0x0], $0x1  }
0x281: {  	p1 =	sne.s32 s0, $0x0;
	_ =	sdelay $0x3  }
0x282: {  	(v2sf) =	vpush v0, $0x0;
	_ =	sdelay $0xe  }
0x283: {  	s4 =	sadd.s32 $0x100, s4;
	s8 =	simm.s32 $0x0;
	s2 =	spop (v2sf)  }
.Ltmp35:
0x284: {  	s5 =	sadd.s32 $0x1, s5;
	p2 =	sgt.u32 s2, $0x4E170;
	(pc) =	sbr.rel @p1 .LBB2_42-.Ltmp35, $4  }
0x285: {  	s8 =	simm.s32 @!p2 $0x400;
	s7 =	sand.u32 @!p2 $0x7FFF8, s2;
	s9 =	sadd.s32 @!p2 $0x80, s2  }
0x286: {  	s2 =	sand.u32 @!p2 $0x7, s2;
	s7 =	sadd.s32 @!p2 s1, s7;
	s9 =	sand.u32 @!p2 $0xFFFF8, s9  }
0x287: {  	[hbm4b:s7+s2] =	stream.linear.scatter @!p2 [tilespmem:s3], [sflag:$0x5], $0x80, $0x38;
	[tilespmem:$0x1E678] =	vst v63  }
0x288: {  	s6 =	sadd.s32 s6, s8;
	s3 =	sadd.s32 @!p2 $0x80, s3;
	s7 =	sadd.s32 @!p2 s1, s9  }
.LBB2_43:
0x289: {  	[hbm4b:s7+s2] =	stream.linear.scatter @!p2 [tilespmem:s3], [sflag:$0x5], $0x80, $0x38;
	[tilespmem:$0x1E678] =	vst v63  }
0x28a: {  	s0 =	sshrl.u32 s6, $0x2  }
.LBB2_44:
0x28b: {  	s2 =	simm.s32 $0x5  }
0x28c: {  	_ =	swait.ge [sflag:s2], s0  }
0x28d: {  	s31 =	ssub.s32 $0x0, s0;
	[sflag:s2] =	ssyncset.done $0x0  }
0x28e: {  	[sflag:s2] =	ssyncadd.s32 s31  }
0x28f: {  	[sflag:s2] =	ssyncpa.u1 $0x1  }
.LBB2_45:
0x290: {  	s0 =	sor.u32 s14, s15  }
0x291: {  	p1 =	sne.s32 s0, $0x0  }
.Ltmp36:
0x292: {  	_ = 	snop;
	(pc) =	sbr.rel @p1 .LBB2_60-.Ltmp36, $3  }
0x293: {  	_ =	sdelay $0x1  }
0x294: {  	[bflag:$0x0] =	sbarrier.arrive $0xFFFF  }
0x295: {  	_ =	sfence  }
0x296: {  	s0 =	simm.s32 $0x7  }
0x297: {  	s2 =	simm.s32 $0x2000;
	s3 =	simm.s32 $0xE418;
	[sflag:s0] =	ssyncpa.u1 $0x0  }
0x298: {  	[tilespmem:s3], [sflag:$0x7] =	stream.linear.gather [spmem:s2], $0x20, $0x38;
	[tilespmem:$0x1E678] =	vst v63  }
0x299: {  	s30 =	simm.s32 $0xE438;
	s2 =	simm.s32 $0x0  }
0x29a: {  	[tilespmem:s30], [sflag:$0x7] =	stream.linear.gather [spmem:s2], $0x2000, $0x38;
	[tilespmem:$0x1E678] =	vst v63  }
.Ltmp37:
0x29b: {  	_ = 	snop;
	(pc) =	sbr.rel .LBB2_47-.Ltmp37, $4  }
0x29c: {  	_ =	swait.ge [sflag:s0], $0x2020  }
0x29d: {  	[sflag:s0] =	ssyncset.done $0x0  }
0x29e: {  	s31 =	simm.s32 $0x8;
	[sflag:s0] =	ssyncadd.s32 $0xFFFFDFE0  }
0x29f: {  	s3 =	simm.s32 $0x0;
	[sflag:s31] =	ssyncpa.u1 $0x0  }
.LBB2_53:
0x2a0: {  	p1 =	slt.u32 s0, $0x4E171  }
0x2a1: {  	s4 =	sand.u32 @p1 $0x7FFF8, s0;
	s5 =	sand.u32 @p1 $0x7, s0;
	s0 =	sadd.s32 @p1 $0x80, s0  }
0x2a2: {  	s6 =	simm.s32 @p1 $0xE308;
	s4 =	sadd.s32 @p1 s1, s4;
	s0 =	sand.u32 @p1 $0xFFFF8, s0  }
0x2a3: {  	[tilespmem:s6], [sflag:$0x8] =	stream.linear.gather @p1 [hbm4b:s4+s5], $0x80, $0x38;
	[tilespmem:$0x1E678] =	vst v63  }
0x2a4: {  	s0 =	sadd.s32 @p1 s1, s0;
	s4 =	simm.s32 @p1 $0xE388  }
0x2a5: {  	[tilespmem:s4], [sflag:$0x8] =	stream.linear.gather @p1 [hbm4b:s0+s5], $0x80, $0x38;
	[tilespmem:$0x1E678] =	vst v63  }
0x2a6: {  	s0 =	simm.s32 @p1 $0x8  }
0x2a7: {  	_ =	swait.ge @p1 [sflag:s0], $0x100  }
0x2a8: {  	[sflag:s0] =	ssyncset.done @p1 $0x0  }
0x2a9: {  	[sflag:s0] =	ssyncadd.s32 @p1 $0xFFFFFF00  }
0x2aa: {  	v1 =	vld @p1 [tilespmem:$0xE308];
	_ =	sdelay $0x2  }
0x2ab: {  	s0 =	sshll.u32 @p1 s3, $0xA  }
0x2ac: {  	s4 =	sshrl.u32 @p1 s0, $0x2  }
0x2ad: {  	[tilespmem:s4+$0xE438] =	vst.add.f32.msk @p1 $0xffff, v1  }
0x2ae: {  	v1 =	vld @p1 [tilespmem:$0xE318];
	_ =	sdelay $0x4  }
0x2af: {  	[tilespmem:s4+$0xE448] =	vst.add.f32.msk @p1 $0xffff, v1  }
0x2b0: {  	v1 =	vld @p1 [tilespmem:$0xE328];
	_ =	sdelay $0x4  }
0x2b1: {  	[tilespmem:s4+$0xE458] =	vst.add.f32.msk @p1 $0xffff, v1  }
0x2b2: {  	v1 =	vld @p1 [tilespmem:$0xE338];
	_ =	sdelay $0x4  }
0x2b3: {  	[tilespmem:s4+$0xE468] =	vst.add.f32.msk @p1 $0xffff, v1  }
0x2b4: {  	v1 =	vld @p1 [tilespmem:$0xE348];
	_ =	sdelay $0x4  }
0x2b5: {  	[tilespmem:s4+$0xE478] =	vst.add.f32.msk @p1 $0xffff, v1  }
0x2b6: {  	v1 =	vld @p1 [tilespmem:$0xE358];
	_ =	sdelay $0x4  }
0x2b7: {  	[tilespmem:s4+$0xE488] =	vst.add.f32.msk @p1 $0xffff, v1  }
0x2b8: {  	v1 =	vld @p1 [tilespmem:$0xE368];
	_ =	sdelay $0x4  }
0x2b9: {  	[tilespmem:s4+$0xE498] =	vst.add.f32.msk @p1 $0xffff, v1  }
0x2ba: {  	v1 =	vld @p1 [tilespmem:$0xE378];
	_ =	sdelay $0x4  }
0x2bb: {  	[tilespmem:s4+$0xE4A8] =	vst.add.f32.msk @p1 $0xffff, v1  }
0x2bc: {  	v1 =	vld @p1 [tilespmem:$0xE388];
	_ =	sdelay $0x4  }
0x2bd: {  	[tilespmem:s4+$0xE4B8] =	vst.add.f32.msk @p1 $0xffff, v1  }
0x2be: {  	v1 =	vld @p1 [tilespmem:$0xE398];
	_ =	sdelay $0x4  }
0x2bf: {  	[tilespmem:s4+$0xE4C8] =	vst.add.f32.msk @p1 $0xffff, v1  }
0x2c0: {  	v1 =	vld @p1 [tilespmem:$0xE3A8];
	_ =	sdelay $0x4  }
0x2c1: {  	[tilespmem:s4+$0xE4D8] =	vst.add.f32.msk @p1 $0xffff, v1  }
0x2c2: {  	v1 =	vld @p1 [tilespmem:$0xE3B8];
	_ =	sdelay $0x4  }
0x2c3: {  	[tilespmem:s4+$0xE4E8] =	vst.add.f32.msk @p1 $0xffff, v1  }
0x2c4: {  	v1 =	vld @p1 [tilespmem:$0xE3C8];
	_ =	sdelay $0x4  }
0x2c5: {  	[tilespmem:s4+$0xE4F8] =	vst.add.f32.msk @p1 $0xffff, v1  }
0x2c6: {  	v1 =	vld @p1 [tilespmem:$0xE3D8];
	_ =	sdelay $0x4  }
0x2c7: {  	[tilespmem:s4+$0xE508] =	vst.add.f32.msk @p1 $0xffff, v1  }
0x2c8: {  	v1 =	vld @p1 [tilespmem:$0xE3E8];
	_ =	sdelay $0x4  }
0x2c9: {  	[tilespmem:s4+$0xE518] =	vst.add.f32.msk @p1 $0xffff, v1  }
0x2ca: {  	v1 =	vld @p1 [tilespmem:$0xE3F8];
	_ =	sdelay $0x3  }
0x2cb: {  	s5 =	sshll.u32 @!p1 s3, $0xA  }
0x2cc: {  	s5 =	smov.u32 @p1 s0;
	[tilespmem:s4+$0xE528] =	vst.add.f32.msk @p1 $0xffff, v1  }
0x2cd: {  	s0 =	sshrl.u32 s5, $0x2;
	[tilespmem:s2+$0xE418] =	vst.msk $0x1, v0  }
0x2ce: {  	v0 =	vld [tilespmem:s0+$0xE438];
	_ =	sdelay $0x2  }
0x2cf: {  	s31 =	sshll.u32 s2, $0xA  }
0x2d0: {  	s4 =	sshra.s32 s31, $0x2  }
0x2d1: {  	[tilespmem:s4+$0xE438] =	vst v0  }
0x2d2: {  	v0 =	vld [tilespmem:s0+$0xE448];
	_ =	sdelay $0x4  }
0x2d3: {  	[tilespmem:s4+$0xE448] =	vst v0  }
0x2d4: {  	v0 =	vld [tilespmem:s0+$0xE458];
	_ =	sdelay $0x4  }
0x2d5: {  	[tilespmem:s4+$0xE458] =	vst v0  }
0x2d6: {  	v0 =	vld [tilespmem:s0+$0xE468];
	_ =	sdelay $0x4  }
0x2d7: {  	[tilespmem:s4+$0xE468] =	vst v0  }
0x2d8: {  	v0 =	vld [tilespmem:s0+$0xE478];
	_ =	sdelay $0x4  }
0x2d9: {  	[tilespmem:s4+$0xE478] =	vst v0  }
0x2da: {  	v0 =	vld [tilespmem:s0+$0xE488];
	_ =	sdelay $0x4  }
0x2db: {  	[tilespmem:s4+$0xE488] =	vst v0  }
0x2dc: {  	v0 =	vld [tilespmem:s0+$0xE498];
	_ =	sdelay $0x4  }
0x2dd: {  	[tilespmem:s4+$0xE498] =	vst v0  }
0x2de: {  	v0 =	vld [tilespmem:s0+$0xE4A8];
	_ =	sdelay $0x4  }
0x2df: {  	[tilespmem:s4+$0xE4A8] =	vst v0  }
0x2e0: {  	v0 =	vld [tilespmem:s0+$0xE4B8];
	_ =	sdelay $0x4  }
0x2e1: {  	[tilespmem:s4+$0xE4B8] =	vst v0  }
0x2e2: {  	v0 =	vld [tilespmem:s0+$0xE4C8];
	_ =	sdelay $0x4  }
0x2e3: {  	[tilespmem:s4+$0xE4C8] =	vst v0  }
0x2e4: {  	v0 =	vld [tilespmem:s0+$0xE4D8];
	_ =	sdelay $0x4  }
0x2e5: {  	[tilespmem:s4+$0xE4D8] =	vst v0  }
0x2e6: {  	v0 =	vld [tilespmem:s0+$0xE4E8];
	_ =	sdelay $0x4  }
0x2e7: {  	[tilespmem:s4+$0xE4E8] =	vst v0  }
0x2e8: {  	v0 =	vld [tilespmem:s0+$0xE4F8];
	_ =	sdelay $0x4  }
0x2e9: {  	[tilespmem:s4+$0xE4F8] =	vst v0  }
0x2ea: {  	v0 =	vld [tilespmem:s0+$0xE508];
	_ =	sdelay $0x4  }
0x2eb: {  	[tilespmem:s4+$0xE508] =	vst v0  }
0x2ec: {  	v0 =	vld [tilespmem:s0+$0xE518];
	_ =	sdelay $0x4  }
0x2ed: {  	[tilespmem:s4+$0xE518] =	vst v0  }
0x2ee: {  	v0 =	vld [tilespmem:s0+$0xE528];
	_ =	sdelay $0x4  }
0x2ef: {  	s2 =	sadd.s32 $0x1, s2;
	[tilespmem:s4+$0xE528] =	vst v0  }
.LBB2_54:
0x2f0: {  	s3 =	sadd.s32 $0x1, s3  }
0x2f1: {  	p1 =	sne.s32 s3, $0x20  }
.Ltmp38:
0x2f2: {  	_ = 	snop;
	(pc) =	sbr.rel @!p1 .LBB2_55-.Ltmp38, $1  }
0x2f3: {  	_ =	sdelay $0x3  }
.LBB2_47:
0x2f4: {  	v0 =	vld.msk [tilespmem:s3+$0xE418], $0x1;
	_ =	sdelay $0x4  }
0x2f5: {  	(v2sf) =	vpush v0, $0x0;
	_ =	sdelay $0xe  }
0x2f6: {  	s0 =	spop (v2sf)  }
0x2f7: {  	p1 =	seq.s32 s0, $0xFFFFFFFF  }
.Ltmp39:
0x2f8: {  	_ = 	snop;
	(pc) =	sbr.rel @p1 .LBB2_54-.Ltmp39, $1  }
0x2f9: {  	_ =	sdelay $0x3  }
0x2fa: {  	p1 =	slt.s32 s2, $0x1  }
.Ltmp40:
0x2fb: {  	_ = 	snop;
	(pc) =	sbr.rel @p1 .LBB2_53-.Ltmp40, $1  }
0x2fc: {  	_ =	sdelay $0x3  }
0x2fd: {  	s4 =	simm.s32 $0xE418;
	p1 =	por $0x0, $0x0  }
0x2fe: {  	v1 =	vld.msk @!p1 [tilespmem:s4+$0x0], $0x1;
	_ =	sdelay $0x4  }
0x2ff: {  	(v2sf) =	vpush @!p1 v1, $0x0;
	_ =	sdelay $0xd  }
0x300: {  	p3 =	sne.s32 s2, $0x1  }
.Ltmp41:
0x301: {  	s5 =	spop @!p1 (v2sf);
	(pc) =	sbr.rel @!p3 .LBB2_51-.Ltmp41, $4  }
0x302: {  	p2 =	seq.s32 @!p1 s0, s5  }
0x303: {  	s5 =	simm.s32 $0x0;
	p2 =	por !p2, p1  }
0x304: {  	s7 =	simm.s32 $0xFFFFFFFF;
	s5 =	simm.s32 @p2 $0xFFFFFFFF  }
0x305: {  	s6 =	simm.s32 $0x1;
	s5 =	smov.u32 @p1 s7  }
.LBB2_50:
0x306: {  	s7 =	smov.u32 s5;
	p1 =	sne.s32 s5, $0xFFFFFFFF  }
0x307: {  	s4 =	sadd.s32 $0x1, s4;
	s5 =	smov.u32 s6;
	s6 =	sadd.s32 $0x1, s6  }
0x308: {  	p2 =	sne.s32 s2, s6;
	v1 =	vld.msk @!p1 [tilespmem:s4+$0x0], $0x1;
	_ =	sdelay $0x4  }
0x309: {  	(v2sf) =	vpush @!p1 v1, $0x0;
	_ =	sdelay $0xe  }
.Ltmp42:
0x30a: {  	s8 =	spop @!p1 (v2sf);
	(pc) =	sbr.rel @p2 .LBB2_50-.Ltmp42, $4  }
0x30b: {  	p3 =	seq.s32 @!p1 s0, s8  }
0x30c: {  	p3 =	por !p3, p1  }
0x30d: {  	s5 =	simm.s32 @p3 $0xFFFFFFFF  }
0x30e: {  	s5 =	smov.u32 @p1 s7  }
.LBB2_51:
0x30f: {  	p1 =	seq.s32 s5, $0xFFFFFFFF  }
.Ltmp43:
0x310: {  	_ = 	snop;
	(pc) =	sbr.rel @p1 .LBB2_53-.Ltmp43, $1  }
0x311: {  	_ =	sdelay $0x3  }
0x312: {  	s0 =	sshll.u32 s3, $0x8  }
0x313: {  	s0 =	sand.u32 $0x3FFFFF00, s0  }
0x314: {  	v0 =	vld [tilespmem:s0+$0xE438];
	_ =	sdelay $0x2  }
0x315: {  	s4 =	sshll.u32 s5, $0xA  }
0x316: {  	s4 =	sshra.s32 s4, $0x2  }
0x317: {  	[tilespmem:s4+$0xE438] =	vst.add.f32.msk $0xffff, v0  }
0x318: {  	v0 =	vld [tilespmem:s0+$0xE448];
	_ =	sdelay $0x4  }
0x319: {  	[tilespmem:s4+$0xE448] =	vst.add.f32.msk $0xffff, v0  }
0x31a: {  	v0 =	vld [tilespmem:s0+$0xE458];
	_ =	sdelay $0x4  }
0x31b: {  	[tilespmem:s4+$0xE458] =	vst.add.f32.msk $0xffff, v0  }
0x31c: {  	v0 =	vld [tilespmem:s0+$0xE468];
	_ =	sdelay $0x4  }
0x31d: {  	[tilespmem:s4+$0xE468] =	vst.add.f32.msk $0xffff, v0  }
0x31e: {  	v0 =	vld [tilespmem:s0+$0xE478];
	_ =	sdelay $0x4  }
0x31f: {  	[tilespmem:s4+$0xE478] =	vst.add.f32.msk $0xffff, v0  }
0x320: {  	v0 =	vld [tilespmem:s0+$0xE488];
	_ =	sdelay $0x4  }
0x321: {  	[tilespmem:s4+$0xE488] =	vst.add.f32.msk $0xffff, v0  }
0x322: {  	v0 =	vld [tilespmem:s0+$0xE498];
	_ =	sdelay $0x4  }
0x323: {  	[tilespmem:s4+$0xE498] =	vst.add.f32.msk $0xffff, v0  }
0x324: {  	v0 =	vld [tilespmem:s0+$0xE4A8];
	_ =	sdelay $0x4  }
0x325: {  	[tilespmem:s4+$0xE4A8] =	vst.add.f32.msk $0xffff, v0  }
0x326: {  	v0 =	vld [tilespmem:s0+$0xE4B8];
	_ =	sdelay $0x4  }
0x327: {  	[tilespmem:s4+$0xE4B8] =	vst.add.f32.msk $0xffff, v0  }
0x328: {  	v0 =	vld [tilespmem:s0+$0xE4C8];
	_ =	sdelay $0x4  }
0x329: {  	[tilespmem:s4+$0xE4C8] =	vst.add.f32.msk $0xffff, v0  }
0x32a: {  	v0 =	vld [tilespmem:s0+$0xE4D8];
	_ =	sdelay $0x4  }
0x32b: {  	[tilespmem:s4+$0xE4D8] =	vst.add.f32.msk $0xffff, v0  }
0x32c: {  	v0 =	vld [tilespmem:s0+$0xE4E8];
	_ =	sdelay $0x4  }
0x32d: {  	[tilespmem:s4+$0xE4E8] =	vst.add.f32.msk $0xffff, v0  }
0x32e: {  	v0 =	vld [tilespmem:s0+$0xE4F8];
	_ =	sdelay $0x4  }
0x32f: {  	[tilespmem:s4+$0xE4F8] =	vst.add.f32.msk $0xffff, v0  }
0x330: {  	v0 =	vld [tilespmem:s0+$0xE508];
	_ =	sdelay $0x4  }
0x331: {  	[tilespmem:s4+$0xE508] =	vst.add.f32.msk $0xffff, v0  }
0x332: {  	v0 =	vld [tilespmem:s0+$0xE518];
	_ =	sdelay $0x4  }
0x333: {  	[tilespmem:s4+$0xE518] =	vst.add.f32.msk $0xffff, v0  }
0x334: {  	v0 =	vld [tilespmem:s0+$0xE528]  }
.Ltmp44:
0x335: {  	_ = 	snop;
	(pc) =	sbr.rel .LBB2_54-.Ltmp44, $2  }
0x336: {  	_ =	sdelay $0x2  }
0x337: {  	[tilespmem:s4+$0xE528] =	vst.add.f32.msk $0xffff, v0  }
.LBB2_55:
0x338: {  	p1 =	slt.s32 s2, $0x1  }
.Ltmp45:
0x339: {  	_ = 	snop;
	(pc) =	sbr.rel @p1 .LBB2_59-.Ltmp45, $3  }
0x33a: {  	_ =	sdelay $0x1  }
0x33b: {  	s0 =	simm.s32 $0x8  }
0x33c: {  	s4 =	simm.s32 $0x0;
	[sflag:s0] =	ssyncpa.u1 $0x1  }
0x33d: {  	s0 =	simm.s32 $0xE418  }
0x33e: {  	v0 =	vld.msk [tilespmem:s0+$0x0], $0x1;
	_ =	sdelay $0x4  }
0x33f: {  	(v2sf) =	vpush v0, $0x0;
	_ =	sdelay $0xe  }
0x340: {  	s0 =	sadd.s32 $0xFFFFFFFF, s2;
	s3 =	spop (v2sf)  }
0x341: {  	s6 =	simm.s32 $0xE438;
	p1 =	sne.s32 s0, $0x0;
	p2 =	sgt.u32 s3, $0x4E170  }
.Ltmp46:
0x342: {  	s2 =	simm.s32 $0xE538;
	s5 =	sand.u32 @!p2 $0x7FFF8, s3;
	(pc) =	sbr.rel @!p1 .LBB2_58-.Ltmp46, $4  }
0x343: {  	s7 =	sadd.s32 @!p2 $0x80, s3;
	s4 =	simm.s32 @!p2 $0x400;
	s8 =	sadd.s32 @!p2 s1, s5  }
0x344: {  	s5 =	sand.u32 @!p2 $0x7, s3;
	s3 =	simm.s32 $0xE419;
	s7 =	sand.u32 @!p2 $0xFFFF8, s7  }
0x345: {  	[hbm4b:s8+s5] =	stream.linear.scatter @!p2 [tilespmem:s6], [sflag:$0x7], $0x80, $0x38;
	[tilespmem:$0x1E678] =	vst v63  }
0x346: {  	s4 =	sadd.s32 $0x0, s4;
	s6 =	simm.s32 @!p2 $0xE4B8;
	s7 =	sadd.s32 @!p2 s1, s7  }
.LBB2_57:
0x347: {  	[hbm4b:s7+s5] =	stream.linear.scatter @!p2 [tilespmem:s6], [sflag:$0x7], $0x80, $0x38;
	[tilespmem:$0x1E678] =	vst v63  }
0x348: {  	s0 =	sadd.s32 $0xFFFFFFFF, s0;
	s6 =	smov.u32 s2;
	v0 =	vld.msk [tilespmem:s3+$0x0], $0x1  }
0x349: {  	p1 =	sne.s32 s0, $0x0;
	_ =	sdelay $0x3  }
0x34a: {  	(v2sf) =	vpush v0, $0x0;
	_ =	sdelay $0xe  }
0x34b: {  	s2 =	sadd.s32 $0x100, s2;
	s8 =	simm.s32 $0x0;
	s5 =	spop (v2sf)  }
.Ltmp47:
0x34c: {  	s3 =	sadd.s32 $0x1, s3;
	p2 =	sgt.u32 s5, $0x4E170;
	(pc) =	sbr.rel @p1 .LBB2_57-.Ltmp47, $4  }
0x34d: {  	s8 =	simm.s32 @!p2 $0x400;
	s7 =	sand.u32 @!p2 $0x7FFF8, s5;
	s9 =	sadd.s32 @!p2 $0x80, s5  }
0x34e: {  	s5 =	sand.u32 @!p2 $0x7, s5;
	s7 =	sadd.s32 @!p2 s1, s7;
	s9 =	sand.u32 @!p2 $0xFFFF8, s9  }
0x34f: {  	[hbm4b:s7+s5] =	stream.linear.scatter @!p2 [tilespmem:s6], [sflag:$0x7], $0x80, $0x38;
	[tilespmem:$0x1E678] =	vst v63  }
0x350: {  	s4 =	sadd.s32 s4, s8;
	s6 =	sadd.s32 @!p2 $0x80, s6;
	s7 =	sadd.s32 @!p2 s1, s9  }
.LBB2_58:
0x351: {  	[hbm4b:s7+s5] =	stream.linear.scatter @!p2 [tilespmem:s6], [sflag:$0x7], $0x80, $0x38;
	[tilespmem:$0x1E678] =	vst v63  }
0x352: {  	s4 =	sshrl.u32 s4, $0x2  }
.LBB2_59:
0x353: {  	s0 =	simm.s32 $0x7  }
0x354: {  	_ =	swait.ge [sflag:s0], s4  }
0x355: {  	s1 =	ssub.s32 $0x0, s4;
	[sflag:s0] =	ssyncset.done $0x0  }
0x356: {  	[sflag:s0] =	ssyncadd.s32 s1  }
0x357: {  	[sflag:s0] =	ssyncpa.u1 $0x1  }
.LBB2_60:
0x358: {  	_ =	sfence;
	s0 =	simm.s32 $0x1  }
0x359: {  	[sflag:s0] =	ssyncpa.u1 $0x1  }
0x35a: {  	_ =	strace $0x9000004A  }
0x35b: {  	[bflag:$0x2] =	sbarrier.arrive $0xFFFF  }
0x35c: {  	s0 =	rddreg [dreg:$0x4]  }
0x35d: {  	s0 =	sadd.s32 @!p0 $0x100000, s0  }
0x35e: {  	[sflag:s0] =	ssyncadd.tile.s32 @!p0 $0x1;
	_ =	shalt  }
.Lfunc_end2:
_tile_overlayer_lowered:
.L_overlay_start_2:
0x35f: {  	(tag) =	ssettag $0x2  }
0x360: {  	s0 =	rddreg [dreg:$0x0];
	s2 =	stileid.u32  }
0x361: {  	s1 =	rddreg [dreg:$0x1];
	p0 =	sne.s32 s2, $0x0  }
0x362: {  	s3 =	rddreg [dreg:$0x2];
	[bflag:$0x3] =	sbarrier.arrive $0xFFFF;
	s2 =	simm.s32 @!p0 $0x1C01  }
0x363: {  	[timem:s3], [sflag:s2] =	dma.local @!p0 [hbm:s0], s1  }
0x364: {  	s0 =	simm.s32 @!p0 $0x1  }
0x365: {  	_ =	swait.ge @!p0 [sflag:s0], s1  }
0x366: {  	s1 =	ssub.s32 @!p0 $0x0, s1;
	[sflag:s0] =	ssyncset.done @!p0 $0x0  }
0x367: {  	[sflag:s0] =	ssyncadd.s32 @!p0 s1  }
0x368: {  	[bflag:$0x3] =	sbarrier.arrive $0xFFFF  }
0x369: {  	_ =	shalt  }

// kernel: scatter_offload_async_start.2
scs
__scs_entry_jumppad:
0x0: {  	(pc) =	sbr.rel $0x88, $3  }
0x1: {  	(tag) =	ssettag $0x0;
	lr =	simm.s32 $0x1  }
0x2: {  	[smem:$0x3F97] =	sst lr;
	_ =	strace $0xD0000000  }
0x3: {  	_ = 	snop  }
0x4: {  	_ = 	snop  }
0x5: {  	_ = 	snop  }
0x6: {  	_ = 	snop  }
0x7: {  	_ = 	snop  }
__scs_overlays_trampoline_lowered:
0x8: {  	[smem:$0x3FA6] =	sst s0  }
0x9: {  	[smem:$0x3FA7] =	sst s1  }
0xa: {  	[smem:$0x3FA8] =	sst s2  }
0xb: {  	[smem:$0x3FA9] =	sst s3  }
0xc: {  	[smem:$0x3FAA] =	sst s4  }
0xd: {  	[smem:$0x3FAB] =	sst s5  }
0xe: {  	[smem:$0x3FAC] =	sst s6  }
0xf: {  	[smem:$0x3FAD] =	sst s7  }
0x10: {  	[smem:$0x3FAE] =	sst s8  }
0x11: {  	[smem:$0x3FAF] =	sst s9;
	s0 =	simm.s32 @!p0 $0x0  }
0x12: {  	s1 =	sld [smem:$0x3F95];
	s0 =	simm.s32 @p0 $0x1  }
0x13: {  	[smem:$0x3FB0] =	sst s0;
	s0 =	simm.s32 @!p1 $0x0  }
0x14: {  	s2 =	sld [smem:$0x3F94];
	s0 =	simm.s32 @p1 $0x1  }
0x15: {  	[smem:$0x3FB1] =	sst s0;
	s0 =	simm.s32 @!p2 $0x0  }
0x16: {  	s3 =	sld [smem:$0x3FDB];
	s0 =	simm.s32 @p2 $0x1  }
0x17: {  	s4 =	simm.s32 $0x1BF5;
	[smem:$0x3FB3] =	sst s0  }
0x18: {  	s0 =	sld [smem:$0x3F96];
	_ =	swait.ge [sflag:s4], $0x0  }
0x19: {  	s7 =	sld [smem:$0x3F97]  }
0x1a: {  	s8 =	sadd.s32 $0xFFFFE003, lr  }
0x1b: {  	s9 =	sadd.s32 $0xFFFFFEF7, lr;
	s5 =	simm.s32 $0xFFFFFFFF;
	p2 =	slt.u32 s8, $0xFFFFF086  }
0x1c: {  	p1 =	slt.u32 s9, $0xF7A;
	s5 =	simm.s32 @!p2 $0x0  }
0x1d: {  	s5 =	simm.s32 @p1 $0x1;
	p0 =	seq.s32 s7, s2  }
0x1e: {  	s7 =	smul.u32 @!p0 $0xF7A, s2;
	p2 =	seq.s32 @!p0 s5, $0x0  }
0x1f: {  	s9 =	smul.u32 $0xF7A, s1;
	s8 =	simm.s32 @!p0 $0x1BF5;
	p2 =	por !p2, p0  }
0x20: {  	[sflag:s8] =	ssyncset.s32 @!p0 $0xFFFFF086;
	s6 =	sadd.s32 @!p0 s3, s7;
	s7 =	simm.s32 @!p0 $0x108  }
0x21: {  	s3 =	sadd.s32 s3, s9;
	s6 =	sadd.s32 @!p0 $0x88, s6;
	s7 =	simm.s32 @p2 $0x1082  }
0x22: {  	[simem:s7], [sflag:s8] =	dma.local @!p0 [hbm:s6], $0xF7A  }
0x23: {  	s9 =	sor.u32 $0xD0000000, s2;
	s6 =	simm.s32 $0x108;
	_ =	swait.ge @!p0 [sflag:s8], $0x0  }
0x24: {  	s3 =	sadd.s32 $0x88, s3;
	s6 =	simm.s32 @!p1 $0x1082;
	[sflag:s4] =	ssyncset.s32 $0xFFFFF086  }
0x25: {  	[simem:s6], [sflag:s4] =	dma.local [hbm:s3], $0xF7A  }
0x26: {  	[smem:$0x3F97] =	sst s1;
	(tag) =	ssettag s2;
	_ =	strace s9  }
0x27: {  	s1 =	sld [smem:$0x3FA7]  }
0x28: {  	s2 =	sld [smem:$0x3FA8]  }
0x29: {  	s4 =	sld [smem:$0x3FAA]  }
0x2a: {  	p0 =	seq.s32 s5, $0x0;
	s5 =	sld [smem:$0x3FAB]  }
0x2b: {  	s6 =	sld [smem:$0x3FAC]  }
0x2c: {  	s7 =	sld [smem:$0x3FAD]  }
0x2d: {  	s3 =	simm.s32 $0x108;
	s8 =	sld [smem:$0x3FAE]  }
0x2e: {  	s3 =	simm.s32 @!p0 $0x1082;
	s9 =	sld [smem:$0x3FAF]  }
0x2f: {  	lr =	sadd.s32 s0, s3;
	s0 =	sld [smem:$0x3FA6]  }
0x30: {  	s3 =	sld [smem:$0x3FA9]  }
0x31: {  	[smem:$0x3FB2] =	sst s10  }
0x32: {  	s10 =	sld [smem:$0x3FB0];
	_ =	sdelay $0x3  }
0x33: {  	p0 =	seq.s32 s10, $0x1;
	s10 =	sld [smem:$0x3FB2];
	_ =	sdelay $0x3  }
0x34: {  	[smem:$0x3FB2] =	sst s10  }
0x35: {  	s10 =	sld [smem:$0x3FB1];
	_ =	sdelay $0x3  }
0x36: {  	p1 =	seq.s32 s10, $0x1;
	s10 =	sld [smem:$0x3FB2];
	_ =	sdelay $0x3  }
0x37: {  	[smem:$0x3FB2] =	sst s10  }
0x38: {  	s10 =	sld [smem:$0x3FB3]  }
0x39: {  	_ = 	snop;
	(pc) =	sbr.ind lr, $3  }
0x3a: {  	_ = 	snop  }
0x3b: {  	_ = 	snop  }
0x3c: {  	p2 =	seq.s32 s10, $0x1;
	s10 =	sld [smem:$0x3FB2]  }
0x3d: {  	_ =	shalt  }
0x3e: {  	_ =	shalt  }
0x3f: {  	_ =	shalt  }
0x40: {  	_ =	shalt  }
0x41: {  	_ =	shalt  }
0x42: {  	_ =	shalt  }
0x43: {  	_ =	shalt  }
0x44: {  	_ =	shalt  }
0x45: {  	_ =	shalt  }
0x46: {  	_ =	shalt  }
0x47: {  	_ =	shalt  }
0x48: {  	_ =	shalt  }
0x49: {  	_ =	shalt  }
0x4a: {  	_ =	shalt  }
0x4b: {  	_ =	shalt  }
0x4c: {  	_ =	shalt  }
0x4d: {  	_ =	shalt  }
0x4e: {  	_ =	shalt  }
0x4f: {  	_ =	shalt  }
0x50: {  	_ =	shalt  }
0x51: {  	_ =	shalt  }
0x52: {  	_ =	shalt  }
0x53: {  	_ =	shalt  }
0x54: {  	_ =	shalt  }
0x55: {  	_ =	shalt  }
0x56: {  	_ =	shalt  }
0x57: {  	_ =	shalt  }
0x58: {  	_ =	shalt  }
0x59: {  	_ =	shalt  }
0x5a: {  	_ =	shalt  }
0x5b: {  	_ =	shalt  }
0x5c: {  	_ =	shalt  }
0x5d: {  	_ =	shalt  }
0x5e: {  	_ =	shalt  }
0x5f: {  	_ =	shalt  }
0x60: {  	_ =	shalt  }
0x61: {  	_ =	shalt  }
0x62: {  	_ =	shalt  }
0x63: {  	_ =	shalt  }
0x64: {  	_ =	shalt  }
0x65: {  	_ =	shalt  }
0x66: {  	_ =	shalt  }
0x67: {  	_ =	shalt  }
0x68: {  	_ =	shalt  }
0x69: {  	_ =	shalt  }
0x6a: {  	_ =	shalt  }
0x6b: {  	_ =	shalt  }
0x6c: {  	_ =	shalt  }
0x6d: {  	_ =	shalt  }
0x6e: {  	_ =	shalt  }
0x6f: {  	_ =	shalt  }
0x70: {  	_ =	shalt  }
0x71: {  	_ =	shalt  }
0x72: {  	_ =	shalt  }
0x73: {  	_ =	shalt  }
0x74: {  	_ =	shalt  }
0x75: {  	_ =	shalt  }
0x76: {  	_ =	shalt  }
0x77: {  	_ =	shalt  }
0x78: {  	_ =	shalt  }
0x79: {  	_ =	shalt  }
0x7a: {  	_ =	shalt  }
0x7b: {  	_ =	shalt  }
0x7c: {  	_ =	shalt  }
0x7d: {  	_ =	shalt  }
0x7e: {  	_ =	shalt  }
0x7f: {  	_ =	shalt  }
0x80: {  	_ =	shalt  }
0x81: {  	_ =	shalt  }
0x82: {  	_ =	shalt  }
0x83: {  	_ =	shalt  }
0x84: {  	_ =	shalt  }
0x85: {  	_ =	shalt  }
0x86: {  	_ =	shalt  }
0x87: {  	_ =	shalt  }
.Lfunc_end0:
.L_simem_size_0:
called_computation.2_lowered:
.L_overlay_start_0:
0x88: {  	s2 =	sld [smem:$0x3FD9]  }
0x89: {  	s3 =	sld [smem:$0x3FFE];
	_ =	sdelay $0x1  }
0x8a: {  	s1 =	srdreg.scid  }
0x8b: {  	s0 =	sand.u32 $0x1, s1  }
0x8c: {  	s16 =	sshll.u32 s0, $0xA;
	s2 =	sadd.s32 s3, s2  }
0x8d: {  	s2 =	sadd.s32 s2, s16  }
0x8e: {  	[smem:$0x3FBE] =	sst s2  }
0x8f: {  	_ = 	snop  }
0x90: {  	s2 =	sld [smem:$0x3FD0];
	(tm) =	ssettm $0x1  }
0x91: {  	s17 =	sld [smem:$0x3FFB];
	_ =	sdelay $0x3  }
0x92: {  	_ =	strace s17  }
0x93: {  	s3 =	sld [smem:$0x3FFC];
	_ =	sdelay $0x3  }
0x94: {  	_ =	strace s3  }
0x95: {  	s3 =	sld [smem:$0x3FFD];
	_ =	sdelay $0x3  }
0x96: {  	_ =	strace s3  }
0x97: {  	_ =	strace $0x8FFFFFFF  }
0x98: {  	s18 =	sld [smem:$0x3FDB];
	_ =	sdelay $0x1  }
0x99: {  	s4 =	simm.s32 $_scs_section_size  }
0x9a: {  	s5 =	simm.s32 $_size__tile_overlayer_lowered;
	s6 =	simm.s32 $_tile_overlayer_lowered  }
0x9b: {  	s21 =	simm.s32 $0x1BFF;
	s20 =	sshll.u32 s6, $0x1;
	s3 =	sadd.s32 s4, s18  }
0x9c: {  	s7 =	simm.s32 $0x0;
	s19 =	sshll.u32 s5, $0x1;
	s5 =	sadd.s32 s20, s3  }
0x9d: {  	[timem:s7], [sflag:s21] =	dma.local [hbm:s5], s19  }
0x9e: {  	_ =	swait.ge [sflag:s21], s19  }
0x9f: {  	s4 =	ssub.s32 $0x0, s19;
	[sflag:s21] =	ssyncset.done $0x0  }
0xa0: {  	[sflag:s21] =	ssyncadd.s32 s4;
	_ =	sdelay $0x1  }
0xa1: {  	s22 =	simm.s32 $0x1B8B  }
0xa2: {  	_ =	swait.ge [sflag:s22], $0x1  }
0xa3: {  	[sflag:s22] =	ssyncset.done $0x0  }
0xa4: {  	s23 =	sld [smem:$0x3FFE];
	[sflag:s22] =	ssyncadd.s32 $0xFFFFFFFF  }
0xa5: {  	s25 =	simm.s32 $0x1B8E;
	s24 =	sld [smem:$0x0]  }
0xa6: {  	s26 =	simm.s32 $execute0_lowered;
	[smem:$0x3FD2] =	sst s25  }
0xa7: {  	s6 =	sshll.u32 s26, $0x1;
	_ =	strace $0x8000004F;
	[dreg:$0x1] =	wrdreg $0xFFFFFFFF  }
0xa8: {  	s28 =	simm.s32 $_size_execute0_lowered;
	s3 =	sadd.s32 s3, s6;
	[dreg:$0x0] =	wrdreg $0x0  }
0xa9: {  	s6 =	sshll.u32 s28, $0x1;
	[dreg:$0x2] =	wrdreg s3  }
0xaa: {  	[dreg:$0x3] =	wrdreg s6  }
0xab: {  	[dreg:$0x4] =	wrdreg $0xC0  }
0xac: {  	_ =	task [dreg:s7], $0x5FFFF  }
0xad: {  	[dreg:$0x1] =	wrdreg $0xFFFFFFFF  }
0xae: {  	[dreg:$0x0] =	wrdreg $0x60  }
0xaf: {  	[dreg:$0x2] =	wrdreg s23  }
0xb0: {  	[dreg:$0x3] =	wrdreg s2  }
0xb1: {  	[dreg:$0x4] =	wrdreg s1  }
0xb2: {  	[dreg:$0x5] =	wrdreg s24  }
0xb3: {  	[dreg:$0x6] =	wrdreg $0x9  }
0xb4: {  	_ =	task.clear_ibuf [dreg:s7], $0x7FFFF;
	_ =	strace $0x9000004F  }
0xb5: {  	s29 =	simm.s32 $0x9;
	_ =	strace $0x80000051  }
0xb6: {  	_ =	swait.ge [sflag:s29], $0x1  }
0xb7: {  	[sflag:s29] =	ssyncadd.s32 $0xFFFFFFFF  }
0xb8: {  	_ =	strace $0x90000051  }
0xb9: {  	_ =	sfence  }
0xba: {  	s30 =	sld [smem:$0x0];
	_ =	sdelay $0x2  }
0xbb: {  	s31 =	sshll.u32 s1, $0xD;
	s1 =	sshrl.u32 s1, $0x2  }
0xbc: {  	s3 =	sand.u32 $0x4000, s31;
	s1 =	sadd.s32 s1, s30  }
0xbd: {  	s0 =	sor.u32 s3, s0;
	s1 =	sshll.u32 s1, $0x11  }
0xbe: {  	s0 =	sor.u32 s1, s0  }
0xbf: {  	s0 =	sadd.s32 $0x8F2B, s0  }
0xc0: {  	[sflag:s0] =	ssyncadd.remote.s32 $0x1  }
0xc1: {  	_ =	sfence.sel $0xFFFF  }
0xc2: {  	[dreg:$0x0] =	wrdreg $0xFFFFFFFF;
	(pc) =	sbr.abs _section_cstart, $3  }
0xc3: {  	[dreg:$0x1] =	wrdreg $0xFFFFFFFF  }
0xc4: {  	_ =	task.clear_ibuf [dreg:s7], $0x2FFFF;
	_ =	strace $0x9FFFFFFF  }
0xc5: {  	(tm) =	ssettm $0x7FFFFFFF  }
tec
execute0_lowered:
.L_overlay_start_1:
0x0: {  	(tag) =	ssettag $0x1  }
0x1: {  	s2 =	rddreg [dreg:$0x0]  }
0x2: {  	s0 =	rddreg [dreg:$0x1]  }
0x3: {  	s3 =	rddreg [dreg:$0x2];
	_ =	strace $0x80000050;
	s1 =	simm.s32 $0x1  }
0x4: {  	s5 =	simm.s32 $0x208;
	v0 =	vimm.s32 $0x0;
	[sflag:s1] =	ssyncpa.u1 $0x0  }
0x5: {  	[tilespmem:s5+$0x70] =	vst v0  }
0x6: {  	[tilespmem:s5+$0x60] =	vst v0  }
0x7: {  	[tilespmem:s5+$0x50] =	vst v0  }
0x8: {  	[tilespmem:s5+$0x40] =	vst v0  }
0x9: {  	[tilespmem:s5+$0x30] =	vst v0  }
0xa: {  	s1 =	sadd.s32 $0x3CF800, s2;
	s6 =	sadd.s32 $0xF5AA00, s2;
	[tilespmem:s5+$0x20] =	vst v0  }
0xb: {  	s4 =	sadd.s32 $0x6C00, s2;
	s10 =	sand.u32 $0x1, s3;
	s2 =	simm.s32 $0x40;
	[tilespmem:s5+$0x10] =	vst v0  }
.LBB2_1:
0xc: {  	s2 =	sadd.s32 $0x40, s2;
	[tilespmem:s5+$0x0] =	vst v0;
	s5 =	sadd.s32 $0x80, s5  }
0xd: {  	p0 =	slt.u32 s2, $0x3880;
	[tilespmem:s5+$0x70] =	vst v0  }
0xe: {  	[tilespmem:s5+$0x60] =	vst v0  }
.Ltmp0:
0xf: {  	[tilespmem:s5+$0x50] =	vst v0;
	(pc) =	sbr.rel @p0 .LBB2_1-.Ltmp0, $4  }
0x10: {  	[tilespmem:s5+$0x40] =	vst v0  }
0x11: {  	[tilespmem:s5+$0x30] =	vst v0  }
0x12: {  	[tilespmem:s5+$0x20] =	vst v0  }
0x13: {  	[tilespmem:s5+$0x10] =	vst v0  }
0x14: {  	s11 =	stileid.u32  }
0x15: {  	s2 =	smul.u32 $0x59, s11  }
0x16: {  	s3 =	smin.u32 s11, $0x5  }
0x17: {  	s2 =	sadd.s32 s3, s2  }
0x18: {  	p0 =	slt.u32 s11, $0x5;
	s20 =	smul.u32 $0x70, s2;
	s2 =	simm.s32 $0x2760  }
0x19: {  	s2 =	simm.s32 @!p0 $0x26F0  }
0x1a: {  	s2 =	sadd.s32 s2, s20  }
0x1b: {  	s8 =	smin.u32 s2, $0x27100  }
0x1c: {  	s26 =	simm.s32 $0x2;
	s2 =	ssub.s32 s8, s20  }
0x1d: {  	s9 =	simm.s32 $0x9;
	s29 =	simm.s32 $0xA;
	p0 =	sgt.s32 s2, $0x0  }
0x1e: {  	s30 =	simm.s32 $0xB;
	s31 =	smul.u32 $0x4E20, s10;
	s2 =	simm.s32 @!p0 $0x0  }
0x1f: {  	[dreg:$0x5] =	wrdreg s10;
	s12 =	simm.s32 $0x1;
	s25 =	smulhi.u32 $0x92492493, s2  }
0x20: {  	s24 =	simm.s32 $0x0;
	p1 =	por $0x0, $0x0;
	s18 =	simm.s32 $0x80  }
0x21: {  	s19 =	simm.s32 $0x400;
	s17 =	simm.s32 $0xC;
	s3 =	sshrl.u32 s25, $0x6  }
0x22: {  	s21 =	simm.s32 $0x0;
	s23 =	simm.s32 $0x0;
	s28 =	smul.u32 $0x70, s3  }
.Ltmp1:
0x23: {  	[tilespmem:s5+$0x0] =	vst v0;
	v0 =	vimm.s32 $0xFFFFFFFF;
	[sflag:s26] =	ssyncpa.u1 $0x0;
	s16 =	sshll.u32 s11, $0x9;
	(pc) =	sbr.rel .LBB2_3-.Ltmp1, $4  }
0x24: {  	[tilespmem:$0xE408] =	vst v0;
	[sflag:s9] =	ssyncpa.u1 $0x0;
	p0 =	sne.s32 s2, s28;
	s2 =	simm.s32 $0x1  }
0x25: {  	s14 =	sadd.s32 s31, s4;
	[sflag:s29] =	ssyncpa.u1 $0x0;
	s2 =	simm.s32 @!p0 $0x0  }
0x26: {  	s15 =	sadd.s32 s31, s0;
	[sflag:s30] =	ssyncpa.u1 $0x0;
	s13 =	sadd.s32 s2, s3  }
0x27: {  	v0 =	vlaneseq.u32;
	s22 =	smov.u32 s20;
	p0 =	por $0x1, $0x1;
	s11 =	sadd.s32 $0x1, s13  }
.LBB2_24:
0x28: {  	s2 =	sshrl.u32 s4, $0x2  }
.LBB2_26:
0x29: {  	_ =	swait.ge [sflag:s17], s2  }
0x2a: {  	s31 =	ssub.s32 $0x0, s2;
	v1 =	vmov s26;
	vm0 =	veq.s32 v0, $0x0;
	[sflag:s17] =	ssyncset.done $0x0  }
0x2b: {  	vm15 =	veq.s32 v0, $0x2;
	v1 =	vsel vm0, s0, v1;
	[sflag:s17] =	ssyncadd.s32 s31  }
0x2c: {  	v1 =	vsel vm15, s24, v1;
	[sflag:s17] =	ssyncpa.u1 $0x1  }
0x2d: {  	[tilespmem:$0xE408] =	vst v1  }
.LBB2_27:
0x2e: {  	s0 =	sadd.s32 $0x70, s22  }
0x2f: {  	s2 =	smov.u32 s20;
	p2 =	slt.s32 s0, s8  }
0x30: {  	s2 =	smov.u32 @p2 s0;
	p2 =	sne.s32 s23, s11  }
.Ltmp2:
0x31: {  	_ = 	snop;
	(pc) =	sbr.rel @!p2 .LBB2_28-.Ltmp2, $4  }
0x32: {  	_ = 	snop  }
0x33: {  	s24 =	smov.u32 s21  }
0x34: {  	s31 =	sadd.s32 $0x1, s23;
	s21 =	smov.u32 s22;
	p0 =	por !p0, !p0  }
0x35: {  	p1 =	por !p1, !p1;
	s23 =	smov.u32 s31;
	s22 =	smov.u32 s2  }
.LBB2_3:
0x36: {  	p2 =	sge.u32 s23, s13  }
0x37: {  	s0 =	smulhi.u32 @!p2 $0xAAAAAAAB, s23  }
0x38: {  	s2 =	smov.u32 s22;
	p3 =	sgt.s32 @!p2 s22, $0x27090  }
0x39: {  	s3 =	sshra.s32 @!p2 s22, $0x1F;
	p3 =	por !p3, p2;
	s0 =	sshrl.u32 @!p2 s0, $0x1  }
0x3a: {  	s3 =	sand.u32 @!p2 s3, s22;
	s2 =	simm.s32 @p3 $0x27090;
	s0 =	smul.u32 @!p2 $0x3, s0  }
0x3b: {  	s2 =	ssub.s32 @!p2 s2, s3  }
0x3c: {  	s2 =	sadd.s32 @!p2 $0xFFFD8F70, s2;
	s0 =	ssub.s32 @!p2 s23, s0  }
0x3d: {  	s3 =	sshll.u32 @!p2 s2, $0x2;
	p3 =	sgt.s32 @!p2 s2, $0x6F;
	s0 =	smul.u32 @!p2 $0x1C0, s0  }
0x3e: {  	s4 =	sand.u32 @!p2 $0x7, s22;
	s2 =	ssub.s32 @!p2 $0x1C0, s3;
	p3 =	por !p3, p2  }
0x3f: {  	s3 =	sshrl.u32 @!p2 s22, $0x3;
	s2 =	sshrl.u32 @!p2 s2, $0x2;
	s0 =	sshrl.u32 @!p2 s0, $0x2  }
0x40: {  	s3 =	sadd.s32 @!p2 s3, s14;
	s2 =	simm.s32 @!p3 $0x0;
	s0 =	sadd.s32 @!p2 $0x10448, s0  }
0x41: {  	[tilespmem:s0], [sflag:$0xA] =	stream.linear.gather @!p2 [hbm4b:s3+s4], s2, $0x38;
	[tilespmem:$0x1E678] =	vst v63  }
0x42: {  	s2 =	sadd.s32 $0xFFFFFFFF, s23  }
0x43: {  	p2 =	sge.u32 s2, s13  }
0x44: {  	p3 =	sgt.s32 @!p2 s21, $0x27090  }
0x45: {  	s0 =	smov.u32 s21;
	s3 =	sshra.s32 @!p2 s21, $0x1F;
	p3 =	por !p3, p2  }
0x46: {  	s3 =	sand.u32 @!p2 s3, s21;
	s0 =	simm.s32 @p3 $0x27090  }
0x47: {  	s0 =	ssub.s32 @!p2 s0, s3  }
0x48: {  	s0 =	sadd.s32 @!p2 $0xFFFD8F70, s0  }
0x49: {  	s3 =	sshll.u32 @!p2 s0, $0x2  }
0x4a: {  	p3 =	sgt.s32 @!p2 s0, $0x6F;
	s0 =	ssub.s32 @!p2 $0x1C0, s3  }
0x4b: {  	p3 =	por !p3, p2;
	s0 =	sshrl.u32 @!p2 s0, $0x2  }
0x4c: {  	s4 =	simm.s32 @!p2 $0xA;
	s3 =	sand.u32 @!p2 $0x1, s2;
	s0 =	simm.s32 @!p3 $0x0  }
0x4d: {  	s3 =	smul.u32 @!p2 $0x1C0, s3;
	_ =	swait.ge @!p2 [sflag:s4], s0  }
0x4e: {  	s5 =	ssub.s32 @!p2 $0x0, s0;
	[sflag:s4] =	ssyncset.done @!p2 $0x0  }
0x4f: {  	s3 =	sshrl.u32 @!p2 s3, $0x2;
	[sflag:s4] =	ssyncadd.s32 @!p2 s5;
	s4 =	sshrl.u32 @!p2 s21, $0x3  }
0x50: {  	s3 =	sadd.s32 @!p2 $0x10598, s3;
	s5 =	sand.u32 @!p2 $0x7, s21;
	s4 =	sadd.s32 @!p2 s4, s15  }
0x51: {  	[tilespmem:s3], [sflag:$0xB] =	stream.linear.gather @!p2 [hbm4b:s4+s5], s0, $0x38;
	[tilespmem:$0x1E678] =	vst v63  }
0x52: {  	s0 =	ssub.s32 @!p2 $0x27100, s21  }
0x53: {  	p3 =	slt.s32 @!p2 s0, $0x1  }
0x54: {  	p3 =	por p2, p3  }
.Ltmp3:
0x55: {  	_ = 	snop;
	(pc) =	sbr.rel @p3 .LBB2_9-.Ltmp3, $1  }
0x56: {  	_ =	sdelay $0x3  }
0x57: {  	s3 =	smulhi.u32 $0xAAAAAAAB, s2;
	_ =	sdelay $0x1  }
0x58: {  	s3 =	sshrl.u32 s3, $0x1  }
0x59: {  	s3 =	smul.u32 $0x3, s3;
	_ =	sdelay $0x1  }
0x5a: {  	s30 =	ssub.s32 s2, s3  }
0x5b: {  	s4 =	simm.s32 $0x1;
	s2 =	smul.u32 $0x1C0, s30  }
.Ltmp4:
0x5c: {  	s4 =	simm.s32 @!p0 $0x0;
	(pc) =	sbr.rel .LBB2_6-.Ltmp4, $4  }
0x5d: {  	s31 =	smul.u32 $0x1C000, s4  }
0x5e: {  	p3 =	slt.s32 @!p2 s0, $0x70;
	s2 =	sshrl.u32 s2, $0x2  }
0x5f: {  	p2 =	por !p3, p2;
	s3 =	sshrl.u32 s31, $0x2;
	s5 =	sadd.s32 $0x10448, s2  }
0x60: {  	s0 =	simm.s32 @p2 $0x70;
	s4 =	sor.u32 $0x10678, s3;
	s2 =	simm.s32 $0x0;
	v1 =	vmov s5  }
.LBB2_5:
0x61: {  	p2 =	sge.s32 s2, s0  }
.Ltmp5:
0x62: {  	_ = 	snop;
	(pc) =	sbr.rel @p2 .LBB2_9-.Ltmp5, $2  }
0x63: {  	_ =	sdelay $0x2  }
0x64: {  	s4 =	sadd.s32 $0x1000, s4  }
.LBB2_6:
0x65: {  	p2 =	sle.s32 s0, s2  }
.Ltmp6:
0x66: {  	_ = 	snop;
	(pc) =	sbr.rel @p2 .LBB2_5-.Ltmp6, $2  }
0x67: {  	_ =	sdelay $0x2  }
0x68: {  	s5 =	smov.u32 s2;
	s2 =	sadd.s32 $0x10, s2  }
0x69: {  	s3 =	ssub.s32 s0, s5  }
0x6a: {  	p2 =	slt.s32 s3, $0x10  }
0x6b: {  	s3 =	simm.s32 @!p2 $0x10  }
0x6c: {  	v2 =	vmov s3  }
0x6d: {  	vm0 =	vgt.s32 v2, v0;
	_ =	sdelay $0x5  }
0x6e: {  	v2 =	vld.idx.msk [tilespmem:v1+s5+$0x0 ss:$0x1], vm0;
	_ =	sdelay $0x2  }
0x6f: {  	p2 =	slt.s32 s2, s0;
	s3 =	smov.u32 s0  }
0x70: {  	s9 =	smov.u32 s4;
	s25 =	simm.s32 $0x0;
	s3 =	smov.u32 @p2 s2  }
.LBB2_8:
0x71: {  	(v2sf) =	vpush v2, s25;
	_ =	sdelay $0xe  }
0x72: {  	s25 =	sadd.s32 $0x1, s25;
	s10 =	spop (v2sf)  }
0x73: {  	s31 =	sadd.s32 s25, s5;
	s26 =	sshll.u32 s10, $0x8;
	s10 =	sshll.u32 s10, $0x7  }
0x74: {  	p2 =	slt.s32 s31, s3;
	s26 =	sand.u32 $0xFFFFF800, s26;
	s10 =	sand.u32 $0x380, s10  }
.Ltmp7:
0x75: {  	s10 =	sor.u32 s10, s26;
	(pc) =	sbr.rel @p2 .LBB2_8-.Ltmp7, $4  }
0x76: {  	s10 =	sshrl.u32 s10, $0x3  }
0x77: {  	s10 =	sadd.s32 s6, s10  }
0x78: {  	[tilespmem:s9], [sflag:$0x9] =	stream.strided.gather [hbm4b:s10+s18], $0x100, s19, s18, $0x38;
	[tilespmem:$0x1E678] =	vst v63  }
0x79: {  	s9 =	sadd.s32 $0x100, s9  }
.Ltmp8:
0x7a: {  	_ = 	snop;
	(pc) =	sbr.rel .LBB2_5-.Ltmp8, $1  }
0x7b: {  	_ =	sdelay $0x3  }
.LBB2_9:
0x7c: {  	p2 =	slt.u32 s23, $0x2  }
.Ltmp9:
0x7d: {  	_ = 	snop;
	(pc) =	sbr.rel @p2 .LBB2_27-.Ltmp9, $1  }
0x7e: {  	_ =	sdelay $0x3  }
0x7f: {  	p2 =	sgt.s32 s24, $0x27090  }
0x80: {  	s0 =	smov.u32 s24;
	s2 =	sshra.s32 s24, $0x1F;
	s3 =	ssub.s32 $0x27100, s24  }
0x81: {  	s0 =	simm.s32 @!p2 $0x27090;
	s2 =	sand.u32 s2, s24;
	p2 =	slt.s32 s3, $0x70  }
0x82: {  	s0 =	ssub.s32 s0, s2;
	s3 =	simm.s32 @!p2 $0x70  }
0x83: {  	s0 =	sadd.s32 $0xFFFD8F70, s0;
	s9 =	sshll.u32 s3, $0x8  }
0x84: {  	s26 =	simm.s32 $0x9;
	s10 =	sshll.u32 s0, $0x2;
	s2 =	sand.u32 $0x3FFFFF00, s9  }
0x85: {  	p2 =	sgt.s32 s0, $0x6F;
	s25 =	ssub.s32 $0x1C0, s10;
	_ =	swait.ge [sflag:s26], s2  }
0x86: {  	s2 =	ssub.s32 $0x0, s2;
	[sflag:s26] =	ssyncset.done $0x0;
	s0 =	sshrl.u32 s25, $0x2  }
0x87: {  	s29 =	simm.s32 $0xB;
	[sflag:s26] =	ssyncadd.s32 s2;
	s0 =	simm.s32 @p2 $0x0  }
0x88: {  	_ =	swait.ge [sflag:s29], s0  }
0x89: {  	s0 =	ssub.s32 $0x0, s0;
	[sflag:s29] =	ssyncset.done $0x0  }
0x8a: {  	[sflag:s29] =	ssyncadd.s32 s0  }
0x8b: {  	v1 =	vld [tilespmem:$0xE408];
	_ =	sdelay $0x4  }
0x8c: {  	(v2sf) =	vpush v1, $0x0  }
0x8d: {  	(v2sf) =	vpush v1, $0x1  }
0x8e: {  	(v2sf) =	vpush v1, $0x2;
	_ =	sdelay $0x3  }
0x8f: {  	s0 =	sadd.s32 $0x70, s24  }
0x90: {  	s2 =	ssub.s32 $0x4E200, s24;
	p2 =	slt.s32 s8, s0  }
0x91: {  	s0 =	smov.u32 @p2 s8;
	p2 =	sgt.s32 s2, $0x0  }
0x92: {  	s0 =	ssub.s32 s0, s24;
	s2 =	simm.s32 @!p2 $0x0  }
0x93: {  	p2 =	slt.s32 s2, s0  }
0x94: {  	s0 =	smov.u32 @p2 s2  }
0x95: {  	s4 =	simm.s32 $0x1;
	p2 =	slt.s32 s0, $0x1  }
.Ltmp10:
0x96: {  	s4 =	simm.s32 @!p1 $0x0;
	(pc) =	sbr.rel @p2 .LBB2_14-.Ltmp10, $4  }
0x97: {  	s30 =	smul.u32 $0x1C0, s4  }
0x98: {  	s5 =	spop (v2sf)  }
0x99: {  	s31 =	sshrl.u32 s30, $0x2;
	s28 =	spop (v2sf)  }
0x9a: {  	s25 =	sadd.s32 $0x10598, s31;
	s24 =	spop (v2sf)  }
0x9b: {  	s2 =	smin.u32 s0, $0x10  }
0x9c: {  	v1 =	vmov s2  }
0x9d: {  	vm1 =	vgt.u32 v1, v0  }
0x9e: {  	p3 =	sgt.s32 s0, $0x10  }
.Ltmp11:
0x9f: {  	_ = 	snop;
	(pc) =	sbr.rel @!p3 .LBB2_13-.Ltmp11, $2  }
0xa0: {  	_ =	sdelay $0x2  }
0xa1: {  	s26 =	simm.s32 $0x10;
	s29 =	sadd.s32 $0xFFFFFFF0, s0;
	s2 =	smov.u32 s25;
	vm0 =	vmmov vm1;
	v1 =	vld.msk [tilespmem:s25+$0x0 ss:$0x1], vm1  }
.LBB2_12:
0xa2: {  	s3 =	smin.u32 s29, $0x10;
	s26 =	sadd.s32 $0x10, s26  }
0xa3: {  	v2 =	vmov s3;
	p3 =	slt.s32 s26, s0  }
0xa4: {  	vm1 =	vgt.u32 v2, v0;
	_ =	sdelay $0x1  }
0xa5: {  	v2 =	vshll.u32 v1, $0x5;
	v1 =	vshll.u32 v1, $0x4  }
.Ltmp12:
0xa6: {  	v2 =	vand.u32 $0xFFFFFF00, v2;
	v1 =	vand.u32 $0x70, v1;
	(pc) =	sbr.rel @p3 .LBB2_12-.Ltmp12, $4  }
0xa7: {  	v1 =	vor.u32 v1, v2  }
0xa8: {  	[tilespmem:s2+$0x0] =	vst.msk vm0, v1;
	s2 =	sadd.s32 $0x10, s2;
	vm0 =	vmmov vm1  }
0xa9: {  	v1 =	vld.msk [tilespmem:s2+$0x0 ss:$0x1], vm1  }
0xaa: {  	s29 =	sadd.s32 $0xFFFFFFF0, s29  }
.LBB2_13:
0xab: {  	_ =	sdelay $0x3  }
0xac: {  	v2 =	vshll.u32 v1, $0x5;
	v1 =	vshll.u32 v1, $0x4  }
0xad: {  	v2 =	vand.u32 $0xFFFFFF00, v2;
	v1 =	vand.u32 $0x70, v1  }
0xae: {  	v1 =	vor.u32 v1, v2  }
0xaf: {  	[tilespmem:s2+$0x0] =	vst.msk vm0, v1  }
.LBB2_14:
0xb0: {  	s2 =	sand.u32 $0x1, s23  }
0xb1: {  	s2 =	smul.u32 $0x70, s2  }
0xb2: {  	p3 =	sne.s32 s28, $0xFFFFFFFF  }
0xb3: {  	v1 =	vld.msk @!p3 [tilespmem:s2+$0x10598], $0x1;
	_ =	sdelay $0x4  }
0xb4: {  	(v2sf) =	vpush @!p3 v1, $0x0;
	_ =	sdelay $0xc  }
.Ltmp13:
0xb5: {  	_ = 	snop;
	(pc) =	sbr.rel @p2 .LBB2_25-.Ltmp13, $4  }
0xb6: {  	_ = 	snop  }
0xb7: {  	s31 =	spop @!p3 (v2sf)  }
0xb8: {  	s24 =	simm.s32 @!p3 $0x0;
	s26 =	smov.u32 s31  }
0xb9: {  	[sflag:s17] =	ssyncpa.u1 $0x0;
	s31 =	smov.u32 @p3 s5;
	s26 =	smov.u32 @p3 s28  }
0xba: {  	v1 =	vld.msk [tilespmem:s25+$0x0], $0x1;
	_ =	sdelay $0x4  }
0xbb: {  	(v2sf) =	vpush v1, $0x0;
	_ =	sdelay $0xe  }
0xbc: {  	s7 =	smov.u32 s11;
	s5 =	spop (v2sf)  }
0xbd: {  	s17 =	smov.u32 s15;
	s2 =	smul.u32 $0x1C000, s4;
	p2 =	seq.s32 s31, s5  }
0xbe: {  	s3 =	smov.u32 s31;
	s29 =	ssub.s32 $0x0, s0;
	p3 =	sgt.s32 @!p2 s31, $0x0  }
0xbf: {  	s30 =	simm.s32 $0x0;
	s2 =	sshrl.u32 s2, $0x2;
	p3 =	por !p3, p2  }
0xc0: {  	s0 =	sadd.s32 $0x1, s29;
	s28 =	sor.u32 $0x106F8, s2;
	s3 =	simm.s32 @p3 $0x0  }
0xc1: {  	s2 =	simm.s32 @!p2 $0x1;
	p3 =	seq.s32 s0, $0x0;
	s3 =	smin.u32 @!p2 s3, $0x9C370  }
.Ltmp14:
0xc2: {  	s4 =	simm.s32 @!p2 $0x7308;
	s9 =	sand.u32 @!p2 $0xFFFF8, s3;
	(pc) =	sbr.rel @p3 .LBB2_17-.Ltmp14, $4  }
0xc3: {  	s10 =	sadd.s32 @!p2 $0x80, s3;
	s11 =	sadd.s32 @!p2 s1, s9;
	s9 =	sand.u32 @!p2 $0x7, s3  }
0xc4: {  	[tilespmem:s4], [sflag:$0x2] =	stream.linear.gather @!p2 [hbm4b:s11+s9], $0x80, $0x38;
	[tilespmem:$0x1E678] =	vst v63  }
0xc5: {  	s15 =	smov.u32 s14;
	s2 =	smov.u32 @p2 s30;
	s4 =	sand.u32 @!p2 $0x1FFFF8, s10  }
0xc6: {  	s3 =	simm.s32 @!p2 $0x7388;
	s10 =	sadd.s32 @!p2 s1, s4;
	s4 =	sadd.s32 $0x1, s25  }
.LBB2_16:
0xc7: {  	s11 =	smov.u32 s2  }
0xc8: {  	[tilespmem:s3], [sflag:$0x2] =	stream.linear.gather @!p2 [hbm4b:s10+s9], $0x80, $0x38;
	[tilespmem:$0x1E678] =	vst v63  }
0xc9: {  	s0 =	sadd.s32 $0x1, s0;
	s9 =	smov.u32 s5;
	v1 =	vld.msk [tilespmem:s4+$0x0], $0x1  }
0xca: {  	p3 =	seq.s32 s0, $0x0;
	_ =	sdelay $0x3  }
0xcb: {  	(v2sf) =	vpush v1, $0x0;
	_ =	sdelay $0xe  }
0xcc: {  	s5 =	spop (v2sf)  }
0xcd: {  	p2 =	seq.s32 s9, s5  }
0xce: {  	p4 =	sgt.s32 @!p2 s9, $0x0;
	s3 =	sshll.u32 @!p2 s2, $0xA;
	s2 =	sadd.s32 @!p2 $0x1, s2  }
0xcf: {  	p4 =	por !p4, p2;
	s3 =	sshra.s32 @!p2 s3, $0x2;
	s2 =	smov.u32 @p2 s11  }
0xd0: {  	s9 =	simm.s32 @p4 $0x0;
	s10 =	sadd.s32 @!p2 $0x7308, s3;
	s3 =	sadd.s32 @!p2 $0x7388, s3  }
.Ltmp15:
0xd1: {  	s9 =	smin.u32 @!p2 s9, $0x9C370;
	(pc) =	sbr.rel @!p3 .LBB2_16-.Ltmp15, $4  }
0xd2: {  	s11 =	sand.u32 @!p2 $0xFFFF8, s9;
	s14 =	sadd.s32 @!p2 $0x80, s9  }
0xd3: {  	s9 =	sand.u32 @!p2 $0x7, s9;
	s11 =	sadd.s32 @!p2 s1, s11;
	s14 =	sand.u32 @!p2 $0x1FFFF8, s14  }
0xd4: {  	[tilespmem:s10], [sflag:$0x2] =	stream.linear.gather @!p2 [hbm4b:s11+s9], $0x80, $0x38;
	[tilespmem:$0x1E678] =	vst v63  }
0xd5: {  	s4 =	sadd.s32 $0x1, s4;
	s10 =	sadd.s32 @!p2 s1, s14  }
.LBB2_17:
0xd6: {  	[tilespmem:s3], [sflag:$0x2] =	stream.linear.gather @!p2 [hbm4b:s10+s9], $0x80, $0x38;
	[tilespmem:$0x1E678] =	vst v63  }
0xd7: {  	s0 =	sshll.u32 s2, $0x8  }
.Ltmp16:
0xd8: {  	s14 =	simm.s32 $0x2;
	s0 =	sand.u32 $0x3FFFFF00, s0;
	(pc) =	sbr.rel .LBB2_18-.Ltmp16, $4  }
0xd9: {  	_ =	swait.ge [sflag:s14], s0  }
0xda: {  	s0 =	ssub.s32 $0x0, s0;
	[sflag:s14] =	ssyncset.done $0x0  }
0xdb: {  	s4 =	simm.s32 $0x0;
	s11 =	smov.u32 s7;
	[sflag:s14] =	ssyncadd.s32 s0  }
0xdc: {  	s14 =	smov.u32 s15;
	s15 =	smov.u32 s17;
	s17 =	simm.s32 $0xC  }
.LBB2_19:
0xdd: {  	v1 =	vld [tilespmem:s28+$0xFFFFFF80];
	_ =	sdelay $0x4  }
0xde: {  	[tilespmem:s5+$0x208] =	vst.add.f32.msk $0xffff, v1  }
0xdf: {  	v1 =	vld [tilespmem:s28+$0xFFFFFF90];
	_ =	sdelay $0x4  }
0xe0: {  	[tilespmem:s5+$0x218] =	vst.add.f32.msk $0xffff, v1  }
0xe1: {  	v1 =	vld [tilespmem:s28+$0xFFFFFFA0];
	_ =	sdelay $0x4  }
0xe2: {  	[tilespmem:s5+$0x228] =	vst.add.f32.msk $0xffff, v1  }
0xe3: {  	v1 =	vld [tilespmem:s28+$0xFFFFFFB0];
	_ =	sdelay $0x4  }
0xe4: {  	[tilespmem:s5+$0x238] =	vst.add.f32.msk $0xffff, v1  }
0xe5: {  	v1 =	vld [tilespmem:s28+$0xFFFFFFC0];
	_ =	sdelay $0x4  }
0xe6: {  	[tilespmem:s5+$0x248] =	vst.add.f32.msk $0xffff, v1  }
0xe7: {  	v1 =	vld [tilespmem:s28+$0xFFFFFFD0];
	_ =	sdelay $0x4  }
0xe8: {  	[tilespmem:s5+$0x258] =	vst.add.f32.msk $0xffff, v1  }
0xe9: {  	v1 =	vld [tilespmem:s28+$0xFFFFFFE0];
	_ =	sdelay $0x4  }
0xea: {  	[tilespmem:s5+$0x268] =	vst.add.f32.msk $0xffff, v1  }
0xeb: {  	v1 =	vld [tilespmem:s28+$0xFFFFFFF0];
	_ =	sdelay $0x4  }
0xec: {  	[tilespmem:s5+$0x278] =	vst.add.f32.msk $0xffff, v1  }
0xed: {  	v1 =	vld [tilespmem:s28+$0x0];
	_ =	sdelay $0x4  }
0xee: {  	[tilespmem:s5+$0x288] =	vst.add.f32.msk $0xffff, v1  }
0xef: {  	v1 =	vld [tilespmem:s28+$0x10];
	_ =	sdelay $0x4  }
0xf0: {  	[tilespmem:s5+$0x298] =	vst.add.f32.msk $0xffff, v1  }
0xf1: {  	v1 =	vld [tilespmem:s28+$0x20];
	_ =	sdelay $0x4  }
0xf2: {  	[tilespmem:s5+$0x2A8] =	vst.add.f32.msk $0xffff, v1  }
0xf3: {  	v1 =	vld [tilespmem:s28+$0x30];
	_ =	sdelay $0x4  }
0xf4: {  	[tilespmem:s5+$0x2B8] =	vst.add.f32.msk $0xffff, v1  }
0xf5: {  	v1 =	vld [tilespmem:s28+$0x40];
	_ =	sdelay $0x4  }
0xf6: {  	[tilespmem:s5+$0x2C8] =	vst.add.f32.msk $0xffff, v1  }
0xf7: {  	v1 =	vld [tilespmem:s28+$0x50];
	_ =	sdelay $0x4  }
0xf8: {  	[tilespmem:s5+$0x2D8] =	vst.add.f32.msk $0xffff, v1  }
0xf9: {  	v1 =	vld [tilespmem:s28+$0x60];
	_ =	sdelay $0x4  }
0xfa: {  	[tilespmem:s5+$0x2E8] =	vst.add.f32.msk $0xffff, v1  }
0xfb: {  	v1 =	vld [tilespmem:s28+$0x70];
	_ =	sdelay $0x4  }
0xfc: {  	[tilespmem:s5+$0x2F8] =	vst.add.f32.msk $0xffff, v1  }
.LBB2_23:
0xfd: {  	s29 =	sadd.s32 $0x1, s29  }
0xfe: {  	p2 =	seq.s32 s29, $0x0  }
.Ltmp17:
0xff: {  	_ = 	snop;
	(pc) =	sbr.rel @p2 .LBB2_24-.Ltmp17, $2  }
0x100: {  	_ =	sdelay $0x2  }
0x101: {  	s25 =	sadd.s32 $0x1, s25;
	s28 =	sadd.s32 $0x100, s28;
	s31 =	smov.u32 s0  }
.LBB2_18:
0x102: {  	v1 =	vld.msk [tilespmem:s25+$0x0], $0x1;
	_ =	sdelay $0x4  }
0x103: {  	(v2sf) =	vpush v1, $0x0;
	_ =	sdelay $0xe  }
0x104: {  	s0 =	spop (v2sf)  }
0x105: {  	p2 =	sne.s32 s31, s0  }
.Ltmp18:
0x106: {  	_ = 	snop;
	(pc) =	sbr.rel @!p2 .LBB2_19-.Ltmp18, $3  }
0x107: {  	_ =	sdelay $0x1  }
0x108: {  	s2 =	sshll.u32 s24, $0xA  }
0x109: {  	s5 =	sshra.s32 s2, $0x2  }
0x10a: {  	p2 =	seq.s32 s31, s26  }
.Ltmp19:
0x10b: {  	_ = 	snop;
	(pc) =	sbr.rel @!p2 .LBB2_21-.Ltmp19, $1  }
0x10c: {  	_ =	sdelay $0x3  }
.Ltmp20:
0x10d: {  	s2 =	sadd.s32 $0x208, s5;
	(pc) =	sbr.rel .LBB2_22-.Ltmp20, $4  }
0x10e: {  	[spmem:s16] =	stream.linear.scatter [tilespmem:s2], [sflag:$0x1], $0x100, $0x38;
	[tilespmem:$0x1E678] =	vst v63  }
0x10f: {  	_ =	swait.ge [sflag:s12], $0x100  }
0x110: {  	[sflag:s12] =	ssyncset.done $0x0  }
0x111: {  	[sflag:s12] =	ssyncadd.s32 $0xFFFFFF00  }
.LBB2_21:
0x112: {  	s2 =	sshll.u32 s30, $0xA  }
0x113: {  	s2 =	sshra.s32 s2, $0x2  }
0x114: {  	v1 =	vld [tilespmem:s2+$0x7308];
	_ =	sdelay $0x4  }
0x115: {  	[tilespmem:s5+$0x208] =	vst.add.f32.msk $0xffff, v1  }
0x116: {  	v1 =	vld [tilespmem:s2+$0x7318];
	_ =	sdelay $0x4  }
0x117: {  	[tilespmem:s5+$0x218] =	vst.add.f32.msk $0xffff, v1  }
0x118: {  	v1 =	vld [tilespmem:s2+$0x7328];
	_ =	sdelay $0x4  }
0x119: {  	[tilespmem:s5+$0x228] =	vst.add.f32.msk $0xffff, v1  }
0x11a: {  	v1 =	vld [tilespmem:s2+$0x7338];
	_ =	sdelay $0x4  }
0x11b: {  	[tilespmem:s5+$0x238] =	vst.add.f32.msk $0xffff, v1  }
0x11c: {  	v1 =	vld [tilespmem:s2+$0x7348];
	_ =	sdelay $0x4  }
0x11d: {  	[tilespmem:s5+$0x248] =	vst.add.f32.msk $0xffff, v1  }
0x11e: {  	v1 =	vld [tilespmem:s2+$0x7358];
	_ =	sdelay $0x4  }
0x11f: {  	[tilespmem:s5+$0x258] =	vst.add.f32.msk $0xffff, v1  }
0x120: {  	v1 =	vld [tilespmem:s2+$0x7368];
	_ =	sdelay $0x4  }
0x121: {  	[tilespmem:s5+$0x268] =	vst.add.f32.msk $0xffff, v1  }
0x122: {  	v1 =	vld [tilespmem:s2+$0x7378];
	_ =	sdelay $0x4  }
0x123: {  	[tilespmem:s5+$0x278] =	vst.add.f32.msk $0xffff, v1  }
0x124: {  	v1 =	vld [tilespmem:s2+$0x7388];
	_ =	sdelay $0x4  }
0x125: {  	[tilespmem:s5+$0x288] =	vst.add.f32.msk $0xffff, v1  }
0x126: {  	v1 =	vld [tilespmem:s2+$0x7398];
	_ =	sdelay $0x4  }
0x127: {  	[tilespmem:s5+$0x298] =	vst.add.f32.msk $0xffff, v1  }
0x128: {  	v1 =	vld [tilespmem:s2+$0x73A8];
	_ =	sdelay $0x4  }
0x129: {  	[tilespmem:s5+$0x2A8] =	vst.add.f32.msk $0xffff, v1  }
0x12a: {  	v1 =	vld [tilespmem:s2+$0x73B8];
	_ =	sdelay $0x4  }
0x12b: {  	[tilespmem:s5+$0x2B8] =	vst.add.f32.msk $0xffff, v1  }
0x12c: {  	v1 =	vld [tilespmem:s2+$0x73C8];
	_ =	sdelay $0x4  }
0x12d: {  	[tilespmem:s5+$0x2C8] =	vst.add.f32.msk $0xffff, v1  }
0x12e: {  	v1 =	vld [tilespmem:s2+$0x73D8];
	_ =	sdelay $0x4  }
0x12f: {  	[tilespmem:s5+$0x2D8] =	vst.add.f32.msk $0xffff, v1  }
0x130: {  	v1 =	vld [tilespmem:s2+$0x73E8];
	_ =	sdelay $0x4  }
0x131: {  	[tilespmem:s5+$0x2E8] =	vst.add.f32.msk $0xffff, v1  }
0x132: {  	v1 =	vld [tilespmem:s2+$0x73F8];
	_ =	sdelay $0x2  }
0x133: {  	p2 =	sgt.u32 s31, $0x9C370  }
0x134: {  	s2 =	sand.u32 @!p2 $0xFFFF8, s31  }
0x135: {  	s3 =	sadd.s32 $0x208, s5;
	s9 =	sand.u32 @!p2 $0x7, s31;
	s2 =	sadd.s32 @!p2 s1, s2;
	[tilespmem:s5+$0x2F8] =	vst.add.f32.msk $0xffff, v1  }
0x136: {  	[hbm4b:s2+s9] =	stream.linear.scatter @!p2 [tilespmem:s3], [sflag:$0xC], $0x80, $0x38;
	[tilespmem:$0x1E678] =	vst v63  }
0x137: {  	s2 =	sadd.s32 @!p2 $0x80, s31  }
0x138: {  	s2 =	sand.u32 @!p2 $0x1FFFF8, s2  }
0x139: {  	s3 =	sadd.s32 $0x288, s5;
	s2 =	sadd.s32 @!p2 s1, s2  }
0x13a: {  	[hbm4b:s2+s9] =	stream.linear.scatter @!p2 [tilespmem:s3], [sflag:$0xC], $0x80, $0x38;
	[tilespmem:$0x1E678] =	vst v63  }
0x13b: {  	s2 =	simm.s32 $0x0  }
0x13c: {  	s2 =	simm.s32 @!p2 $0x400  }
0x13d: {  	s4 =	sadd.s32 s2, s4  }
.LBB2_22:
0x13e: {  	s2 =	sadd.s32 $0x1, s24  }
0x13f: {  	s3 =	sshrl.u32 s2, $0x4  }
0x140: {  	s3 =	smulhi.u32 $0x24924925, s3  }
0x141: {  	v1 =	vld [tilespmem:s28+$0xFFFFFF80]  }
0x142: {  	s3 =	smul.u32 $0x70, s3;
	_ =	sdelay $0x1  }
0x143: {  	s24 =	ssub.s32 s2, s3  }
0x144: {  	s2 =	sshll.u32 s24, $0x8  }
0x145: {  	[tilespmem:s2+$0x208] =	vst v1  }
0x146: {  	v1 =	vld [tilespmem:s28+$0xFFFFFF90];
	_ =	sdelay $0x4  }
0x147: {  	[tilespmem:s2+$0x218] =	vst v1  }
0x148: {  	v1 =	vld [tilespmem:s28+$0xFFFFFFA0];
	_ =	sdelay $0x4  }
0x149: {  	[tilespmem:s2+$0x228] =	vst v1  }
0x14a: {  	v1 =	vld [tilespmem:s28+$0xFFFFFFB0];
	_ =	sdelay $0x4  }
0x14b: {  	[tilespmem:s2+$0x238] =	vst v1  }
0x14c: {  	v1 =	vld [tilespmem:s28+$0xFFFFFFC0];
	_ =	sdelay $0x4  }
0x14d: {  	[tilespmem:s2+$0x248] =	vst v1  }
0x14e: {  	v1 =	vld [tilespmem:s28+$0xFFFFFFD0];
	_ =	sdelay $0x4  }
0x14f: {  	[tilespmem:s2+$0x258] =	vst v1  }
0x150: {  	v1 =	vld [tilespmem:s28+$0xFFFFFFE0];
	_ =	sdelay $0x4  }
0x151: {  	[tilespmem:s2+$0x268] =	vst v1  }
0x152: {  	v1 =	vld [tilespmem:s28+$0xFFFFFFF0];
	_ =	sdelay $0x4  }
0x153: {  	[tilespmem:s2+$0x278] =	vst v1  }
0x154: {  	v1 =	vld [tilespmem:s28+$0x0];
	_ =	sdelay $0x4  }
0x155: {  	[tilespmem:s2+$0x288] =	vst v1  }
0x156: {  	v1 =	vld [tilespmem:s28+$0x10];
	_ =	sdelay $0x4  }
0x157: {  	[tilespmem:s2+$0x298] =	vst v1  }
0x158: {  	v1 =	vld [tilespmem:s28+$0x20];
	_ =	sdelay $0x4  }
0x159: {  	[tilespmem:s2+$0x2A8] =	vst v1  }
0x15a: {  	v1 =	vld [tilespmem:s28+$0x30];
	_ =	sdelay $0x4  }
0x15b: {  	[tilespmem:s2+$0x2B8] =	vst v1  }
0x15c: {  	v1 =	vld [tilespmem:s28+$0x40];
	_ =	sdelay $0x4  }
0x15d: {  	[tilespmem:s2+$0x2C8] =	vst v1  }
0x15e: {  	v1 =	vld [tilespmem:s28+$0x50];
	_ =	sdelay $0x4  }
0x15f: {  	[tilespmem:s2+$0x2D8] =	vst v1  }
0x160: {  	v1 =	vld [tilespmem:s28+$0x60];
	_ =	sdelay $0x4  }
0x161: {  	[tilespmem:s2+$0x2E8] =	vst v1  }
0x162: {  	v1 =	vld [tilespmem:s28+$0x70]  }
.Ltmp21:
0x163: {  	_ = 	snop;
	(pc) =	sbr.rel .LBB2_23-.Ltmp21, $2  }
0x164: {  	_ =	sdelay $0x2  }
0x165: {  	s30 =	sadd.s32 $0x1, s30;
	[tilespmem:s2+$0x2F8] =	vst v1  }
.LBB2_25:
.Ltmp22:
0x166: {  	(pc) =	sbr.rel .LBB2_26-.Ltmp22, $4  }
0x167: {  	_ = 	snop  }
0x168: {  	s0 =	simm.s32 $0x2  }
0x169: {  	_ =	swait.ge [sflag:s0], $0x0  }
0x16a: {  	s2 =	simm.s32 $0x0;
	[sflag:s0] =	ssyncset.done $0x0;
	s0 =	smov.u32 s31  }
.LBB2_28:
0x16b: {  	_ =	sfence.sel $0x180000  }
0x16c: {  	s0 =	simm.s32 $0x9;
	[bflag:$0x0] =	sbarrier.arrive $0xFFFF  }
0x16d: {  	s24 =	simm.s32 $0xA;
	[sflag:s0] =	ssyncpa.u1 $0x1  }
0x16e: {  	s25 =	simm.s32 $0xB;
	[sflag:s24] =	ssyncpa.u1 $0x1  }
0x16f: {  	s26 =	simm.s32 $0x2;
	[sflag:s25] =	ssyncpa.u1 $0x1  }
0x170: {  	[sflag:s26] =	ssyncpa.u1 $0x1  }
0x171: {  	v0 =	vld [tilespmem:$0xE408];
	_ =	sdelay $0x4  }
0x172: {  	(v2sf) =	vpush v0, $0x0  }
0x173: {  	(v2sf) =	vpush v0, $0x1;
	_ =	sdelay $0x1  }
0x174: {  	(v2sf) =	vpush v0, $0x2;
	_ =	sdelay $0xb  }
0x175: {  	s0 =	spop (v2sf)  }
0x176: {  	s2 =	spop (v2sf)  }
0x177: {  	s3 =	smov.u32 s0;
	p0 =	sne.s32 s0, s2  }
0x178: {  	s4 =	spop (v2sf);
	s3 =	simm.s32 @!p0 $0xFFFFFFFF  }
0x179: {  	v2 =	vimm.s32 $0x1;
	v3 =	vlaneseq.u32;
	p0 =	seq.s32 s4, $0xFFFFFFFF;
	v1 =	vmov s3  }
0x17a: {  	s15 =	stileid.u32;
	v0 =	vperm.xlane v0, v2;
	p1 =	sne.s32 @!p0 s0, s2;
	v1 =	vperm.xlane v1, v3  }
0x17b: {  	vm0 =	vcmask $0x3F04;
	s6 =	simm.s32 $0xE408;
	s0 =	simm.s32 @!p0 $0x1;
	p1 =	por !p1, p0  }
0x17c: {  	s3 =	sshll.u32 s15, $0x1;
	s2 =	sshll.u32 @!p0 s4, $0xA;
	s0 =	simm.s32 @p1 $0x0;
	v0 =	vsel vm0, v1, v0  }
0x17d: {  	s5 =	sor.u32 $0x2000, s3;
	s2 =	sshra.s32 @!p0 s2, $0x2;
	s0 =	sor.u32 @!p0 s0, s3;
	[tilespmem:$0xE408] =	vst v0  }
0x17e: {  	[spmem:s5] =	stream.linear.scatter [tilespmem:s6], [sflag:$0x1], $0x2, $0x38;
	[tilespmem:$0x1E678] =	vst v63  }
0x17f: {  	s2 =	sadd.s32 @!p0 $0x208, s2;
	s0 =	sshll.u32 @!p0 s0, $0x8  }
0x180: {  	[spmem:s0] =	stream.linear.scatter @!p0 [tilespmem:s2], [sflag:$0x1], $0x100, $0x38;
	[tilespmem:$0x1E678] =	vst v63  }
0x181: {  	s0 =	simm.s32 @!p0 $0x102  }
0x182: {  	s28 =	simm.s32 $0x1;
	s0 =	simm.s32 @p0 $0x2  }
0x183: {  	_ =	swait.ge [sflag:s28], s0  }
0x184: {  	s0 =	ssub.s32 $0x0, s0;
	[sflag:s28] =	ssyncset.done $0x0  }
0x185: {  	p0 =	sne.s32 s15, $0x0;
	[sflag:s28] =	ssyncadd.s32 s0  }
.Ltmp23:
0x186: {  	_ =	sfence.stream.spmem;
	(pc) =	sbr.rel @p0 .LBB2_45-.Ltmp23, $4  }
0x187: {  	s29 =	simm.s32 $0x3;
	[bflag:$0x0] =	sbarrier.arrive $0xFFFF  }
0x188: {  	s30 =	simm.s32 $0x4;
	[sflag:s29] =	ssyncpa.u1 $0x1  }
0x189: {  	s31 =	simm.s32 $0x3C;
	[sflag:s30] =	ssyncpa.u1 $0x1  }
0x18a: {  	s14 =	rddreg [dreg:$0x5];
	[sflag:s31] =	ssyncpa.u1 $0x1  }
0x18b: {  	_ =	sfence.stream.spmem;
	s0 =	simm.s32 $0x5  }
0x18c: {  	s2 =	simm.s32 $0x2000;
	s3 =	simm.s32 $0xE418;
	[sflag:s0] =	ssyncpa.u1 $0x0  }
0x18d: {  	[tilespmem:s3], [sflag:$0x5] =	stream.linear.gather [spmem:s2], $0x20, $0x38;
	[tilespmem:$0x1E678] =	vst v63  }
0x18e: {  	s26 =	simm.s32 $0x0;
	s28 =	simm.s32 $0xE438  }
0x18f: {  	[tilespmem:s28], [sflag:$0x5] =	stream.linear.gather [spmem:s26], $0x2000, $0x38;
	[tilespmem:$0x1E678] =	vst v63  }
0x190: {  	_ =	swait.ge [sflag:s0], $0x2020  }
0x191: {  	[sflag:s0] =	ssyncset.done $0x0  }
0x192: {  	s29 =	simm.s32 $0x0;
	[sflag:s0] =	ssyncadd.s32 $0xFFFFDFE0  }
0x193: {  	v0 =	vld.msk [tilespmem:s29+$0xE418], $0x1;
	_ =	sdelay $0x1  }
0x194: {  	s30 =	simm.s32 $0x1  }
0x195: {  	v1 =	vld.msk [tilespmem:s30+$0xE418], $0x1;
	_ =	sdelay $0x1  }
0x196: {  	(v2sf) =	vpush v0, $0x0;
	_ =	sdelay $0x2  }
0x197: {  	(v2sf) =	vpush v1, $0x0;
	_ =	sdelay $0x2  }
0x198: {  	s31 =	simm.s32 $0x2  }
0x199: {  	v0 =	vld.msk [tilespmem:s31+$0xE418], $0x1;
	_ =	sdelay $0x2  }
0x19a: {  	s2 =	simm.s32 $0xFFFFFFFF;
	s3 =	simm.s32 $0xFFFFFFFF;
	s0 =	simm.s32 $0xC  }
.LBB2_30:
0x19b: {  	s4 =	smov.u32 s3;
	s5 =	smov.u32 s2  }
0x19c: {  	s2 =	sshra.s32 s0, $0x2;
	p1 =	sne.s32 s0, $0x7C;
	s0 =	sadd.s32 $0x4, s0;
	(v2sf) =	vpush v0, $0x0  }
0x19d: {  	v0 =	vld.msk [tilespmem:s2+$0xE418], $0x1  }
.Ltmp24:
0x19e: {  	(pc) =	sbr.rel @p1 .LBB2_30-.Ltmp24, $4  }
0x19f: {  	s3 =	spop (v2sf)  }
0x1a0: {  	p2 =	sne.s32 s5, $0xFFFFFFFF;
	s2 =	smov.u32 s3  }
0x1a1: {  	p3 =	seq.s32 s3, $0xFFFFFFFF;
	s2 =	smov.u32 @p2 s5  }
0x1a2: {  	s3 =	smov.u32 @p3 s4;
	s2 =	smov.u32 @p3 s5  }
0x1a3: {  	(v2sf) =	vpush v0, $0x0;
	_ =	sdelay $0x8  }
0x1a4: {  	s0 =	spop (v2sf)  }
0x1a5: {  	p1 =	sne.s32 s2, $0xFFFFFFFF;
	s9 =	simm.s32 $0x6;
	s4 =	smov.u32 s0  }
0x1a6: {  	s6 =	simm.s32 $0x0;
	p2 =	seq.s32 s0, $0xFFFFFFFF;
	s4 =	smov.u32 @p1 s2  }
0x1a7: {  	s10 =	simm.s32 $0xE308;
	s4 =	smov.u32 @p2 s2;
	s2 =	spop (v2sf)  }
0x1a8: {  	s0 =	smov.u32 @p2 s3;
	p1 =	sne.s32 s4, $0xFFFFFFFF;
	s5 =	smov.u32 s2  }
.Ltmp25:
0x1a9: {  	p2 =	seq.s32 s2, $0xFFFFFFFF;
	s5 =	smov.u32 @p1 s4;
	(pc) =	sbr.rel .LBB2_32-.Ltmp25, $4  }
0x1aa: {  	s11 =	simm.s32 $0xE388;
	s5 =	smov.u32 @p2 s4;
	s7 =	spop (v2sf)  }
0x1ab: {  	s12 =	simm.s32 $0x0;
	p1 =	sne.s32 s5, $0xFFFFFFFF;
	s8 =	smov.u32 s7  }
0x1ac: {  	s2 =	smov.u32 @p2 s0;
	p2 =	seq.s32 s7, $0xFFFFFFFF;
	s8 =	smov.u32 @p1 s5  }
0x1ad: {  	[sflag:s9] =	ssyncpa.u1 $0x0;
	s7 =	smov.u32 @p2 s2;
	s8 =	smov.u32 @p2 s5  }
.LBB2_38:
0x1ae: {  	p1 =	sgt.u32 s0, $0x9C370  }
0x1af: {  	p2 =	seq.s32 @!p1 s0, s8  }
0x1b0: {  	p1 =	por p1, p2  }
0x1b1: {  	p2 =	sne.s32 @!p1 s0, s7  }
0x1b2: {  	p1 =	por p1, !p2  }
0x1b3: {  	s0 =	sshll.u32 @p1 s12, $0xA  }
0x1b4: {  	s2 =	sand.u32 @!p1 $0xFFFF8, s0;
	s3 =	sand.u32 @!p1 $0x7, s0;
	s0 =	sadd.s32 @!p1 $0x80, s0  }
0x1b5: {  	s2 =	sadd.s32 @!p1 s1, s2;
	s0 =	sand.u32 @!p1 $0x1FFFF8, s0  }
0x1b6: {  	[tilespmem:s10], [sflag:$0x6] =	stream.linear.gather @!p1 [hbm4b:s2+s3], $0x80, $0x38;
	[tilespmem:$0x1E678] =	vst v63  }
0x1b7: {  	s0 =	sadd.s32 @!p1 s1, s0  }
0x1b8: {  	[tilespmem:s11], [sflag:$0x6] =	stream.linear.gather @!p1 [hbm4b:s0+s3], $0x80, $0x38;
	[tilespmem:$0x1E678] =	vst v63  }
0x1b9: {  	_ =	swait.ge @!p1 [sflag:s9], $0x100  }
0x1ba: {  	[sflag:s9] =	ssyncset.done @!p1 $0x0  }
0x1bb: {  	[sflag:s9] =	ssyncadd.s32 @!p1 $0xFFFFFF00  }
0x1bc: {  	v1 =	vld @!p1 [tilespmem:$0xE308];
	_ =	sdelay $0x2  }
0x1bd: {  	s0 =	sshll.u32 @!p1 s12, $0xA  }
0x1be: {  	s2 =	sshrl.u32 @!p1 s0, $0x2  }
0x1bf: {  	[tilespmem:s2+$0xE438] =	vst.add.f32.msk @!p1 $0xffff, v1  }
0x1c0: {  	v1 =	vld @!p1 [tilespmem:$0xE318];
	_ =	sdelay $0x4  }
0x1c1: {  	[tilespmem:s2+$0xE448] =	vst.add.f32.msk @!p1 $0xffff, v1  }
0x1c2: {  	v1 =	vld @!p1 [tilespmem:$0xE328];
	_ =	sdelay $0x4  }
0x1c3: {  	[tilespmem:s2+$0xE458] =	vst.add.f32.msk @!p1 $0xffff, v1  }
0x1c4: {  	v1 =	vld @!p1 [tilespmem:$0xE338];
	_ =	sdelay $0x4  }
0x1c5: {  	[tilespmem:s2+$0xE468] =	vst.add.f32.msk @!p1 $0xffff, v1  }
0x1c6: {  	v1 =	vld @!p1 [tilespmem:$0xE348];
	_ =	sdelay $0x4  }
0x1c7: {  	[tilespmem:s2+$0xE478] =	vst.add.f32.msk @!p1 $0xffff, v1  }
0x1c8: {  	v1 =	vld @!p1 [tilespmem:$0xE358];
	_ =	sdelay $0x4  }
0x1c9: {  	[tilespmem:s2+$0xE488] =	vst.add.f32.msk @!p1 $0xffff, v1  }
0x1ca: {  	v1 =	vld @!p1 [tilespmem:$0xE368];
	_ =	sdelay $0x4  }
0x1cb: {  	[tilespmem:s2+$0xE498] =	vst.add.f32.msk @!p1 $0xffff, v1  }
0x1cc: {  	v1 =	vld @!p1 [tilespmem:$0xE378];
	_ =	sdelay $0x4  }
0x1cd: {  	[tilespmem:s2+$0xE4A8] =	vst.add.f32.msk @!p1 $0xffff, v1  }
0x1ce: {  	v1 =	vld @!p1 [tilespmem:$0xE388];
	_ =	sdelay $0x4  }
0x1cf: {  	[tilespmem:s2+$0xE4B8] =	vst.add.f32.msk @!p1 $0xffff, v1  }
0x1d0: {  	v1 =	vld @!p1 [tilespmem:$0xE398];
	_ =	sdelay $0x4  }
0x1d1: {  	[tilespmem:s2+$0xE4C8] =	vst.add.f32.msk @!p1 $0xffff, v1  }
0x1d2: {  	v1 =	vld @!p1 [tilespmem:$0xE3A8];
	_ =	sdelay $0x4  }
0x1d3: {  	[tilespmem:s2+$0xE4D8] =	vst.add.f32.msk @!p1 $0xffff, v1  }
0x1d4: {  	v1 =	vld @!p1 [tilespmem:$0xE3B8];
	_ =	sdelay $0x4  }
0x1d5: {  	[tilespmem:s2+$0xE4E8] =	vst.add.f32.msk @!p1 $0xffff, v1  }
0x1d6: {  	v1 =	vld @!p1 [tilespmem:$0xE3C8];
	_ =	sdelay $0x4  }
0x1d7: {  	[tilespmem:s2+$0xE4F8] =	vst.add.f32.msk @!p1 $0xffff, v1  }
0x1d8: {  	v1 =	vld @!p1 [tilespmem:$0xE3D8];
	_ =	sdelay $0x4  }
0x1d9: {  	[tilespmem:s2+$0xE508] =	vst.add.f32.msk @!p1 $0xffff, v1  }
0x1da: {  	v1 =	vld @!p1 [tilespmem:$0xE3E8];
	_ =	sdelay $0x4  }
0x1db: {  	[tilespmem:s2+$0xE518] =	vst.add.f32.msk @!p1 $0xffff, v1  }
0x1dc: {  	v1 =	vld @!p1 [tilespmem:$0xE3F8];
	_ =	sdelay $0x4  }
0x1dd: {  	[tilespmem:s2+$0xE528] =	vst.add.f32.msk @!p1 $0xffff, v1  }
0x1de: {  	s0 =	sshrl.u32 s0, $0x2;
	[tilespmem:s6+$0xE418] =	vst.msk $0x1, v0  }
0x1df: {  	v0 =	vld [tilespmem:s0+$0xE438];
	_ =	sdelay $0x2  }
0x1e0: {  	s31 =	sshll.u32 s6, $0xA  }
0x1e1: {  	s2 =	sshra.s32 s31, $0x2  }
0x1e2: {  	[tilespmem:s2+$0xE438] =	vst v0  }
0x1e3: {  	v0 =	vld [tilespmem:s0+$0xE448];
	_ =	sdelay $0x4  }
0x1e4: {  	[tilespmem:s2+$0xE448] =	vst v0  }
0x1e5: {  	v0 =	vld [tilespmem:s0+$0xE458];
	_ =	sdelay $0x4  }
0x1e6: {  	[tilespmem:s2+$0xE458] =	vst v0  }
0x1e7: {  	v0 =	vld [tilespmem:s0+$0xE468];
	_ =	sdelay $0x4  }
0x1e8: {  	[tilespmem:s2+$0xE468] =	vst v0  }
0x1e9: {  	v0 =	vld [tilespmem:s0+$0xE478];
	_ =	sdelay $0x4  }
0x1ea: {  	[tilespmem:s2+$0xE478] =	vst v0  }
0x1eb: {  	v0 =	vld [tilespmem:s0+$0xE488];
	_ =	sdelay $0x4  }
0x1ec: {  	[tilespmem:s2+$0xE488] =	vst v0  }
0x1ed: {  	v0 =	vld [tilespmem:s0+$0xE498];
	_ =	sdelay $0x4  }
0x1ee: {  	[tilespmem:s2+$0xE498] =	vst v0  }
0x1ef: {  	v0 =	vld [tilespmem:s0+$0xE4A8];
	_ =	sdelay $0x4  }
0x1f0: {  	[tilespmem:s2+$0xE4A8] =	vst v0  }
0x1f1: {  	v0 =	vld [tilespmem:s0+$0xE4B8];
	_ =	sdelay $0x4  }
0x1f2: {  	[tilespmem:s2+$0xE4B8] =	vst v0  }
0x1f3: {  	v0 =	vld [tilespmem:s0+$0xE4C8];
	_ =	sdelay $0x4  }
0x1f4: {  	[tilespmem:s2+$0xE4C8] =	vst v0  }
0x1f5: {  	v0 =	vld [tilespmem:s0+$0xE4D8];
	_ =	sdelay $0x4  }
0x1f6: {  	[tilespmem:s2+$0xE4D8] =	vst v0  }
0x1f7: {  	v0 =	vld [tilespmem:s0+$0xE4E8];
	_ =	sdelay $0x4  }
0x1f8: {  	[tilespmem:s2+$0xE4E8] =	vst v0  }
0x1f9: {  	v0 =	vld [tilespmem:s0+$0xE4F8];
	_ =	sdelay $0x4  }
0x1fa: {  	[tilespmem:s2+$0xE4F8] =	vst v0  }
0x1fb: {  	v0 =	vld [tilespmem:s0+$0xE508];
	_ =	sdelay $0x4  }
0x1fc: {  	[tilespmem:s2+$0xE508] =	vst v0  }
0x1fd: {  	v0 =	vld [tilespmem:s0+$0xE518];
	_ =	sdelay $0x4  }
0x1fe: {  	[tilespmem:s2+$0xE518] =	vst v0  }
0x1ff: {  	v0 =	vld [tilespmem:s0+$0xE528];
	_ =	sdelay $0x4  }
0x200: {  	s6 =	sadd.s32 $0x1, s6;
	[tilespmem:s2+$0xE528] =	vst v0  }
.LBB2_39:
0x201: {  	s12 =	sadd.s32 $0x1, s12  }
0x202: {  	p1 =	sne.s32 s12, $0x20  }
.Ltmp26:
0x203: {  	_ = 	snop;
	(pc) =	sbr.rel @!p1 .LBB2_40-.Ltmp26, $1  }
0x204: {  	_ =	sdelay $0x3  }
.LBB2_32:
0x205: {  	v0 =	vld.msk [tilespmem:s12+$0xE418], $0x1;
	_ =	sdelay $0x4  }
0x206: {  	(v2sf) =	vpush v0, $0x0;
	_ =	sdelay $0xe  }
0x207: {  	s0 =	spop (v2sf)  }
0x208: {  	p1 =	seq.s32 s0, $0xFFFFFFFF  }
.Ltmp27:
0x209: {  	_ = 	snop;
	(pc) =	sbr.rel @p1 .LBB2_39-.Ltmp27, $1  }
0x20a: {  	_ =	sdelay $0x3  }
0x20b: {  	p1 =	slt.s32 s6, $0x1  }
.Ltmp28:
0x20c: {  	_ = 	snop;
	(pc) =	sbr.rel @p1 .LBB2_38-.Ltmp28, $1  }
0x20d: {  	_ =	sdelay $0x3  }
0x20e: {  	s4 =	simm.s32 $0xE418;
	p1 =	por $0x0, $0x0  }
0x20f: {  	v1 =	vld.msk @!p1 [tilespmem:s4+$0x0], $0x1;
	_ =	sdelay $0x4  }
0x210: {  	(v2sf) =	vpush @!p1 v1, $0x0;
	_ =	sdelay $0xd  }
0x211: {  	p3 =	sne.s32 s6, $0x1  }
.Ltmp29:
0x212: {  	s2 =	spop @!p1 (v2sf);
	(pc) =	sbr.rel @!p3 .LBB2_36-.Ltmp29, $4  }
0x213: {  	p2 =	seq.s32 @!p1 s0, s2  }
0x214: {  	s5 =	simm.s32 $0x0;
	p2 =	por !p2, p1  }
0x215: {  	s2 =	simm.s32 $0xFFFFFFFF;
	s5 =	simm.s32 @p2 $0xFFFFFFFF  }
0x216: {  	s13 =	simm.s32 $0x1;
	s5 =	smov.u32 @p1 s2  }
.LBB2_35:
0x217: {  	s2 =	smov.u32 s5;
	p1 =	sne.s32 s5, $0xFFFFFFFF  }
0x218: {  	s4 =	sadd.s32 $0x1, s4;
	s5 =	smov.u32 s13;
	s13 =	sadd.s32 $0x1, s13  }
0x219: {  	p2 =	sne.s32 s6, s13;
	v1 =	vld.msk @!p1 [tilespmem:s4+$0x0], $0x1;
	_ =	sdelay $0x4  }
0x21a: {  	(v2sf) =	vpush @!p1 v1, $0x0;
	_ =	sdelay $0xe  }
.Ltmp30:
0x21b: {  	s3 =	spop @!p1 (v2sf);
	(pc) =	sbr.rel @p2 .LBB2_35-.Ltmp30, $4  }
0x21c: {  	p3 =	seq.s32 @!p1 s0, s3  }
0x21d: {  	p3 =	por !p3, p1  }
0x21e: {  	s5 =	simm.s32 @p3 $0xFFFFFFFF  }
0x21f: {  	s5 =	smov.u32 @p1 s2  }
.LBB2_36:
0x220: {  	p1 =	seq.s32 s5, $0xFFFFFFFF  }
.Ltmp31:
0x221: {  	_ = 	snop;
	(pc) =	sbr.rel @p1 .LBB2_38-.Ltmp31, $1  }
0x222: {  	_ =	sdelay $0x3  }
0x223: {  	s0 =	sshll.u32 s12, $0x8  }
0x224: {  	s0 =	sand.u32 $0x3FFFFF00, s0  }
0x225: {  	v0 =	vld [tilespmem:s0+$0xE438];
	_ =	sdelay $0x2  }
0x226: {  	s2 =	sshll.u32 s5, $0xA  }
0x227: {  	s2 =	sshra.s32 s2, $0x2  }
0x228: {  	[tilespmem:s2+$0xE438] =	vst.add.f32.msk $0xffff, v0  }
0x229: {  	v0 =	vld [tilespmem:s0+$0xE448];
	_ =	sdelay $0x4  }
0x22a: {  	[tilespmem:s2+$0xE448] =	vst.add.f32.msk $0xffff, v0  }
0x22b: {  	v0 =	vld [tilespmem:s0+$0xE458];
	_ =	sdelay $0x4  }
0x22c: {  	[tilespmem:s2+$0xE458] =	vst.add.f32.msk $0xffff, v0  }
0x22d: {  	v0 =	vld [tilespmem:s0+$0xE468];
	_ =	sdelay $0x4  }
0x22e: {  	[tilespmem:s2+$0xE468] =	vst.add.f32.msk $0xffff, v0  }
0x22f: {  	v0 =	vld [tilespmem:s0+$0xE478];
	_ =	sdelay $0x4  }
0x230: {  	[tilespmem:s2+$0xE478] =	vst.add.f32.msk $0xffff, v0  }
0x231: {  	v0 =	vld [tilespmem:s0+$0xE488];
	_ =	sdelay $0x4  }
0x232: {  	[tilespmem:s2+$0xE488] =	vst.add.f32.msk $0xffff, v0  }
0x233: {  	v0 =	vld [tilespmem:s0+$0xE498];
	_ =	sdelay $0x4  }
0x234: {  	[tilespmem:s2+$0xE498] =	vst.add.f32.msk $0xffff, v0  }
0x235: {  	v0 =	vld [tilespmem:s0+$0xE4A8];
	_ =	sdelay $0x4  }
0x236: {  	[tilespmem:s2+$0xE4A8] =	vst.add.f32.msk $0xffff, v0  }
0x237: {  	v0 =	vld [tilespmem:s0+$0xE4B8];
	_ =	sdelay $0x4  }
0x238: {  	[tilespmem:s2+$0xE4B8] =	vst.add.f32.msk $0xffff, v0  }
0x239: {  	v0 =	vld [tilespmem:s0+$0xE4C8];
	_ =	sdelay $0x4  }
0x23a: {  	[tilespmem:s2+$0xE4C8] =	vst.add.f32.msk $0xffff, v0  }
0x23b: {  	v0 =	vld [tilespmem:s0+$0xE4D8];
	_ =	sdelay $0x4  }
0x23c: {  	[tilespmem:s2+$0xE4D8] =	vst.add.f32.msk $0xffff, v0  }
0x23d: {  	v0 =	vld [tilespmem:s0+$0xE4E8];
	_ =	sdelay $0x4  }
0x23e: {  	[tilespmem:s2+$0xE4E8] =	vst.add.f32.msk $0xffff, v0  }
0x23f: {  	v0 =	vld [tilespmem:s0+$0xE4F8];
	_ =	sdelay $0x4  }
0x240: {  	[tilespmem:s2+$0xE4F8] =	vst.add.f32.msk $0xffff, v0  }
0x241: {  	v0 =	vld [tilespmem:s0+$0xE508];
	_ =	sdelay $0x4  }
0x242: {  	[tilespmem:s2+$0xE508] =	vst.add.f32.msk $0xffff, v0  }
0x243: {  	v0 =	vld [tilespmem:s0+$0xE518];
	_ =	sdelay $0x4  }
0x244: {  	[tilespmem:s2+$0xE518] =	vst.add.f32.msk $0xffff, v0  }
0x245: {  	v0 =	vld [tilespmem:s0+$0xE528]  }
.Ltmp32:
0x246: {  	_ = 	snop;
	(pc) =	sbr.rel .LBB2_39-.Ltmp32, $2  }
0x247: {  	_ =	sdelay $0x2  }
0x248: {  	[tilespmem:s2+$0xE528] =	vst.add.f32.msk $0xffff, v0  }
.LBB2_40:
0x249: {  	s0 =	simm.s32 $0x6;
	p1 =	seq.s32 s6, $0x0  }
0x24a: {  	[sflag:s0] =	ssyncpa.u1 $0x1;
	v0 =	vimm.s32 @p1 $0xFFFFFFFF  }
0x24b: {  	s0 =	sadd.s32 $0xFFFFFFFF, s6;
	[tilespmem:$0x10438] =	vst @p1 v0  }
0x24c: {  	v0 =	vld.msk @!p1 [tilespmem:s0+$0xE418], $0x1;
	_ =	sdelay $0x1  }
0x24d: {  	v1 =	vld.msk @!p1 [tilespmem:$0xE418], $0x1;
	_ =	sdelay $0x2  }
0x24e: {  	p2 =	seq.s32 @!p1 s0, $0x0;
	v0 =	vbroadcast @!p1 v0, $0x0  }
0x24f: {  	vm0 =	vmmov @!p1 $0x1;
	p2 =	por !p2, p1  }
0x250: {  	v1 =	vnsel @!p1 vm0, $0xFFFFFFFF, v1;
	vm0 =	vcmask @!p1 $0x308;
	v0 =	vpsel !p2, $0xFFFFFFFF, v0  }
0x251: {  	p2 =	sne.s32 @!p1 s8, s7;
	v0 =	vsel @!p1 vm0, v1, v0  }
0x252: {  	s2 =	simm.s32 @!p1 $0xE438;
	s3 =	simm.s32 @!p1 $0x0;
	p3 =	por !p2, p1;
	[tilespmem:$0x10438] =	vst @!p1 v0  }
0x253: {  	[spmem:s3] =	stream.linear.scatter @!p1 [tilespmem:s2], [sflag:$0x1], $0x100, $0x38;
	[tilespmem:$0x1E678] =	vst v63  }
0x254: {  	s2 =	sshll.u32 @!p3 s0, $0xA  }
0x255: {  	s2 =	sshra.s32 @!p3 s2, $0x2  }
0x256: {  	s3 =	simm.s32 @!p3 $0x100;
	s2 =	sadd.s32 @!p3 $0xE438, s2  }
0x257: {  	[spmem:s3] =	stream.linear.scatter @!p3 [tilespmem:s2], [sflag:$0x1], $0x100, $0x38;
	[tilespmem:$0x1E678] =	vst v63  }
0x258: {  	s2 =	simm.s32 @!p3 $0x1  }
0x259: {  	_ =	swait.ge @!p3 [sflag:s2], $0x200  }
0x25a: {  	p1 =	por p2, p1;
	[sflag:s2] =	ssyncset.done @!p3 $0x0  }
0x25b: {  	[sflag:s2] =	ssyncadd.s32 @!p3 $0xFFFFFE00;
	s2 =	simm.s32 @!p1 $0x1  }
0x25c: {  	_ =	swait.ge @!p1 [sflag:s2], $0x100  }
0x25d: {  	s29 =	simm.s32 $0x10438;
	[sflag:s2] =	ssyncset.done @!p1 $0x0  }
0x25e: {  	s30 =	simm.s32 $0x2000;
	s31 =	simm.s32 $0x1;
	[sflag:s2] =	ssyncadd.s32 @!p1 $0xFFFFFF00  }
0x25f: {  	[spmem:s30] =	stream.linear.scatter [tilespmem:s29], [sflag:$0x1], $0x10, $0x38;
	[tilespmem:$0x1E678] =	vst v63  }
0x260: {  	_ =	swait.ge [sflag:s31], $0x10  }
0x261: {  	[sflag:s31] =	ssyncset.done $0x0  }
0x262: {  	p1 =	seq.s32 s14, $0x0;
	s9 =	rddreg [dreg:$0x2];
	[sflag:s31] =	ssyncadd.s32 $0xFFFFFFF0  }
0x263: {  	s3 =	sshll.u32 @p1 s9, $0xE;
	s8 =	rddreg [dreg:$0x3]  }
0x264: {  	s2 =	sadd.s32 @p1 $0x15C3C, s3;
	s3 =	sshll.u32 @p1 s8, $0x11  }
0x265: {  	_ =	sfence.stream.spmem;
	s2 =	sor.u32 @p1 s3, s2  }
0x266: {  	[sflag:s2] =	ssyncadd.remote.s32 @p1 $0x1;
	s2 =	simm.s32 @p1 $0x4  }
0x267: {  	s4 =	simm.s32 @!p1 $0x3C;
	s3 =	sand.u32 $0xFFFFFFFE, s9;
	_ =	swait.ge @p1 [sflag:s2], $0x42  }
0x268: {  	s5 =	simm.s32 @!p1 $0x0;
	s3 =	sadd.s32 @!p1 $0x4, s3;
	[sflag:s2] =	ssyncset.done @p1 $0x0  }
0x269: {  	s7 =	simm.s32 @!p1 $0x200;
	[sflag:s2] =	ssyncadd.s32 @p1 $0xFFFFFFBE;
	s2 =	sshll.u32 @!p1 s3, $0x1A  }
0x26a: {  	s3 =	sshll.u32 @!p1 s3, $0xD;
	s2 =	sor.u32 @!p1 s2, s8;
	_ =	swait.eq @!p1 [sflag:s4], $0x1  }
0x26b: {  	s3 =	sor.u32 @!p1 $0x1C04, s3;
	s4 =	simm.s32 @!p1 $0x1C03;
	s2 =	sor.u32 @!p1 $0x80004000, s2  }
0x26c: {  	[spmem:s7], [sflag:s3] =	dma.general @!p1 [spmem:s5], [sflag:s4], length:$0x40, [dreg:$0x0], stride_count:$0x0, ici_dest:s2, dma_misc:DstOpCode:WRITE  }
0x26d: {  	p2 =	slt.s32 s0, $0x2;
	s5 =	simm.s32 @!p1 $0x400;
	s7 =	simm.s32 @!p1 $0x402  }
0x26e: {  	[spmem:s7], [sflag:s3] =	dma.general @!p1 [spmem:s5], [sflag:s4], length:$0x2, [dreg:$0x0], stride_count:$0x0, ici_dest:s2, dma_misc:DstOpCode:WRITE  }
.Ltmp33:
0x26f: {  	s2 =	simm.s32 @!p1 $0x3;
	(pc) =	sbr.rel @p2 .LBB2_44-.Ltmp33, $4  }
0x270: {  	s3 =	sshll.u32 @!p1 s9, $0xE;
	_ =	swait.ge @!p1 [sflag:s2], $0x42  }
0x271: {  	s4 =	sshll.u32 @!p1 s8, $0x11;
	s3 =	sadd.s32 @!p1 $0x11C3C, s3;
	[sflag:s2] =	ssyncset.done @!p1 $0x0  }
0x272: {  	[sflag:s2] =	ssyncadd.s32 @!p1 $0xFFFFFFBE;
	s2 =	sor.u32 @!p1 s4, s3  }
0x273: {  	s0 =	simm.s32 $0x0;
	[sflag:s2] =	ssyncadd.remote.s32 @!p1 $0xFFFFFFFF  }
0x274: {  	s0 =	simm.s32 $0xE419  }
0x275: {  	v0 =	vld.msk [tilespmem:s0+$0x0], $0x1;
	_ =	sdelay $0x4  }
0x276: {  	(v2sf) =	vpush v0, $0x0;
	_ =	sdelay $0xd  }
0x277: {  	s31 =	sadd.s32 $0xFFFFFFFE, s6  }
0x278: {  	s6 =	simm.s32 $0x0;
	s0 =	sadd.s32 $0xFFFFFFFF, s31;
	s2 =	spop (v2sf)  }
0x279: {  	s3 =	simm.s32 $0xE538;
	p1 =	sne.s32 s0, $0x0;
	p2 =	sgt.u32 s2, $0x9C370  }
.Ltmp34:
0x27a: {  	s4 =	simm.s32 $0xE638;
	s5 =	sand.u32 @!p2 $0xFFFF8, s2;
	(pc) =	sbr.rel @!p1 .LBB2_43-.Ltmp34, $4  }
0x27b: {  	s7 =	sadd.s32 @!p2 $0x80, s2;
	s2 =	sand.u32 @!p2 $0x7, s2;
	s6 =	simm.s32 @!p2 $0x400  }
0x27c: {  	s5 =	sadd.s32 @!p2 s1, s5;
	s7 =	sand.u32 @!p2 $0x1FFFF8, s7;
	s6 =	sadd.s32 $0x0, s6  }
0x27d: {  	[hbm4b:s5+s2] =	stream.linear.scatter @!p2 [tilespmem:s3], [sflag:$0x5], $0x80, $0x38;
	[tilespmem:$0x1E678] =	vst v63  }
0x27e: {  	s5 =	simm.s32 $0xE41A;
	s3 =	simm.s32 @!p2 $0xE5B8;
	s7 =	sadd.s32 @!p2 s1, s7  }
.LBB2_42:
0x27f: {  	[hbm4b:s7+s2] =	stream.linear.scatter @!p2 [tilespmem:s3], [sflag:$0x5], $0x80, $0x38;
	[tilespmem:$0x1E678] =	vst v63  }
0x280: {  	s0 =	sadd.s32 $0xFFFFFFFF, s0;
	s3 =	smov.u32 s4;
	v0 =	vld.msk [tilespmem:s5+$0x0], $0x1  }
0x281: {  	p1 =	sne.s32 s0, $0x0;
	_ =	sdelay $0x3  }
0x282: {  	(v2sf) =	vpush v0, $0x0;
	_ =	sdelay $0xe  }
0x283: {  	s4 =	sadd.s32 $0x100, s4;
	s8 =	simm.s32 $0x0;
	s2 =	spop (v2sf)  }
.Ltmp35:
0x284: {  	s5 =	sadd.s32 $0x1, s5;
	p2 =	sgt.u32 s2, $0x9C370;
	(pc) =	sbr.rel @p1 .LBB2_42-.Ltmp35, $4  }
0x285: {  	s8 =	simm.s32 @!p2 $0x400;
	s7 =	sand.u32 @!p2 $0xFFFF8, s2;
	s9 =	sadd.s32 @!p2 $0x80, s2  }
0x286: {  	s2 =	sand.u32 @!p2 $0x7, s2;
	s7 =	sadd.s32 @!p2 s1, s7;
	s9 =	sand.u32 @!p2 $0x1FFFF8, s9  }
0x287: {  	[hbm4b:s7+s2] =	stream.linear.scatter @!p2 [tilespmem:s3], [sflag:$0x5], $0x80, $0x38;
	[tilespmem:$0x1E678] =	vst v63  }
0x288: {  	s6 =	sadd.s32 s6, s8;
	s3 =	sadd.s32 @!p2 $0x80, s3;
	s7 =	sadd.s32 @!p2 s1, s9  }
.LBB2_43:
0x289: {  	[hbm4b:s7+s2] =	stream.linear.scatter @!p2 [tilespmem:s3], [sflag:$0x5], $0x80, $0x38;
	[tilespmem:$0x1E678] =	vst v63  }
0x28a: {  	s0 =	sshrl.u32 s6, $0x2  }
.LBB2_44:
0x28b: {  	s2 =	simm.s32 $0x5  }
0x28c: {  	_ =	swait.ge [sflag:s2], s0  }
0x28d: {  	s31 =	ssub.s32 $0x0, s0;
	[sflag:s2] =	ssyncset.done $0x0  }
0x28e: {  	[sflag:s2] =	ssyncadd.s32 s31  }
0x28f: {  	[sflag:s2] =	ssyncpa.u1 $0x1  }
.LBB2_45:
0x290: {  	s0 =	sor.u32 s14, s15  }
0x291: {  	p1 =	sne.s32 s0, $0x0  }
.Ltmp36:
0x292: {  	_ = 	snop;
	(pc) =	sbr.rel @p1 .LBB2_60-.Ltmp36, $3  }
0x293: {  	_ =	sdelay $0x1  }
0x294: {  	[bflag:$0x0] =	sbarrier.arrive $0xFFFF  }
0x295: {  	_ =	sfence  }
0x296: {  	s0 =	simm.s32 $0x7  }
0x297: {  	s2 =	simm.s32 $0x2000;
	s3 =	simm.s32 $0xE418;
	[sflag:s0] =	ssyncpa.u1 $0x0  }
0x298: {  	[tilespmem:s3], [sflag:$0x7] =	stream.linear.gather [spmem:s2], $0x20, $0x38;
	[tilespmem:$0x1E678] =	vst v63  }
0x299: {  	s30 =	simm.s32 $0xE438;
	s2 =	simm.s32 $0x0  }
0x29a: {  	[tilespmem:s30], [sflag:$0x7] =	stream.linear.gather [spmem:s2], $0x2000, $0x38;
	[tilespmem:$0x1E678] =	vst v63  }
.Ltmp37:
0x29b: {  	_ = 	snop;
	(pc) =	sbr.rel .LBB2_47-.Ltmp37, $4  }
0x29c: {  	_ =	swait.ge [sflag:s0], $0x2020  }
0x29d: {  	[sflag:s0] =	ssyncset.done $0x0  }
0x29e: {  	s31 =	simm.s32 $0x8;
	[sflag:s0] =	ssyncadd.s32 $0xFFFFDFE0  }
0x29f: {  	s3 =	simm.s32 $0x0;
	[sflag:s31] =	ssyncpa.u1 $0x0  }
.LBB2_53:
0x2a0: {  	p1 =	slt.u32 s0, $0x9C371  }
0x2a1: {  	s4 =	sand.u32 @p1 $0xFFFF8, s0;
	s5 =	sand.u32 @p1 $0x7, s0;
	s0 =	sadd.s32 @p1 $0x80, s0  }
0x2a2: {  	s6 =	simm.s32 @p1 $0xE308;
	s4 =	sadd.s32 @p1 s1, s4;
	s0 =	sand.u32 @p1 $0x1FFFF8, s0  }
0x2a3: {  	[tilespmem:s6], [sflag:$0x8] =	stream.linear.gather @p1 [hbm4b:s4+s5], $0x80, $0x38;
	[tilespmem:$0x1E678] =	vst v63  }
0x2a4: {  	s0 =	sadd.s32 @p1 s1, s0;
	s4 =	simm.s32 @p1 $0xE388  }
0x2a5: {  	[tilespmem:s4], [sflag:$0x8] =	stream.linear.gather @p1 [hbm4b:s0+s5], $0x80, $0x38;
	[tilespmem:$0x1E678] =	vst v63  }
0x2a6: {  	s0 =	simm.s32 @p1 $0x8  }
0x2a7: {  	_ =	swait.ge @p1 [sflag:s0], $0x100  }
0x2a8: {  	[sflag:s0] =	ssyncset.done @p1 $0x0  }
0x2a9: {  	[sflag:s0] =	ssyncadd.s32 @p1 $0xFFFFFF00  }
0x2aa: {  	v1 =	vld @p1 [tilespmem:$0xE308];
	_ =	sdelay $0x2  }
0x2ab: {  	s0 =	sshll.u32 @p1 s3, $0xA  }
0x2ac: {  	s4 =	sshrl.u32 @p1 s0, $0x2  }
0x2ad: {  	[tilespmem:s4+$0xE438] =	vst.add.f32.msk @p1 $0xffff, v1  }
0x2ae: {  	v1 =	vld @p1 [tilespmem:$0xE318];
	_ =	sdelay $0x4  }
0x2af: {  	[tilespmem:s4+$0xE448] =	vst.add.f32.msk @p1 $0xffff, v1  }
0x2b0: {  	v1 =	vld @p1 [tilespmem:$0xE328];
	_ =	sdelay $0x4  }
0x2b1: {  	[tilespmem:s4+$0xE458] =	vst.add.f32.msk @p1 $0xffff, v1  }
0x2b2: {  	v1 =	vld @p1 [tilespmem:$0xE338];
	_ =	sdelay $0x4  }
0x2b3: {  	[tilespmem:s4+$0xE468] =	vst.add.f32.msk @p1 $0xffff, v1  }
0x2b4: {  	v1 =	vld @p1 [tilespmem:$0xE348];
	_ =	sdelay $0x4  }
0x2b5: {  	[tilespmem:s4+$0xE478] =	vst.add.f32.msk @p1 $0xffff, v1  }
0x2b6: {  	v1 =	vld @p1 [tilespmem:$0xE358];
	_ =	sdelay $0x4  }
0x2b7: {  	[tilespmem:s4+$0xE488] =	vst.add.f32.msk @p1 $0xffff, v1  }
0x2b8: {  	v1 =	vld @p1 [tilespmem:$0xE368];
	_ =	sdelay $0x4  }
0x2b9: {  	[tilespmem:s4+$0xE498] =	vst.add.f32.msk @p1 $0xffff, v1  }
0x2ba: {  	v1 =	vld @p1 [tilespmem:$0xE378];
	_ =	sdelay $0x4  }
0x2bb: {  	[tilespmem:s4+$0xE4A8] =	vst.add.f32.msk @p1 $0xffff, v1  }
0x2bc: {  	v1 =	vld @p1 [tilespmem:$0xE388];
	_ =	sdelay $0x4  }
0x2bd: {  	[tilespmem:s4+$0xE4B8] =	vst.add.f32.msk @p1 $0xffff, v1  }
0x2be: {  	v1 =	vld @p1 [tilespmem:$0xE398];
	_ =	sdelay $0x4  }
0x2bf: {  	[tilespmem:s4+$0xE4C8] =	vst.add.f32.msk @p1 $0xffff, v1  }
0x2c0: {  	v1 =	vld @p1 [tilespmem:$0xE3A8];
	_ =	sdelay $0x4  }
0x2c1: {  	[tilespmem:s4+$0xE4D8] =	vst.add.f32.msk @p1 $0xffff, v1  }
0x2c2: {  	v1 =	vld @p1 [tilespmem:$0xE3B8];
	_ =	sdelay $0x4  }
0x2c3: {  	[tilespmem:s4+$0xE4E8] =	vst.add.f32.msk @p1 $0xffff, v1  }
0x2c4: {  	v1 =	vld @p1 [tilespmem:$0xE3C8];
	_ =	sdelay $0x4  }
0x2c5: {  	[tilespmem:s4+$0xE4F8] =	vst.add.f32.msk @p1 $0xffff, v1  }
0x2c6: {  	v1 =	vld @p1 [tilespmem:$0xE3D8];
	_ =	sdelay $0x4  }
0x2c7: {  	[tilespmem:s4+$0xE508] =	vst.add.f32.msk @p1 $0xffff, v1  }
0x2c8: {  	v1 =	vld @p1 [tilespmem:$0xE3E8];
	_ =	sdelay $0x4  }
0x2c9: {  	[tilespmem:s4+$0xE518] =	vst.add.f32.msk @p1 $0xffff, v1  }
0x2ca: {  	v1 =	vld @p1 [tilespmem:$0xE3F8];
	_ =	sdelay $0x3  }
0x2cb: {  	s5 =	sshll.u32 @!p1 s3, $0xA  }
0x2cc: {  	s5 =	smov.u32 @p1 s0;
	[tilespmem:s4+$0xE528] =	vst.add.f32.msk @p1 $0xffff, v1  }
0x2cd: {  	s0 =	sshrl.u32 s5, $0x2;
	[tilespmem:s2+$0xE418] =	vst.msk $0x1, v0  }
0x2ce: {  	v0 =	vld [tilespmem:s0+$0xE438];
	_ =	sdelay $0x2  }
0x2cf: {  	s31 =	sshll.u32 s2, $0xA  }
0x2d0: {  	s4 =	sshra.s32 s31, $0x2  }
0x2d1: {  	[tilespmem:s4+$0xE438] =	vst v0  }
0x2d2: {  	v0 =	vld [tilespmem:s0+$0xE448];
	_ =	sdelay $0x4  }
0x2d3: {  	[tilespmem:s4+$0xE448] =	vst v0  }
0x2d4: {  	v0 =	vld [tilespmem:s0+$0xE458];
	_ =	sdelay $0x4  }
0x2d5: {  	[tilespmem:s4+$0xE458] =	vst v0  }
0x2d6: {  	v0 =	vld [tilespmem:s0+$0xE468];
	_ =	sdelay $0x4  }
0x2d7: {  	[tilespmem:s4+$0xE468] =	vst v0  }
0x2d8: {  	v0 =	vld [tilespmem:s0+$0xE478];
	_ =	sdelay $0x4  }
0x2d9: {  	[tilespmem:s4+$0xE478] =	vst v0  }
0x2da: {  	v0 =	vld [tilespmem:s0+$0xE488];
	_ =	sdelay $0x4  }
0x2db: {  	[tilespmem:s4+$0xE488] =	vst v0  }
0x2dc: {  	v0 =	vld [tilespmem:s0+$0xE498];
	_ =	sdelay $0x4  }
0x2dd: {  	[tilespmem:s4+$0xE498] =	vst v0  }
0x2de: {  	v0 =	vld [tilespmem:s0+$0xE4A8];
	_ =	sdelay $0x4  }
0x2df: {  	[tilespmem:s4+$0xE4A8] =	vst v0  }
0x2e0: {  	v0 =	vld [tilespmem:s0+$0xE4B8];
	_ =	sdelay $0x4  }
0x2e1: {  	[tilespmem:s4+$0xE4B8] =	vst v0  }
0x2e2: {  	v0 =	vld [tilespmem:s0+$0xE4C8];
	_ =	sdelay $0x4  }
0x2e3: {  	[tilespmem:s4+$0xE4C8] =	vst v0  }
0x2e4: {  	v0 =	vld [tilespmem:s0+$0xE4D8];
	_ =	sdelay $0x4  }
0x2e5: {  	[tilespmem:s4+$0xE4D8] =	vst v0  }
0x2e6: {  	v0 =	vld [tilespmem:s0+$0xE4E8];
	_ =	sdelay $0x4  }
0x2e7: {  	[tilespmem:s4+$0xE4E8] =	vst v0  }
0x2e8: {  	v0 =	vld [tilespmem:s0+$0xE4F8];
	_ =	sdelay $0x4  }
0x2e9: {  	[tilespmem:s4+$0xE4F8] =	vst v0  }
0x2ea: {  	v0 =	vld [tilespmem:s0+$0xE508];
	_ =	sdelay $0x4  }
0x2eb: {  	[tilespmem:s4+$0xE508] =	vst v0  }
0x2ec: {  	v0 =	vld [tilespmem:s0+$0xE518];
	_ =	sdelay $0x4  }
0x2ed: {  	[tilespmem:s4+$0xE518] =	vst v0  }
0x2ee: {  	v0 =	vld [tilespmem:s0+$0xE528];
	_ =	sdelay $0x4  }
0x2ef: {  	s2 =	sadd.s32 $0x1, s2;
	[tilespmem:s4+$0xE528] =	vst v0  }
.LBB2_54:
0x2f0: {  	s3 =	sadd.s32 $0x1, s3  }
0x2f1: {  	p1 =	sne.s32 s3, $0x20  }
.Ltmp38:
0x2f2: {  	_ = 	snop;
	(pc) =	sbr.rel @!p1 .LBB2_55-.Ltmp38, $1  }
0x2f3: {  	_ =	sdelay $0x3  }
.LBB2_47:
0x2f4: {  	v0 =	vld.msk [tilespmem:s3+$0xE418], $0x1;
	_ =	sdelay $0x4  }
0x2f5: {  	(v2sf) =	vpush v0, $0x0;
	_ =	sdelay $0xe  }
0x2f6: {  	s0 =	spop (v2sf)  }
0x2f7: {  	p1 =	seq.s32 s0, $0xFFFFFFFF  }
.Ltmp39:
0x2f8: {  	_ = 	snop;
	(pc) =	sbr.rel @p1 .LBB2_54-.Ltmp39, $1  }
0x2f9: {  	_ =	sdelay $0x3  }
0x2fa: {  	p1 =	slt.s32 s2, $0x1  }
.Ltmp40:
0x2fb: {  	_ = 	snop;
	(pc) =	sbr.rel @p1 .LBB2_53-.Ltmp40, $1  }
0x2fc: {  	_ =	sdelay $0x3  }
0x2fd: {  	s4 =	simm.s32 $0xE418;
	p1 =	por $0x0, $0x0  }
0x2fe: {  	v1 =	vld.msk @!p1 [tilespmem:s4+$0x0], $0x1;
	_ =	sdelay $0x4  }
0x2ff: {  	(v2sf) =	vpush @!p1 v1, $0x0;
	_ =	sdelay $0xd  }
0x300: {  	p3 =	sne.s32 s2, $0x1  }
.Ltmp41:
0x301: {  	s5 =	spop @!p1 (v2sf);
	(pc) =	sbr.rel @!p3 .LBB2_51-.Ltmp41, $4  }
0x302: {  	p2 =	seq.s32 @!p1 s0, s5  }
0x303: {  	s5 =	simm.s32 $0x0;
	p2 =	por !p2, p1  }
0x304: {  	s7 =	simm.s32 $0xFFFFFFFF;
	s5 =	simm.s32 @p2 $0xFFFFFFFF  }
0x305: {  	s6 =	simm.s32 $0x1;
	s5 =	smov.u32 @p1 s7  }
.LBB2_50:
0x306: {  	s7 =	smov.u32 s5;
	p1 =	sne.s32 s5, $0xFFFFFFFF  }
0x307: {  	s4 =	sadd.s32 $0x1, s4;
	s5 =	smov.u32 s6;
	s6 =	sadd.s32 $0x1, s6  }
0x308: {  	p2 =	sne.s32 s2, s6;
	v1 =	vld.msk @!p1 [tilespmem:s4+$0x0], $0x1;
	_ =	sdelay $0x4  }
0x309: {  	(v2sf) =	vpush @!p1 v1, $0x0;
	_ =	sdelay $0xe  }
.Ltmp42:
0x30a: {  	s8 =	spop @!p1 (v2sf);
	(pc) =	sbr.rel @p2 .LBB2_50-.Ltmp42, $4  }
0x30b: {  	p3 =	seq.s32 @!p1 s0, s8  }
0x30c: {  	p3 =	por !p3, p1  }
0x30d: {  	s5 =	simm.s32 @p3 $0xFFFFFFFF  }
0x30e: {  	s5 =	smov.u32 @p1 s7  }
.LBB2_51:
0x30f: {  	p1 =	seq.s32 s5, $0xFFFFFFFF  }
.Ltmp43:
0x310: {  	_ = 	snop;
	(pc) =	sbr.rel @p1 .LBB2_53-.Ltmp43, $1  }
0x311: {  	_ =	sdelay $0x3  }
0x312: {  	s0 =	sshll.u32 s3, $0x8  }
0x313: {  	s0 =	sand.u32 $0x3FFFFF00, s0  }
0x314: {  	v0 =	vld [tilespmem:s0+$0xE438];
	_ =	sdelay $0x2  }
0x315: {  	s4 =	sshll.u32 s5, $0xA  }
0x316: {  	s4 =	sshra.s32 s4, $0x2  }
0x317: {  	[tilespmem:s4+$0xE438] =	vst.add.f32.msk $0xffff, v0  }
0x318: {  	v0 =	vld [tilespmem:s0+$0xE448];
	_ =	sdelay $0x4  }
0x319: {  	[tilespmem:s4+$0xE448] =	vst.add.f32.msk $0xffff, v0  }
0x31a: {  	v0 =	vld [tilespmem:s0+$0xE458];
	_ =	sdelay $0x4  }
0x31b: {  	[tilespmem:s4+$0xE458] =	vst.add.f32.msk $0xffff, v0  }
0x31c: {  	v0 =	vld [tilespmem:s0+$0xE468];
	_ =	sdelay $0x4  }
0x31d: {  	[tilespmem:s4+$0xE468] =	vst.add.f32.msk $0xffff, v0  }
0x31e: {  	v0 =	vld [tilespmem:s0+$0xE478];
	_ =	sdelay $0x4  }
0x31f: {  	[tilespmem:s4+$0xE478] =	vst.add.f32.msk $0xffff, v0  }
0x320: {  	v0 =	vld [tilespmem:s0+$0xE488];
	_ =	sdelay $0x4  }
0x321: {  	[tilespmem:s4+$0xE488] =	vst.add.f32.msk $0xffff, v0  }
0x322: {  	v0 =	vld [tilespmem:s0+$0xE498];
	_ =	sdelay $0x4  }
0x323: {  	[tilespmem:s4+$0xE498] =	vst.add.f32.msk $0xffff, v0  }
0x324: {  	v0 =	vld [tilespmem:s0+$0xE4A8];
	_ =	sdelay $0x4  }
0x325: {  	[tilespmem:s4+$0xE4A8] =	vst.add.f32.msk $0xffff, v0  }
0x326: {  	v0 =	vld [tilespmem:s0+$0xE4B8];
	_ =	sdelay $0x4  }
0x327: {  	[tilespmem:s4+$0xE4B8] =	vst.add.f32.msk $0xffff, v0  }
0x328: {  	v0 =	vld [tilespmem:s0+$0xE4C8];
	_ =	sdelay $0x4  }
0x329: {  	[tilespmem:s4+$0xE4C8] =	vst.add.f32.msk $0xffff, v0  }
0x32a: {  	v0 =	vld [tilespmem:s0+$0xE4D8];
	_ =	sdelay $0x4  }
0x32b: {  	[tilespmem:s4+$0xE4D8] =	vst.add.f32.msk $0xffff, v0  }
0x32c: {  	v0 =	vld [tilespmem:s0+$0xE4E8];
	_ =	sdelay $0x4  }
0x32d: {  	[tilespmem:s4+$0xE4E8] =	vst.add.f32.msk $0xffff, v0  }
0x32e: {  	v0 =	vld [tilespmem:s0+$0xE4F8];
	_ =	sdelay $0x4  }
0x32f: {  	[tilespmem:s4+$0xE4F8] =	vst.add.f32.msk $0xffff, v0  }
0x330: {  	v0 =	vld [tilespmem:s0+$0xE508];
	_ =	sdelay $0x4  }
0x331: {  	[tilespmem:s4+$0xE508] =	vst.add.f32.msk $0xffff, v0  }
0x332: {  	v0 =	vld [tilespmem:s0+$0xE518];
	_ =	sdelay $0x4  }
0x333: {  	[tilespmem:s4+$0xE518] =	vst.add.f32.msk $0xffff, v0  }
0x334: {  	v0 =	vld [tilespmem:s0+$0xE528]  }
.Ltmp44:
0x335: {  	_ = 	snop;
	(pc) =	sbr.rel .LBB2_54-.Ltmp44, $2  }
0x336: {  	_ =	sdelay $0x2  }
0x337: {  	[tilespmem:s4+$0xE528] =	vst.add.f32.msk $0xffff, v0  }
.LBB2_55:
0x338: {  	p1 =	slt.s32 s2, $0x1  }
.Ltmp45:
0x339: {  	_ = 	snop;
	(pc) =	sbr.rel @p1 .LBB2_59-.Ltmp45, $3  }
0x33a: {  	_ =	sdelay $0x1  }
0x33b: {  	s0 =	simm.s32 $0x8  }
0x33c: {  	s4 =	simm.s32 $0x0;
	[sflag:s0] =	ssyncpa.u1 $0x1  }
0x33d: {  	s0 =	simm.s32 $0xE418  }
0x33e: {  	v0 =	vld.msk [tilespmem:s0+$0x0], $0x1;
	_ =	sdelay $0x4  }
0x33f: {  	(v2sf) =	vpush v0, $0x0;
	_ =	sdelay $0xe  }
0x340: {  	s0 =	sadd.s32 $0xFFFFFFFF, s2;
	s3 =	spop (v2sf)  }
0x341: {  	s6 =	simm.s32 $0xE438;
	p1 =	sne.s32 s0, $0x0;
	p2 =	sgt.u32 s3, $0x9C370  }
.Ltmp46:
0x342: {  	s2 =	simm.s32 $0xE538;
	s5 =	sand.u32 @!p2 $0xFFFF8, s3;
	(pc) =	sbr.rel @!p1 .LBB2_58-.Ltmp46, $4  }
0x343: {  	s7 =	sadd.s32 @!p2 $0x80, s3;
	s4 =	simm.s32 @!p2 $0x400;
	s8 =	sadd.s32 @!p2 s1, s5  }
0x344: {  	s5 =	sand.u32 @!p2 $0x7, s3;
	s3 =	simm.s32 $0xE419;
	s7 =	sand.u32 @!p2 $0x1FFFF8, s7  }
0x345: {  	[hbm4b:s8+s5] =	stream.linear.scatter @!p2 [tilespmem:s6], [sflag:$0x7], $0x80, $0x38;
	[tilespmem:$0x1E678] =	vst v63  }
0x346: {  	s4 =	sadd.s32 $0x0, s4;
	s6 =	simm.s32 @!p2 $0xE4B8;
	s7 =	sadd.s32 @!p2 s1, s7  }
.LBB2_57:
0x347: {  	[hbm4b:s7+s5] =	stream.linear.scatter @!p2 [tilespmem:s6], [sflag:$0x7], $0x80, $0x38;
	[tilespmem:$0x1E678] =	vst v63  }
0x348: {  	s0 =	sadd.s32 $0xFFFFFFFF, s0;
	s6 =	smov.u32 s2;
	v0 =	vld.msk [tilespmem:s3+$0x0], $0x1  }
0x349: {  	p1 =	sne.s32 s0, $0x0;
	_ =	sdelay $0x3  }
0x34a: {  	(v2sf) =	vpush v0, $0x0;
	_ =	sdelay $0xe  }
0x34b: {  	s2 =	sadd.s32 $0x100, s2;
	s8 =	simm.s32 $0x0;
	s5 =	spop (v2sf)  }
.Ltmp47:
0x34c: {  	s3 =	sadd.s32 $0x1, s3;
	p2 =	sgt.u32 s5, $0x9C370;
	(pc) =	sbr.rel @p1 .LBB2_57-.Ltmp47, $4  }
0x34d: {  	s8 =	simm.s32 @!p2 $0x400;
	s7 =	sand.u32 @!p2 $0xFFFF8, s5;
	s9 =	sadd.s32 @!p2 $0x80, s5  }
0x34e: {  	s5 =	sand.u32 @!p2 $0x7, s5;
	s7 =	sadd.s32 @!p2 s1, s7;
	s9 =	sand.u32 @!p2 $0x1FFFF8, s9  }
0x34f: {  	[hbm4b:s7+s5] =	stream.linear.scatter @!p2 [tilespmem:s6], [sflag:$0x7], $0x80, $0x38;
	[tilespmem:$0x1E678] =	vst v63  }
0x350: {  	s4 =	sadd.s32 s4, s8;
	s6 =	sadd.s32 @!p2 $0x80, s6;
	s7 =	sadd.s32 @!p2 s1, s9  }
.LBB2_58:
0x351: {  	[hbm4b:s7+s5] =	stream.linear.scatter @!p2 [tilespmem:s6], [sflag:$0x7], $0x80, $0x38;
	[tilespmem:$0x1E678] =	vst v63  }
0x352: {  	s4 =	sshrl.u32 s4, $0x2  }
.LBB2_59:
0x353: {  	s0 =	simm.s32 $0x7  }
0x354: {  	_ =	swait.ge [sflag:s0], s4  }
0x355: {  	s1 =	ssub.s32 $0x0, s4;
	[sflag:s0] =	ssyncset.done $0x0  }
0x356: {  	[sflag:s0] =	ssyncadd.s32 s1  }
0x357: {  	[sflag:s0] =	ssyncpa.u1 $0x1  }
.LBB2_60:
0x358: {  	_ =	sfence;
	s0 =	simm.s32 $0x1  }
0x359: {  	[sflag:s0] =	ssyncpa.u1 $0x1  }
0x35a: {  	_ =	strace $0x90000050  }
0x35b: {  	[bflag:$0x2] =	sbarrier.arrive $0xFFFF  }
0x35c: {  	s0 =	rddreg [dreg:$0x4]  }
0x35d: {  	s0 =	sadd.s32 @!p0 $0x100000, s0  }
0x35e: {  	[sflag:s0] =	ssyncadd.tile.s32 @!p0 $0x1;
	_ =	shalt  }
.Lfunc_end2:
_tile_overlayer_lowered:
.L_overlay_start_2:
0x35f: {  	(tag) =	ssettag $0x2  }
0x360: {  	s0 =	rddreg [dreg:$0x0];
	s2 =	stileid.u32  }
0x361: {  	s1 =	rddreg [dreg:$0x1];
	p0 =	sne.s32 s2, $0x0  }
0x362: {  	s3 =	rddreg [dreg:$0x2];
	[bflag:$0x3] =	sbarrier.arrive $0xFFFF;
	s2 =	simm.s32 @!p0 $0x1C01  }
0x363: {  	[timem:s3], [sflag:s2] =	dma.local @!p0 [hbm:s0], s1  }
0x364: {  	s0 =	simm.s32 @!p0 $0x1  }
0x365: {  	_ =	swait.ge @!p0 [sflag:s0], s1  }
0x366: {  	s1 =	ssub.s32 @!p0 $0x0, s1;
	[sflag:s0] =	ssyncset.done @!p0 $0x0  }
0x367: {  	[sflag:s0] =	ssyncadd.s32 @!p0 s1  }
0x368: {  	[bflag:$0x3] =	sbarrier.arrive $0xFFFF  }
0x369: {  	_ =	shalt  }

// kernel: scatter_offload_async_start
scs
__scs_entry_jumppad:
0x0: {  	(pc) =	sbr.rel $0x88, $3  }
0x1: {  	(tag) =	ssettag $0x0;
	lr =	simm.s32 $0x1  }
0x2: {  	[smem:$0x3F97] =	sst lr;
	_ =	strace $0xD0000000  }
0x3: {  	_ = 	snop  }
0x4: {  	_ = 	snop  }
0x5: {  	_ = 	snop  }
0x6: {  	_ = 	snop  }
0x7: {  	_ = 	snop  }
__scs_overlays_trampoline_lowered:
0x8: {  	[smem:$0x3FA6] =	sst s0  }
0x9: {  	[smem:$0x3FA7] =	sst s1  }
0xa: {  	[smem:$0x3FA8] =	sst s2  }
0xb: {  	[smem:$0x3FA9] =	sst s3  }
0xc: {  	[smem:$0x3FAA] =	sst s4  }
0xd: {  	[smem:$0x3FAB] =	sst s5  }
0xe: {  	[smem:$0x3FAC] =	sst s6  }
0xf: {  	[smem:$0x3FAD] =	sst s7  }
0x10: {  	[smem:$0x3FAE] =	sst s8  }
0x11: {  	[smem:$0x3FAF] =	sst s9;
	s0 =	simm.s32 @!p0 $0x0  }
0x12: {  	s1 =	sld [smem:$0x3F95];
	s0 =	simm.s32 @p0 $0x1  }
0x13: {  	[smem:$0x3FB0] =	sst s0;
	s0 =	simm.s32 @!p1 $0x0  }
0x14: {  	s2 =	sld [smem:$0x3F94];
	s0 =	simm.s32 @p1 $0x1  }
0x15: {  	[smem:$0x3FB1] =	sst s0;
	s0 =	simm.s32 @!p2 $0x0  }
0x16: {  	s3 =	sld [smem:$0x3FDB];
	s0 =	simm.s32 @p2 $0x1  }
0x17: {  	s4 =	simm.s32 $0x1BF5;
	[smem:$0x3FB3] =	sst s0  }
0x18: {  	s0 =	sld [smem:$0x3F96];
	_ =	swait.ge [sflag:s4], $0x0  }
0x19: {  	s7 =	sld [smem:$0x3F97]  }
0x1a: {  	s8 =	sadd.s32 $0xFFFFE003, lr  }
0x1b: {  	s9 =	sadd.s32 $0xFFFFFEF7, lr;
	s5 =	simm.s32 $0xFFFFFFFF;
	p2 =	slt.u32 s8, $0xFFFFF086  }
0x1c: {  	p1 =	slt.u32 s9, $0xF7A;
	s5 =	simm.s32 @!p2 $0x0  }
0x1d: {  	s5 =	simm.s32 @p1 $0x1;
	p0 =	seq.s32 s7, s2  }
0x1e: {  	s7 =	smul.u32 @!p0 $0xF7A, s2;
	p2 =	seq.s32 @!p0 s5, $0x0  }
0x1f: {  	s9 =	smul.u32 $0xF7A, s1;
	s8 =	simm.s32 @!p0 $0x1BF5;
	p2 =	por !p2, p0  }
0x20: {  	[sflag:s8] =	ssyncset.s32 @!p0 $0xFFFFF086;
	s6 =	sadd.s32 @!p0 s3, s7;
	s7 =	simm.s32 @!p0 $0x108  }
0x21: {  	s3 =	sadd.s32 s3, s9;
	s6 =	sadd.s32 @!p0 $0x88, s6;
	s7 =	simm.s32 @p2 $0x1082  }
0x22: {  	[simem:s7], [sflag:s8] =	dma.local @!p0 [hbm:s6], $0xF7A  }
0x23: {  	s9 =	sor.u32 $0xD0000000, s2;
	s6 =	simm.s32 $0x108;
	_ =	swait.ge @!p0 [sflag:s8], $0x0  }
0x24: {  	s3 =	sadd.s32 $0x88, s3;
	s6 =	simm.s32 @!p1 $0x1082;
	[sflag:s4] =	ssyncset.s32 $0xFFFFF086  }
0x25: {  	[simem:s6], [sflag:s4] =	dma.local [hbm:s3], $0xF7A  }
0x26: {  	[smem:$0x3F97] =	sst s1;
	(tag) =	ssettag s2;
	_ =	strace s9  }
0x27: {  	s1 =	sld [smem:$0x3FA7]  }
0x28: {  	s2 =	sld [smem:$0x3FA8]  }
0x29: {  	s4 =	sld [smem:$0x3FAA]  }
0x2a: {  	p0 =	seq.s32 s5, $0x0;
	s5 =	sld [smem:$0x3FAB]  }
0x2b: {  	s6 =	sld [smem:$0x3FAC]  }
0x2c: {  	s7 =	sld [smem:$0x3FAD]  }
0x2d: {  	s3 =	simm.s32 $0x108;
	s8 =	sld [smem:$0x3FAE]  }
0x2e: {  	s3 =	simm.s32 @!p0 $0x1082;
	s9 =	sld [smem:$0x3FAF]  }
0x2f: {  	lr =	sadd.s32 s0, s3;
	s0 =	sld [smem:$0x3FA6]  }
0x30: {  	s3 =	sld [smem:$0x3FA9]  }
0x31: {  	[smem:$0x3FB2] =	sst s10  }
0x32: {  	s10 =	sld [smem:$0x3FB0];
	_ =	sdelay $0x3  }
0x33: {  	p0 =	seq.s32 s10, $0x1;
	s10 =	sld [smem:$0x3FB2];
	_ =	sdelay $0x3  }
0x34: {  	[smem:$0x3FB2] =	sst s10  }
0x35: {  	s10 =	sld [smem:$0x3FB1];
	_ =	sdelay $0x3  }
0x36: {  	p1 =	seq.s32 s10, $0x1;
	s10 =	sld [smem:$0x3FB2];
	_ =	sdelay $0x3  }
0x37: {  	[smem:$0x3FB2] =	sst s10  }
0x38: {  	s10 =	sld [smem:$0x3FB3]  }
0x39: {  	_ = 	snop;
	(pc) =	sbr.ind lr, $3  }
0x3a: {  	_ = 	snop  }
0x3b: {  	_ = 	snop  }
0x3c: {  	p2 =	seq.s32 s10, $0x1;
	s10 =	sld [smem:$0x3FB2]  }
0x3d: {  	_ =	shalt  }
0x3e: {  	_ =	shalt  }
0x3f: {  	_ =	shalt  }
0x40: {  	_ =	shalt  }
0x41: {  	_ =	shalt  }
0x42: {  	_ =	shalt  }
0x43: {  	_ =	shalt  }
0x44: {  	_ =	shalt  }
0x45: {  	_ =	shalt  }
0x46: {  	_ =	shalt  }
0x47: {  	_ =	shalt  }
0x48: {  	_ =	shalt  }
0x49: {  	_ =	shalt  }
0x4a: {  	_ =	shalt  }
0x4b: {  	_ =	shalt  }
0x4c: {  	_ =	shalt  }
0x4d: {  	_ =	shalt  }
0x4e: {  	_ =	shalt  }
0x4f: {  	_ =	shalt  }
0x50: {  	_ =	shalt  }
0x51: {  	_ =	shalt  }
0x52: {  	_ =	shalt  }
0x53: {  	_ =	shalt  }
0x54: {  	_ =	shalt  }
0x55: {  	_ =	shalt  }
0x56: {  	_ =	shalt  }
0x57: {  	_ =	shalt  }
0x58: {  	_ =	shalt  }
0x59: {  	_ =	shalt  }
0x5a: {  	_ =	shalt  }
0x5b: {  	_ =	shalt  }
0x5c: {  	_ =	shalt  }
0x5d: {  	_ =	shalt  }
0x5e: {  	_ =	shalt  }
0x5f: {  	_ =	shalt  }
0x60: {  	_ =	shalt  }
0x61: {  	_ =	shalt  }
0x62: {  	_ =	shalt  }
0x63: {  	_ =	shalt  }
0x64: {  	_ =	shalt  }
0x65: {  	_ =	shalt  }
0x66: {  	_ =	shalt  }
0x67: {  	_ =	shalt  }
0x68: {  	_ =	shalt  }
0x69: {  	_ =	shalt  }
0x6a: {  	_ =	shalt  }
0x6b: {  	_ =	shalt  }
0x6c: {  	_ =	shalt  }
0x6d: {  	_ =	shalt  }
0x6e: {  	_ =	shalt  }
0x6f: {  	_ =	shalt  }
0x70: {  	_ =	shalt  }
0x71: {  	_ =	shalt  }
0x72: {  	_ =	shalt  }
0x73: {  	_ =	shalt  }
0x74: {  	_ =	shalt  }
0x75: {  	_ =	shalt  }
0x76: {  	_ =	shalt  }
0x77: {  	_ =	shalt  }
0x78: {  	_ =	shalt  }
0x79: {  	_ =	shalt  }
0x7a: {  	_ =	shalt  }
0x7b: {  	_ =	shalt  }
0x7c: {  	_ =	shalt  }
0x7d: {  	_ =	shalt  }
0x7e: {  	_ =	shalt  }
0x7f: {  	_ =	shalt  }
0x80: {  	_ =	shalt  }
0x81: {  	_ =	shalt  }
0x82: {  	_ =	shalt  }
0x83: {  	_ =	shalt  }
0x84: {  	_ =	shalt  }
0x85: {  	_ =	shalt  }
0x86: {  	_ =	shalt  }
0x87: {  	_ =	shalt  }
.Lfunc_end0:
.L_simem_size_0:
called_computation_lowered:
.L_overlay_start_0:
0x88: {  	s0 =	sld [smem:$0x3FD9]  }
0x89: {  	s1 =	sld [smem:$0x3FFE];
	_ =	sdelay $0x3  }
0x8a: {  	s0 =	sadd.s32 s1, s0  }
0x8b: {  	[smem:$0x3FBE] =	sst s0  }
0x8c: {  	_ = 	snop  }
0x8d: {  	(tm) =	ssettm $0x1  }
0x8e: {  	s15 =	sld [smem:$0x3FFB];
	_ =	sdelay $0x3  }
0x8f: {  	_ =	strace s15  }
0x90: {  	s0 =	sld [smem:$0x3FFC];
	_ =	sdelay $0x3  }
0x91: {  	_ =	strace s0  }
0x92: {  	s0 =	sld [smem:$0x3FFD];
	_ =	sdelay $0x3  }
0x93: {  	_ =	strace s0  }
0x94: {  	_ =	strace $0x8FFFFFFF  }
0x95: {  	s16 =	sld [smem:$0x3FDB];
	_ =	sdelay $0x1  }
0x96: {  	s17 =	simm.s32 $_scs_section_size  }
0x97: {  	s2 =	simm.s32 $_size__tile_overlayer_lowered;
	s3 =	simm.s32 $_tile_overlayer_lowered  }
0x98: {  	s20 =	simm.s32 $0x1BFF;
	s19 =	sshll.u32 s3, $0x1;
	s0 =	sadd.s32 s17, s16  }
0x99: {  	s4 =	simm.s32 $0x0;
	s18 =	sshll.u32 s2, $0x1;
	s2 =	sadd.s32 s19, s0  }
0x9a: {  	[timem:s4], [sflag:s20] =	dma.local [hbm:s2], s18  }
0x9b: {  	_ =	swait.ge [sflag:s20], s18  }
0x9c: {  	s1 =	ssub.s32 $0x0, s18;
	[sflag:s20] =	ssyncset.done $0x0  }
0x9d: {  	[sflag:s20] =	ssyncadd.s32 s1;
	_ =	sdelay $0x1  }
0x9e: {  	s21 =	simm.s32 $0x1B8B  }
0x9f: {  	_ =	swait.ge [sflag:s21], $0x1  }
0xa0: {  	[sflag:s21] =	ssyncset.done $0x0  }
0xa1: {  	s23 =	simm.s32 $0x1B8E;
	s22 =	sld [smem:$0x3FFE];
	[sflag:s21] =	ssyncadd.s32 $0xFFFFFFFF  }
0xa2: {  	s24 =	simm.s32 $execute0_lowered;
	[smem:$0x3FD2] =	sst s23  }
0xa3: {  	s2 =	sshll.u32 s24, $0x1;
	_ =	strace $0x80000046;
	[dreg:$0x1] =	wrdreg $0xFFFFFFFF  }
0xa4: {  	s25 =	simm.s32 $_size_execute0_lowered;
	s0 =	sadd.s32 s0, s2;
	[dreg:$0x0] =	wrdreg $0x0  }
0xa5: {  	s2 =	sshll.u32 s25, $0x1;
	[dreg:$0x2] =	wrdreg s0  }
0xa6: {  	[dreg:$0x3] =	wrdreg s2  }
0xa7: {  	[dreg:$0x4] =	wrdreg $0xC0  }
0xa8: {  	_ =	task [dreg:s4], $0x5FFFF  }
0xa9: {  	[dreg:$0x1] =	wrdreg $0xFFFFFFFF  }
0xaa: {  	[dreg:$0x0] =	wrdreg $0x60  }
0xab: {  	[dreg:$0x2] =	wrdreg s22  }
0xac: {  	[dreg:$0x3] =	wrdreg $0x9  }
0xad: {  	_ =	task.clear_ibuf [dreg:s4], $0x4FFFF;
	_ =	strace $0x90000046  }
0xae: {  	s26 =	simm.s32 $0x9;
	_ =	strace $0x80000048  }
0xaf: {  	_ =	swait.ge [sflag:s26], $0x1  }
0xb0: {  	[sflag:s26] =	ssyncadd.s32 $0xFFFFFFFF  }
0xb1: {  	_ =	strace $0x90000048  }
0xb2: {  	_ =	sfence  }
0xb3: {  	s28 =	sld [smem:$0x0];
	_ =	sdelay $0x1  }
0xb4: {  	s29 =	srdreg.scid  }
0xb5: {  	s30 =	sshll.u32 s29, $0xD;
	s31 =	sshrl.u32 s29, $0x2  }
0xb6: {  	s1 =	sand.u32 $0x1, s29;
	s2 =	sand.u32 $0x4000, s30;
	s0 =	sadd.s32 s31, s28  }
0xb7: {  	s1 =	sor.u32 s2, s1;
	s0 =	sshll.u32 s0, $0x11  }
0xb8: {  	s0 =	sor.u32 s0, s1  }
0xb9: {  	s0 =	sadd.s32 $0x8F2B, s0  }
0xba: {  	[sflag:s0] =	ssyncadd.remote.s32 $0x1  }
0xbb: {  	_ =	sfence.sel $0xFFFF  }
0xbc: {  	[dreg:$0x0] =	wrdreg $0xFFFFFFFF;
	(pc) =	sbr.abs _section_cstart, $3  }
0xbd: {  	[dreg:$0x1] =	wrdreg $0xFFFFFFFF  }
0xbe: {  	_ =	task.clear_ibuf [dreg:s4], $0x2FFFF;
	_ =	strace $0x9FFFFFFF  }
0xbf: {  	(tm) =	ssettm $0x7FFFFFFF  }
tec
execute0_lowered:
.L_overlay_start_1:
0x0: {  	(tag) =	ssettag $0x1  }
0x1: {  	s0 =	rddreg [dreg:$0x0]  }
0x2: {  	s14 =	stileid.u32;
	_ =	strace $0x80000047;
	s2 =	simm.s32 $0x1  }
0x3: {  	v1 =	vimm.s32 $0xFFFFFFFF;
	s1 =	smin.u32 s14, $0x4;
	[sflag:s2] =	ssyncpa.u1 $0x0  }
0x4: {  	s1 =	sadd.s32 s14, s1;
	[tilespmem:$0x10] =	vst v1  }
0x5: {  	v0 =	vimm.f32 $0.0e+00;
	p0 =	slt.u32 s14, $0x4;
	[tilespmem:$0x20] =	vst v1;
	s3 =	smul.u32 $0x1F40, s1;
	s1 =	simm.s32 $0x3E80  }
0x6: {  	[tilespmem:$0x30] =	vst v0;
	s1 =	simm.s32 @!p0 $0x1F40  }
0x7: {  	[tilespmem:$0x40] =	vst v0;
	s1 =	sadd.s32 s1, s3  }
0x8: {  	[tilespmem:$0x50] =	vst v0;
	s4 =	smin.u32 s1, $0x27100  }
0x9: {  	[tilespmem:$0x60] =	vst v1;
	s9 =	ssub.s32 s4, s3  }
0xa: {  	s7 =	simm.s32 $0x2;
	s8 =	simm.s32 $0x8;
	[tilespmem:$0x70] =	vst v1;
	p0 =	sgt.s32 s9, $0x0  }
0xb: {  	s31 =	simm.s32 $0x9;
	s16 =	simm.s32 $0x0;
	[tilespmem:$0x80] =	vst v1;
	s9 =	simm.s32 @!p0 $0x0  }
0xc: {  	s17 =	simm.s32 $0xF0;
	s18 =	simm.s32 $0xFFFFFFFF;
	v1 =	vimm.s32 $0x0;
	[tilespmem:$0xB0] =	vst v0;
	s5 =	smulhi.u32 $0x10624DD3, s9  }
0xd: {  	s19 =	simm.s32 $0xFFFFC280;
	s20 =	simm.s32 $0xFFFFFFFE;
	s21 =	simm.s32 $0xF;
	[tilespmem:$0x90] =	vst v1  }
0xe: {  	[tilespmem:$0xA0] =	vst v1;
	[sflag:s7] =	ssyncpa.u1 $0x0;
	s7 =	simm.s32 $0x7;
	s10 =	sshrl.u32 s5, $0x9  }
0xf: {  	s25 =	simm.s32 $0x0;
	[sflag:s7] =	ssyncpa.u1 $0x0;
	s11 =	smul.u32 $0x1F40, s10  }
0x10: {  	s24 =	simm.s32 $0x0;
	s6 =	sadd.s32 $0x1C000, s0;
	[sflag:s8] =	ssyncpa.u1 $0x0  }
.Ltmp0:
0x11: {  	s23 =	smov.u32 s3;
	p0 =	sne.s32 s9, s11;
	(pc) =	sbr.rel .LBB2_1-.Ltmp0, $4  }
0x12: {  	s1 =	sadd.s32 $0x508000, s0;
	[sflag:s31] =	ssyncpa.u1 $0x0;
	s2 =	simm.s32 @!p0 $0x0  }
0x13: {  	s5 =	sadd.s32 $0x17000, s0;
	p0 =	por $0x0, $0x0;
	s9 =	sadd.s32 s2, s10  }
0x14: {  	vm0 =	vmmov $0xffff;
	v2 =	vlaneseq.u32;
	s10 =	sshll.u32 s14, $0x1;
	s14 =	sshllo.u32 s14, $0x1;
	s11 =	sadd.s32 $0x1, s9  }
0x15: {  	vm1 =	vmxor vm1, vm1;
	vm2 =	vmmov $0x1;
	vm3 =	vcmask $0x3F3C;
	s12 =	sadd.s32 $0x2, s9;
	s13 =	sor.u32 $0x81, s10;
	s15 =	sor.u32 $0x80, s10  }
.LBB2_9:
0x16: {  	p1 =	slt.u32 s24, $0x3  }
0x17: {  	s0 =	simm.s32 @!p1 $0x2  }
0x18: {  	_ =	swait.ge @!p1 [sflag:s0], $0x1F40  }
0x19: {  	[sflag:s0] =	ssyncset.done @!p1 $0x0  }
0x1a: {  	[sflag:s0] =	ssyncadd.s32 @!p1 $0xFFFFE0C0;
	s0 =	simm.s32 @!p1 $0x9  }
0x1b: {  	_ =	swait.ge @!p1 [sflag:s0], $0x10  }
0x1c: {  	[sflag:s0] =	ssyncset.done @!p1 $0x0  }
0x1d: {  	[sflag:s0] =	ssyncadd.s32 @!p1 $0xFFFFFFF0;
	p1 =	sne.s32 s24, s12  }
.Ltmp1:
0x1e: {  	s2 =	sadd.s32 $0x1F40, s23;
	(pc) =	sbr.rel @!p1 .LBB2_10-.Ltmp1, $4  }
0x1f: {  	s22 =	smov.u32 s3;
	s31 =	sadd.s32 $0x1, s24;
	s17 =	sadd.s32 $0x1F40, s17  }
0x20: {  	s18 =	sadd.s32 $0x1, s18;
	s25 =	smov.u32 s23;
	p2 =	slt.s32 s2, s4  }
0x21: {  	p0 =	por !p0, !p0;
	s19 =	sadd.s32 $0x1F40, s19;
	s22 =	smov.u32 @p2 s2  }
0x22: {  	s20 =	sadd.s32 $0x1, s20;
	s23 =	smov.u32 s22;
	s24 =	smov.u32 s31  }
.LBB2_1:
0x23: {  	p1 =	sge.u32 s24, s9  }
0x24: {  	s0 =	smulhi.u32 @!p1 $0xAAAAAAAB, s24;
	_ =	sdelay $0x1  }
0x25: {  	s0 =	sshrl.u32 @!p1 s0, $0x1  }
0x26: {  	s0 =	smul.u32 @!p1 $0x3, s0;
	_ =	sdelay $0x1  }
0x27: {  	s0 =	ssub.s32 @!p1 s24, s0  }
0x28: {  	s0 =	smul.u32 @!p1 $0x7D00, s0;
	_ =	sdelay $0x1  }
0x29: {  	s2 =	sshrl.u32 @!p1 s23, $0x3;
	s0 =	sshrl.u32 @!p1 s0, $0x2  }
0x2a: {  	s22 =	sand.u32 @!p1 $0x7, s23;
	s2 =	sadd.s32 @!p1 s5, s2;
	s0 =	sadd.s32 @!p1 $0x100, s0  }
0x2b: {  	[tilespmem:s0], [sflag:$0x7] =	stream.linear.gather @!p1 [hbm4b:s2+s22], $0x1F40, $0x38;
	[tilespmem:$0x11A60] =	vst v63  }
0x2c: {  	s0 =	sadd.s32 $0xFFFFFFFF, s24  }
0x2d: {  	p1 =	sge.u32 s0, s9  }
.Ltmp2:
0x2e: {  	_ = 	snop;
	(pc) =	sbr.rel @p1 .LBB2_5-.Ltmp2, $1  }
0x2f: {  	_ =	sdelay $0x3  }
0x30: {  	s2 =	smulhi.u32 $0xAAAAAAAB, s0;
	_ =	sdelay $0x1  }
0x31: {  	s2 =	sshrl.u32 s2, $0x1  }
0x32: {  	s2 =	smul.u32 $0x3, s2;
	_ =	sdelay $0x1  }
0x33: {  	s2 =	ssub.s32 s0, s2  }
0x34: {  	s2 =	smul.u32 $0x7D00, s2  }
0x35: {  	_ =	swait.ge [sflag:s7], $0x1F40  }
0x36: {  	[sflag:s7] =	ssyncset.done $0x0;
	s2 =	sshrl.u32 s2, $0x2  }
0x37: {  	[sflag:s7] =	ssyncadd.s32 $0xFFFFE0C0;
	(ifvalue) =	ssetifvalue $0xFFFFFFFF;
	v3 =	vld.msk [tilespmem:s2+$0x100 ss:$0x1], $0xffff;
	_ =	sdelay $0x2  }
0x38: {  	s30 =	smulhi.u32 $0xAAAAAAAB, s18;
	p1 =	sne.s32 s24, $0x1  }
0x39: {  	v4 =	vimm.s32 @!p1 $0x0  }
0x3a: {  	s2 =	sshrl.u32 s30, $0x1;
	v4 =	vperm.xlane @!p1 v3, v4  }
0x3b: {  	s22 =	sshll.u32 s24, $0x4;
	s2 =	smul.u32 $0xFFFE8900, s2;
	vm4 =	vlt.u32 v3, $0x2800  }
0x3c: {  	s22 =	sand.u32 $0x10, s22;
	v3 =	vnsel vm4, $0xFFFFFFFE, v3;
	vm4 =	vlt.u32 @!p1 v4, $0x2800  }
0x3d: {  	s2 =	sshra.s32 s2, $0x2;
	[tilespmem:s22+$0x60] =	vst v3;
	v3 =	vnsel @!p1 vm4, $0xFFFFFFFE, v4  }
0x3e: {  	s28 =	sadd.s32 s2, s17;
	[tilespmem:$0x80] =	vst @!p1 v3  }
0x3f: {  	v3 =	vld.msk [tilespmem:s28+$0x0 ss:$0x1], $0xffff;
	_ =	sdelay $0x4  }
0x40: {  	(xrf1) =	vunique.msk.u32 $0xffff, v3;
	_ =	sdelay $0xd  }
0x41: {  	v4 =	vimm.s32 $0xFFFFFFFF;
	v5, _, _ =	vpop (xrf1)  }
0x42: {  	vm5 =	vne.s32 v3, v4;
	vm4 =	veq.s32 v5, v2  }
0x43: {  	vm6 =	vlt.u32 v3, $0x2800;
	vm4 =	vmand vm5, vm4  }
0x44: {  	vm4 =	vmand vm6, vm4  }
0x45: {  	v4 =	vnsel vm4, $0xFFFFFFFF, v3  }
0x46: {  	s31 =	sand.u32 $0x1, s0  }
0x47: {  	s0 =	simm.s32 $0x1F40;
	p1 =	seq.s32 s31, $0x1  }
0x48: {  	s0 =	simm.s32 @!p1 $0x0  }
0x49: {  	s26 =	sadd.s32 $0x7DF0, s0;
	(ifvalue) =	ssetifvalue $0xFFFFFFFF  }
0x4a: {  	v3 =	vperm.xlane v3, v1;
	[tilespmem:s26], [sflag:$0x8] =	stream.indirect_vreg.gather [hbm4b:s1+s16], $0x1, v4, vm0, $0x4038;
	v4 =	vnsel vm6, $0xFFFFFFFE, v4;
	[tilespmem:$0x11A60] =	vst v63  }
0x4b: {  	s2 =	simm.s32 $0x0;
	s22 =	sadd.s32 $0xFFFFFFF0, s28;
	[tilespmem:s28+$0x0] =	vst v4  }
.LBB2_3:
0x4c: {  	v4 =	vld.msk [tilespmem:s22+$0x0 ss:$0x1], $0xffff;
	s2 =	sadd.s32 $0x10, s2;
	v5 =	vmov v3;
	s28 =	smov.u32 s22  }
0x4d: {  	p1 =	slt.u32 s2, $0x1F30;
	_ =	sdelay $0x4  }
0x4e: {  	v3 =	vperm.xlane v4, v1;
	(xrf1) =	vunique.msk.u32 $0xffff, v4;
	_ =	sdelay $0xd  }
0x4f: {  	v6, _, _ =	vpop (xrf1)  }
0x50: {  	vm5 =	vne.s32 v4, v5;
	vm4 =	veq.s32 v6, v2  }
0x51: {  	vm6 =	vlt.u32 v4, $0x2800;
	vm4 =	vmand vm5, vm4  }
0x52: {  	vm4 =	vmand vm6, vm4  }
0x53: {  	v4 =	vnsel vm4, $0xFFFFFFFF, v4  }
.Ltmp3:
0x54: {  	v5 =	vnsel vm6, $0xFFFFFFFE, v4;
	(pc) =	sbr.rel @p1 .LBB2_3-.Ltmp3, $3  }
0x55: {  	_ =	sdelay $0x1  }
0x56: {  	s22 =	sadd.s32 $0xFFFFFFF0, s22;
	s26 =	sadd.s32 $0xFFFFFFF0, s26;
	(ifvalue) =	ssetifvalue $0xFFFFFFFF  }
0x57: {  	[tilespmem:s26], [sflag:$0x8] =	stream.indirect_vreg.gather [hbm4b:s1+s16], $0x1, v4, vm0, $0x4038;
	[tilespmem:s28+$0x0] =	vst v5  }
0x58: {  	s2 =	sshrl.u32 s25, $0x3  }
0x59: {  	s0 =	sadd.s32 $0x9D40, s0;
	s2 =	sadd.s32 s6, s2  }
0x5a: {  	[tilespmem:s0], [sflag:$0x8] =	stream.linear.gather [hbm:s2], $0x1F40, $0x38;
	[tilespmem:$0x11A60] =	vst v63  }
.LBB2_5:
0x5b: {  	p1 =	slt.u32 s24, $0x2  }
0x5c: {  	p2 =	sge.u32 @!p1 s24, s12  }
0x5d: {  	p1 =	por p1, p2  }
.Ltmp4:
0x5e: {  	_ = 	snop;
	(pc) =	sbr.rel @p1 .LBB2_9-.Ltmp4, $1  }
0x5f: {  	_ =	sdelay $0x3  }
0x60: {  	s0 =	sadd.s32 $0xFFFFFFFE, s24  }
0x61: {  	s2 =	smulhi.u32 $0xAAAAAAAB, s0;
	_ =	sdelay $0x1  }
0x62: {  	s2 =	sshrl.u32 s2, $0x1  }
0x63: {  	s2 =	smul.u32 $0x3, s2;
	_ =	sdelay $0x1  }
0x64: {  	s0 =	ssub.s32 s0, s2  }
0x65: {  	_ =	swait.ge [sflag:s8], $0x3E80;
	s0 =	smul.u32 $0x1F40, s0  }
0x66: {  	p1 =	sne.s32 s24, s11;
	[sflag:s8] =	ssyncset.done $0x0  }
0x67: {  	[sflag:s8] =	ssyncadd.s32 $0xFFFFC180;
	s2 =	sadd.s32 @!p1 $0x203F, s0  }
0x68: {  	[spmem:s13] =	stream.linear.scatter @!p1 [tilespmem:s2], [sflag:$0x1], $0x1, $0x38;
	[tilespmem:$0x11A60] =	vst v63  }
0x69: {  	s2 =	simm.s32 @!p1 $0x1  }
0x6a: {  	_ =	swait.ge @!p1 [sflag:s2], $0x1  }
0x6b: {  	s22 =	sshll.u32 s24, $0x4;
	[sflag:s2] =	ssyncset.done @!p1 $0x0  }
0x6c: {  	s25 =	sand.u32 $0x10, s22;
	[sflag:s2] =	ssyncadd.s32 @!p1 $0xFFFFFFFF  }
0x6d: {  	s2 =	sxor.u32 $0x10, s25;
	v4 =	vld [tilespmem:s25+$0x10]  }
0x6e: {  	v5 =	vld [tilespmem:s2+$0x60]  }
0x6f: {  	v3 =	vld [tilespmem:$0x80];
	_ =	sdelay $0x2  }
0x70: {  	(v2sf) =	vpush v4, $0x0  }
0x71: {  	(v2sf) =	vpush v5, $0x0  }
0x72: {  	(v2sf) =	vpush v3, $0x0;
	_ =	sdelay $0xc  }
0x73: {  	s22 =	spop (v2sf)  }
0x74: {  	s26 =	spop (v2sf)  }
0x75: {  	s28 =	spop (v2sf)  }
0x76: {  	p2 =	seq.s32 s22, s26;
	p3 =	seq.s32 s28, s22  }
0x77: {  	p3 =	por p2, p3  }
0x78: {  	s26 =	sand.u32 $0x1, s24;
	v4 =	vpsel p3, $0xFFFFFFFF, v4  }
0x79: {  	s29 =	smul.u32 $0x1F40, s26;
	[tilespmem:s25+$0x10] =	vst.msk $0x1, v4  }
0x7a: {  	v4 =	vld [tilespmem:$0x30]  }
0x7b: {  	v5 =	vld [tilespmem:s29+$0x9D40]  }
0x7c: {  	v6 =	vld [tilespmem:s25+$0x40];
	_ =	sdelay $0x3  }
0x7d: {  	vm4 =	vmmov vm1;
	v5 =	vadd.f32 v5, v4  }
0x7e: {  	vm5 =	vmmov vm2;
	vm4 =	vmmov @p2 vm2;
	s22 =	sshll.u32 s26, $0x4;
	v4 =	vadd.f32 v6, v4  }
0x7f: {  	s26 =	sor.u32 $0x11A40, s22;
	vm5 =	vmmov @p3 vm1;
	[tilespmem:s29+$0x9D40] =	vst.msk vm4, v5  }
0x80: {  	[tilespmem:s26+$0x0] =	vst.msk vm5, v4  }
0x81: {  	v4 =	vld [tilespmem:s29+$0x7DF0];
	_ =	sdelay $0x3  }
0x82: {  	v5 =	vimm.f32 $0.0e+00  }
0x83: {  	v4 =	vshift.insert v4, v5, s21  }
0x84: {  	s22 =	sor.u32 $0x40, s2  }
0x85: {  	[tilespmem:s22+$0x0] =	vst.msk $0x1, v4  }
0x86: {  	[tilespmem:s29+$0x7DFF] =	vst.msk $0x1, v5  }
0x87: {  	v4 =	vld [tilespmem:s0+$0x2030];
	_ =	sdelay $0x1  }
0x88: {  	s22 =	smulhi.u32 $0xAAAAAAAB, s20;
	s0 =	simm.s32 $0x1  }
0x89: {  	s0 =	simm.s32 @!p0 $0x0  }
0x8a: {  	s22 =	sshrl.u32 s22, $0x1;
	s0 =	smul.u32 $0x7D00, s0  }
0x8b: {  	s22 =	smul.u32 $0xFFFE8900, s22;
	v4 =	vshift.insert v4, v1, s21  }
0x8c: {  	s0 =	sshrl.u32 s0, $0x2  }
0x8d: {  	s22 =	sshra.s32 s22, $0x2;
	s30 =	sadd.s32 $0x9D40, s0;
	[tilespmem:s2+$0x10] =	vst.msk $0x1, v4  }
0x8e: {  	s22 =	sadd.s32 s22, s19;
	v6 =	vld [tilespmem:s30+$0x0]  }
0x8f: {  	v7 =	vld [tilespmem:s22+$0x0];
	_ =	sdelay $0x3  }
0x90: {  	v5 =	vadd.f32 v6, v5  }
0x91: {  	vm4 =	vne.s32 v7, $0xFFFFFFFF  }
0x92: {  	(xrf2) =	vadd.seg.scan.f32 vm4, v5;
	_ =	sdelay $0x3  }
0x93: {  	s31 =	sadd.s32 $0x5EC0, s0;
	v5 =	vperm.xlane v4, v1  }
0x94: {  	v6 =	vld [tilespmem:s31+$0x0]  }
0x95: {  	vm5 =	veq.s32 v7, v3;
	vm6 =	veq.s32 v7, v5  }
0x96: {  	vm7 =	vgt.u32 v7, $0xFFFFFFFD;
	vm6 =	vmor vm6, vm5  }
0x97: {  	vm6 =	vmor vm6, vm7  }
0x98: {  	v9 =	vld [tilespmem:$0xA0];
	v7 =	vsel vm6, $0xFFFFFFFF, v7  }
0x99: {  	v10 =	vld [tilespmem:$0x90];
	v6 =	vsel vm5, $0x0, v6;
	v8, _, _ =	vpop (xrf2)  }
0x9a: {  	v6 =	vadd.f32 v8, v6  }
0x9b: {  	s0 =	sadd.s32 $0xDBC0, s0  }
0x9c: {  	vm4 =	vmand vm4, vm3;
	[tilespmem:s0+$0x0] =	vst v6;
	(ifvalue) =	ssetifvalue $0xFFFFFFFF  }
0x9d: {  	vm6 =	veq.s32 v9, $0x1;
	[hbm4b:s1+s16] =	stream.indirect_vreg.scatter [tilespmem:s0], [sflag:$0x2], $0x1, v7, vm0, $0x4038;
	v7 =	vsel vm4, $0x0, v8;
	[tilespmem:$0x11A60] =	vst v63  }
0x9e: {  	s2 =	simm.s32 $0x0;
	s22 =	sadd.s32 $0x10, s22;
	vm4 =	vmor vm6, vm5;
	v6 =	vsel vm5, v8, v10;
	v7 =	vshift.insert v7, v0, s21  }
.LBB2_7:
0x9f: {  	v8 =	vld [tilespmem:s22+$0x0];
	s30 =	sadd.s32 $0x10, s30  }
0xa0: {  	s31 =	sadd.s32 $0x10, s31;
	v9 =	vld [tilespmem:s30+$0x0]  }
0xa1: {  	s2 =	sadd.s32 $0x10, s2;
	v10 =	vld [tilespmem:s31+$0x0]  }
0xa2: {  	p2 =	slt.u32 s2, $0x1F30;
	_ =	sdelay $0x2  }
0xa3: {  	v7 =	vadd.f32 v9, v7  }
0xa4: {  	vm5 =	vne.s32 v8, $0xFFFFFFFF  }
0xa5: {  	vm6 =	vmand vm5, vm3;
	(xrf2) =	vadd.seg.scan.f32 vm5, v7;
	_ =	sdelay $0x5  }
0xa6: {  	vm7 =	veq.s32 v8, v5;
	vm5 =	veq.s32 v8, v3  }
0xa7: {  	vm8 =	vgt.u32 v8, $0xFFFFFFFD;
	vm4 =	vmor vm4, vm5;
	vm7 =	vmor vm7, vm5  }
0xa8: {  	vm7 =	vmor vm7, vm8  }
0xa9: {  	v8 =	vsel vm7, $0xFFFFFFFF, v8  }
.Ltmp5:
0xaa: {  	v7 =	vsel vm5, $0x0, v10;
	v9, _, _ =	vpop (xrf2);
	(pc) =	sbr.rel @p2 .LBB2_7-.Ltmp5, $4  }
0xab: {  	v6 =	vsel vm5, v9, v6;
	v10 =	vadd.f32 v9, v7;
	v7 =	vsel vm6, $0x0, v9  }
0xac: {  	s0 =	sadd.s32 $0x10, s0;
	v7 =	vshift.insert v7, v0, s21  }
0xad: {  	s22 =	sadd.s32 $0x10, s22;
	[tilespmem:s0+$0x0] =	vst v10;
	(ifvalue) =	ssetifvalue $0xFFFFFFFF  }
0xae: {  	[hbm4b:s1+s16] =	stream.indirect_vreg.scatter [tilespmem:s0], [sflag:$0x2], $0x1, v8, vm0, $0x4038;
	[tilespmem:$0x11A60] =	vst v63  }
0xaf: {  	v3 =	vld [tilespmem:s29+$0xFAF0];
	_ =	sdelay $0x4  }
0xb0: {  	v3 =	vshift.insert v3, v0, s21  }
0xb1: {  	s0 =	simm.s32 $0x30  }
0xb2: {  	[tilespmem:s0+$0x0] =	vst.msk $0x1, v3  }
0xb3: {  	v3 =	vsel vm4, $0x1, v1;
	[tilespmem:$0x90] =	vst v6  }
0xb4: {  	s0 =	sadd.s32 @!p1 $0xFAFF, s29;
	[tilespmem:$0xA0] =	vst v3  }
0xb5: {  	[spmem:s14] =	stream.linear.scatter @!p1 [tilespmem:s0], [sflag:$0x1], $0x1, $0x38;
	[tilespmem:$0x11A60] =	vst v63  }
0xb6: {  	s0 =	simm.s32 @!p1 $0x1  }
0xb7: {  	v3 =	vmctz.xlane @!p1 vm4;
	_ =	swait.ge @!p1 [sflag:s0], $0x1  }
0xb8: {  	(v2sf) =	vpush @!p1 v4, $0x0  }
0xb9: {  	(v2sf) =	vpush @!p1 v3, $0x0;
	_ =	sdelay $0xd  }
0xba: {  	s2 =	spop @!p1 (v2sf)  }
0xbb: {  	s22 =	spop @!p1 (v2sf)  }
0xbc: {  	p2 =	sne.s32 @!p1 s28, s2;
	p3 =	slt.s32 @!p1 s22, $0xF  }
0xbd: {  	[sflag:s0] =	ssyncset.done @!p1 $0x0;
	p2 =	por p2, p1;
	p3 =	por !p3, p1  }
0xbe: {  	[sflag:s0] =	ssyncadd.s32 @!p1 $0xFFFFFFFF;
	v3 =	vimm.s32 @!p2 $0xFFFFFFFF;
	s22 =	simm.s32 @p3 $0xF  }
0xbf: {  	[tilespmem:$0x80] =	vst @!p2 v3;
	s2 =	sadd.s32 @!p1 $0x90, s22  }
0xc0: {  	[spmem:s10] =	stream.linear.scatter @!p1 [tilespmem:s2], [sflag:$0x1], $0x1, $0x38;
	[tilespmem:$0x11A60] =	vst v63  }
0xc1: {  	_ =	swait.ge @!p1 [sflag:s0], $0x1  }
0xc2: {  	[sflag:s0] =	ssyncset.done @!p1 $0x0  }
0xc3: {  	s2 =	simm.s32 @!p1 $0x80;
	[sflag:s0] =	ssyncadd.s32 @!p1 $0xFFFFFFFF  }
0xc4: {  	[spmem:s15] =	stream.linear.scatter @!p1 [tilespmem:s2], [sflag:$0x1], $0x1, $0x38;
	[tilespmem:$0x11A60] =	vst v63  }
0xc5: {  	_ =	swait.ge @!p1 [sflag:s0], $0x1  }
0xc6: {  	[sflag:s0] =	ssyncset.done @!p1 $0x0  }
0xc7: {  	[sflag:s0] =	ssyncadd.s32 @!p1 $0xFFFFFFFF;
	(ifvalue) =	ssetifvalue $0xFFFFFFFF;
	v3 =	vld [tilespmem:s25+$0x10];
	_ =	sdelay $0x3  }
.Ltmp6:
0xc8: {  	_ = 	snop;
	(pc) =	sbr.rel .LBB2_9-.Ltmp6, $3  }
0xc9: {  	_ =	sdelay $0x1  }
0xca: {  	(ifvalue) =	ssetifvalue $0xFFFFFFFF  }
0xcb: {  	[hbm4b:s1+s16] =	stream.indirect_vreg.scatter [tilespmem:s26], [sflag:$0x9], $0x1, v3, vm0, $0x4038;
	[tilespmem:$0x11A60] =	vst v63  }
.LBB2_10:
0xcc: {  	_ =	sfence.sel $0x180000  }
0xcd: {  	s0 =	simm.s32 $0x7;
	[bflag:$0x0] =	sbarrier.arrive $0xFFFF  }
0xce: {  	s26 =	simm.s32 $0x8;
	[sflag:s0] =	ssyncpa.u1 $0x1  }
0xcf: {  	s28 =	simm.s32 $0x9;
	[sflag:s26] =	ssyncpa.u1 $0x1  }
0xd0: {  	[sflag:s28] =	ssyncpa.u1 $0x1  }
0xd1: {  	_ =	sfence.stream.spmem  }
0xd2: {  	s29 =	simm.s32 $0x3;
	[bflag:$0x0] =	sbarrier.arrive $0xFFFF  }
0xd3: {  	s30 =	simm.s32 $0x4;
	[sflag:s29] =	ssyncpa.u1 $0x1  }
0xd4: {  	s31 =	simm.s32 $0x3C;
	s2 =	stileid.u32;
	[sflag:s30] =	ssyncpa.u1 $0x1  }
0xd5: {  	p0 =	sne.s32 s2, $0x0;
	[sflag:s31] =	ssyncpa.u1 $0x1  }
0xd6: {  	s0 =	simm.s32 @p0 $0x1;
	_ =	sfence @p0  }
0xd7: {  	[sflag:s0] =	ssyncpa.u1 @p0 $0x1;
	s0 =	simm.s32 @p0 $0x2  }
0xd8: {  	[sflag:s0] =	ssyncpa.u1 @p0 $0x1  }
0xd9: {  	_ =	strace @p0 $0x90000047  }
0xda: {  	[bflag:$0x2] =	sbarrier.arrive @p0 $0xFFFF  }
0xdb: {  	_ =	shalt @p0  }
.LBB2_11:
0xdc: {  	_ =	sfence.stream.spmem;
	s0 =	simm.s32 $0x5  }
0xdd: {  	s2 =	simm.s32 $0x80;
	s3 =	simm.s32 $0xC0;
	[sflag:s0] =	ssyncpa.u1 $0x0  }
0xde: {  	[tilespmem:s3], [sflag:$0x5] =	stream.linear.gather [spmem:s2], $0x20, $0x38;
	[tilespmem:$0x11A60] =	vst v63  }
0xdf: {  	s2 =	simm.s32 $0x0;
	s3 =	simm.s32 $0xE0  }
0xe0: {  	[tilespmem:s3], [sflag:$0x5] =	stream.linear.gather [spmem:s2], $0x20, $0x38;
	[tilespmem:$0x11A60] =	vst v63  }
.Ltmp7:
0xe1: {  	_ = 	snop;
	(pc) =	sbr.rel .LBB2_12-.Ltmp7, $4  }
0xe2: {  	_ =	swait.ge [sflag:s0], $0x40  }
0xe3: {  	[sflag:s0] =	ssyncset.done $0x0  }
0xe4: {  	s31 =	simm.s32 $0x6;
	[sflag:s0] =	ssyncadd.s32 $0xFFFFFFC0  }
0xe5: {  	s4 =	simm.s32 $0x0;
	[sflag:s31] =	ssyncpa.u1 $0x0  }
.LBB2_17:
0xe6: {  	p0 =	sgt.u32 s5, $0x27FF  }
0xe7: {  	s0 =	sshrl.u32 @!p0 s5, $0x3  }
0xe8: {  	s5 =	sand.u32 @!p0 $0x7, s5;
	s6 =	simm.s32 @!p0 $0xB0;
	s0 =	sadd.s32 @!p0 s1, s0  }
0xe9: {  	[tilespmem:s6], [sflag:$0x6] =	stream.linear.gather @!p0 [hbm4b:s0+s5], $0x1, $0x38;
	[tilespmem:$0x11A60] =	vst v63  }
0xea: {  	s0 =	simm.s32 @!p0 $0x6  }
0xeb: {  	_ =	swait.ge @!p0 [sflag:s0], $0x1  }
0xec: {  	[sflag:s0] =	ssyncset.done @!p0 $0x0  }
0xed: {  	[sflag:s0] =	ssyncadd.s32 @!p0 $0xFFFFFFFF  }
0xee: {  	v2 =	vmov @!p0 s4;
	v1 =	vld.msk @!p0 [tilespmem:$0xB0], $0x1;
	_ =	sdelay $0x3  }
0xef: {  	s0 =	simm.s32 @!p0 $0xE0  }
0xf0: {  	[tilespmem:v2+s0+$0x0], v1 =	vst.idx.ret.add.f32.msk @!p0 $0x1, v1  }
0xf1: {  	[tilespmem:s2+$0xC0] =	vst.msk $0x1, v0  }
0xf2: {  	v0 =	vld.msk [tilespmem:s4+$0xE0], $0x1;
	_ =	sdelay $0x4  }
0xf3: {  	[tilespmem:s2+$0xE0] =	vst.msk $0x1, v0;
	s2 =	sadd.s32 $0x1, s2  }
.LBB2_19:
0xf4: {  	s4 =	sadd.s32 $0x1, s4  }
0xf5: {  	p0 =	sne.s32 s4, $0x20  }
.Ltmp8:
0xf6: {  	_ = 	snop;
	(pc) =	sbr.rel @!p0 .LBB2_20-.Ltmp8, $1  }
0xf7: {  	_ =	sdelay $0x3  }
.LBB2_12:
0xf8: {  	v0 =	vld.msk [tilespmem:s4+$0xC0], $0x1;
	_ =	sdelay $0x4  }
0xf9: {  	(v2sf) =	vpush v0, $0x0;
	_ =	sdelay $0xe  }
0xfa: {  	s5 =	spop (v2sf)  }
0xfb: {  	p0 =	seq.s32 s5, $0xFFFFFFFF  }
.Ltmp9:
0xfc: {  	_ = 	snop;
	(pc) =	sbr.rel @p0 .LBB2_19-.Ltmp9, $1  }
0xfd: {  	_ =	sdelay $0x3  }
0xfe: {  	p0 =	slt.s32 s2, $0x1  }
.Ltmp10:
0xff: {  	_ = 	snop;
	(pc) =	sbr.rel @p0 .LBB2_17-.Ltmp10, $1  }
0x100: {  	_ =	sdelay $0x3  }
0x101: {  	s0 =	simm.s32 $0xC0;
	p0 =	por $0x0, $0x0  }
0x102: {  	v1 =	vld.msk @!p0 [tilespmem:s0+$0x0], $0x1;
	_ =	sdelay $0x4  }
0x103: {  	(v2sf) =	vpush @!p0 v1, $0x0;
	_ =	sdelay $0xd  }
0x104: {  	p2 =	sne.s32 s2, $0x1  }
.Ltmp11:
0x105: {  	s6 =	spop @!p0 (v2sf);
	(pc) =	sbr.rel @!p2 .LBB2_16-.Ltmp11, $4  }
0x106: {  	p1 =	seq.s32 @!p0 s5, s6  }
0x107: {  	s6 =	simm.s32 $0x0;
	p1 =	por !p1, p0  }
0x108: {  	s8 =	simm.s32 $0xFFFFFFFF;
	s6 =	simm.s32 @p1 $0xFFFFFFFF  }
0x109: {  	s7 =	simm.s32 $0x1;
	s6 =	smov.u32 @p0 s8  }
.LBB2_15:
0x10a: {  	s8 =	smov.u32 s6;
	p0 =	sne.s32 s6, $0xFFFFFFFF  }
0x10b: {  	s0 =	sadd.s32 $0x1, s0;
	s6 =	smov.u32 s7;
	s7 =	sadd.s32 $0x1, s7  }
0x10c: {  	p1 =	sne.s32 s2, s7;
	v1 =	vld.msk @!p0 [tilespmem:s0+$0x0], $0x1;
	_ =	sdelay $0x4  }
0x10d: {  	(v2sf) =	vpush @!p0 v1, $0x0;
	_ =	sdelay $0xe  }
.Ltmp12:
0x10e: {  	s9 =	spop @!p0 (v2sf);
	(pc) =	sbr.rel @p1 .LBB2_15-.Ltmp12, $4  }
0x10f: {  	p2 =	seq.s32 @!p0 s5, s9  }
0x110: {  	p2 =	por !p2, p0  }
0x111: {  	s6 =	simm.s32 @p2 $0xFFFFFFFF  }
0x112: {  	s6 =	smov.u32 @p0 s8  }
.LBB2_16:
0x113: {  	p0 =	sne.s32 s6, $0xFFFFFFFF  }
.Ltmp13:
0x114: {  	_ = 	snop;
	(pc) =	sbr.rel @!p0 .LBB2_17-.Ltmp13, $1  }
0x115: {  	_ =	sdelay $0x3  }
0x116: {  	v0 =	vld.msk [tilespmem:s4+$0xE0], $0x1;
	v1 =	vmov s6  }
.Ltmp14:
0x117: {  	_ = 	snop;
	(pc) =	sbr.rel .LBB2_19-.Ltmp14, $2  }
0x118: {  	_ =	sdelay $0x2  }
0x119: {  	[tilespmem:v1+s3+$0x0], v0 =	vst.idx.ret.add.f32.msk $0x1, v0  }
.LBB2_20:
0x11a: {  	p0 =	slt.s32 s2, $0x1  }
.Ltmp15:
0x11b: {  	_ = 	snop;
	(pc) =	sbr.rel @p0 .LBB2_24-.Ltmp15, $3  }
0x11c: {  	_ =	sdelay $0x1  }
0x11d: {  	s0 =	simm.s32 $0x6  }
0x11e: {  	s3 =	simm.s32 $0x0;
	[sflag:s0] =	ssyncpa.u1 $0x1  }
0x11f: {  	s0 =	simm.s32 $0xC0  }
0x120: {  	v0 =	vld.msk [tilespmem:s0+$0x0], $0x1;
	_ =	sdelay $0x4  }
0x121: {  	(v2sf) =	vpush v0, $0x0;
	_ =	sdelay $0xe  }
0x122: {  	s2 =	sadd.s32 $0xFFFFFFFF, s2;
	s4 =	spop (v2sf)  }
0x123: {  	p1 =	sne.s32 s2, $0x0;
	p0 =	sgt.u32 s4, $0x27FF  }
.Ltmp16:
0x124: {  	s5 =	sshrl.u32 @!p0 s4, $0x3;
	(pc) =	sbr.rel @!p1 .LBB2_23-.Ltmp16, $4  }
0x125: {  	s0 =	simm.s32 $0xE0;
	s4 =	sand.u32 @!p0 $0x7, s4;
	s5 =	sadd.s32 @!p0 s1, s5  }
0x126: {  	[hbm4b:s5+s4] =	stream.linear.scatter @!p0 [tilespmem:s0], [sflag:$0x5], $0x1, $0x38;
	[tilespmem:$0x11A60] =	vst v63  }
0x127: {  	s5 =	simm.s32 $0x0  }
0x128: {  	s4 =	simm.s32 $0xC1;
	s5 =	simm.s32 @!p0 $0x4  }
.LBB2_22:
0x129: {  	v0 =	vld.msk [tilespmem:s4+$0x0], $0x1;
	s2 =	sadd.s32 $0xFFFFFFFF, s2;
	s3 =	sadd.s32 s3, s5  }
0x12a: {  	p0 =	sne.s32 s2, $0x0;
	_ =	sdelay $0x3  }
0x12b: {  	(v2sf) =	vpush v0, $0x0;
	_ =	sdelay $0xe  }
.Ltmp17:
0x12c: {  	s6 =	spop (v2sf);
	(pc) =	sbr.rel @p0 .LBB2_22-.Ltmp17, $4  }
0x12d: {  	s5 =	simm.s32 $0x0;
	p1 =	sgt.u32 s6, $0x27FF  }
0x12e: {  	s0 =	sadd.s32 $0x1, s0;
	s5 =	simm.s32 @!p1 $0x4;
	s7 =	sshrl.u32 @!p1 s6, $0x3  }
0x12f: {  	s4 =	sadd.s32 $0x1, s4;
	s6 =	sand.u32 @!p1 $0x7, s6;
	s7 =	sadd.s32 @!p1 s1, s7  }
0x130: {  	[hbm4b:s7+s6] =	stream.linear.scatter @!p1 [tilespmem:s0], [sflag:$0x5], $0x1, $0x38;
	[tilespmem:$0x11A60] =	vst v63  }
.LBB2_23:
0x131: {  	s0 =	sadd.s32 s3, s5  }
0x132: {  	s3 =	sshrl.u32 s0, $0x2  }
.LBB2_24:
0x133: {  	s0 =	simm.s32 $0x5  }
0x134: {  	_ =	swait.ge [sflag:s0], s3  }
0x135: {  	s1 =	ssub.s32 $0x0, s3;
	[sflag:s0] =	ssyncset.done $0x0  }
0x136: {  	[sflag:s0] =	ssyncadd.s32 s1  }
0x137: {  	[sflag:s0] =	ssyncpa.u1 $0x1  }
0x138: {  	s29 =	simm.s32 $0x1;
	_ =	sfence  }
0x139: {  	s30 =	simm.s32 $0x2;
	[sflag:s29] =	ssyncpa.u1 $0x1  }
0x13a: {  	[sflag:s30] =	ssyncpa.u1 $0x1  }
0x13b: {  	_ =	strace $0x90000047  }
0x13c: {  	[bflag:$0x2] =	sbarrier.arrive $0xFFFF  }
0x13d: {  	s31 =	rddreg [dreg:$0x1]  }
0x13e: {  	s0 =	sadd.s32 $0x100000, s31  }
0x13f: {  	[sflag:s0] =	ssyncadd.tile.s32 $0x1;
	_ =	shalt  }
.Lfunc_end2:
_tile_overlayer_lowered:
.L_overlay_start_2:
0x140: {  	(tag) =	ssettag $0x2  }
0x141: {  	s0 =	rddreg [dreg:$0x0];
	s2 =	stileid.u32  }
0x142: {  	s1 =	rddreg [dreg:$0x1];
	p0 =	sne.s32 s2, $0x0  }
0x143: {  	s3 =	rddreg [dreg:$0x2];
	[bflag:$0x3] =	sbarrier.arrive $0xFFFF;
	s2 =	simm.s32 @!p0 $0x1C01  }
0x144: {  	[timem:s3], [sflag:s2] =	dma.local @!p0 [hbm:s0], s1  }
0x145: {  	s0 =	simm.s32 @!p0 $0x1  }
0x146: {  	_ =	swait.ge @!p0 [sflag:s0], s1  }
0x147: {  	s1 =	ssub.s32 @!p0 $0x0, s1;
	[sflag:s0] =	ssyncset.done @!p0 $0x0  }
0x148: {  	[sflag:s0] =	ssyncadd.s32 @!p0 s1  }
0x149: {  	[bflag:$0x3] =	sbarrier.arrive $0xFFFF  }
0x14a: {  	_ =	shalt  }

</sc_bundles>
